<compile_context>
chip_gen: v7x
topology: tpu7x:2x2x1
jax: 0.10.2.dev20260603
libtpu: 0.0.44.dev20260713+nightly
codegen_flags: <defaults>
</compile_context>

<pallas_src>
import functools

import jax
import jax.numpy as jnp
import numpy as np
from jax.experimental import pallas as pl

_EPS = 1e-5


def _conv_body(x_ref, w_ref, b_ref, m_ref, d_ref, g_ref, be_ref, y_ref, st_ref,
               *, norm_in):
    x = x_ref[...]
    if norm_in:
        x = jnp.maximum(g_ref[0] * ((x - m_ref[0]) / d_ref[0]) + be_ref[0], 0.0)
    y = jnp.dot(x, w_ref[...], preferred_element_type=jnp.float32) + b_ref[0]
    st_ref[0, 0, :] = jnp.sum(y, axis=0)
    y_ref[...] = y


def _conv(x, w, b, m, d, g, be, norm_in):
    mrows, cin = x.shape
    cout = w.shape[1]
    t = min(2048, mrows)
    grid = mrows // t
    y, st = pl.pallas_call(
        functools.partial(_conv_body, norm_in=norm_in),
        grid=(grid,),
        in_specs=[
            pl.BlockSpec((t, cin), lambda i: (i, 0)),
            pl.BlockSpec((cin, cout), lambda i: (0, 0)),
            pl.BlockSpec((1, cout), lambda i: (0, 0)),
            pl.BlockSpec((1, cin), lambda i: (0, 0)),
            pl.BlockSpec((1, cin), lambda i: (0, 0)),
            pl.BlockSpec((1, cin), lambda i: (0, 0)),
            pl.BlockSpec((1, cin), lambda i: (0, 0)),
        ],
        out_specs=[
            pl.BlockSpec((t, cout), lambda i: (i, 0)),
            pl.BlockSpec((1, 1, cout), lambda i: (i, 0, 0)),
        ],
        out_shape=[
            jax.ShapeDtypeStruct((mrows, cout), jnp.float32),
            jax.ShapeDtypeStruct((grid, 1, cout), jnp.float32),
        ],
    )(x, w, b, m, d, g, be)
    return y, st[:, 0, :]


def _sqdev_body(y_ref, m_ref, st_ref):
    dev = y_ref[...] - m_ref[0]
    st_ref[0, 0, :] = jnp.sum(dev * dev, axis=0)


def _sqdev(y, m):
    mrows, cout = y.shape
    t = min(2048, mrows)
    grid = mrows // t
    st = pl.pallas_call(
        _sqdev_body,
        grid=(grid,),
        in_specs=[
            pl.BlockSpec((t, cout), lambda i: (i, 0)),
            pl.BlockSpec((1, cout), lambda i: (0, 0)),
        ],
        out_specs=pl.BlockSpec((1, 1, cout), lambda i: (i, 0, 0)),
        out_shape=jax.ShapeDtypeStruct((grid, 1, cout), jnp.float32),
    )(y, m)
    return st[:, 0, :]


def _norm_max_body(y_ref, m_ref, d_ref, g_ref, be_ref, o_ref, *, kmax):
    x = jnp.maximum(g_ref[0] * ((y_ref[...] - m_ref[0]) / d_ref[0]) + be_ref[0],
                    0.0)
    t = x.shape[0]
    o_ref[...] = jnp.max(x.reshape(t // kmax, kmax, x.shape[1]), axis=1)


def _norm_max(y, m, d, g, be, kmax):
    mrows, cout = y.shape
    t = min(2048, mrows)
    grid = mrows // t
    return pl.pallas_call(
        functools.partial(_norm_max_body, kmax=kmax),
        grid=(grid,),
        in_specs=[
            pl.BlockSpec((t, cout), lambda i: (i, 0)),
            pl.BlockSpec((1, cout), lambda i: (0, 0)),
            pl.BlockSpec((1, cout), lambda i: (0, 0)),
            pl.BlockSpec((1, cout), lambda i: (0, 0)),
            pl.BlockSpec((1, cout), lambda i: (0, 0)),
        ],
        out_specs=pl.BlockSpec((t // kmax, cout), lambda i: (i, 0)),
        out_shape=jax.ShapeDtypeStruct((mrows // kmax, cout), jnp.float32),
    )(y, m, d, g, be)


def _fps(xyz, npoint):
    b, n, _ = xyz.shape
    bidx = jnp.arange(b)

    def body(carry, _):
        distance, farthest = carry
        centroid = xyz[bidx, farthest][:, None, :]
        d = jnp.sum((xyz - centroid) ** 2, -1)
        distance = jnp.minimum(distance, d)
        nxt = jnp.argmax(distance, -1).astype(jnp.int32)
        return (distance, nxt), farthest

    init = (jnp.full((b, n), 1e10, jnp.float32), jnp.zeros((b,), jnp.int32))
    _, idx = jax.lax.scan(body, init, None, length=npoint)
    return idx.T


def _gather(points, idx):
    b = points.shape[0]
    batch = jnp.arange(b).reshape((b,) + (1,) * (idx.ndim - 1))
    return points[batch, idx]


def _msg_layer(xyz_c, points_c, npoint, radii, nsamples, layer_params):
    xyz = xyz_c.transpose(0, 2, 1)
    points = points_c.transpose(0, 2, 1)
    b, n, _ = xyz.shape
    fps_idx = _fps(xyz, npoint)
    new_xyz = _gather(xyz, fps_idx)
    s_ = npoint
    outs = []
    for radius, k, convs in zip(radii, nsamples, layer_params):
        sqd = -2.0 * jnp.einsum('bnc,bmc->bnm', new_xyz, xyz)
        sqd = sqd + jnp.sum(new_xyz ** 2, -1)[:, :, None]
        sqd = sqd + jnp.sum(xyz ** 2, -1)[:, None, :]
        gidx = jnp.broadcast_to(jnp.arange(n, dtype=jnp.int32), (b, s_, n))
        gidx = jnp.where(sqd > radius ** 2, n, gidx)
        gidx = jnp.sort(gidx, axis=-1)[:, :, :k]
        gidx = jnp.where(gidx == n, gidx[:, :, :1], gidx)
        grouped_xyz = _gather(xyz, gidx) - new_xyz[:, :, None, :]
        x0 = jnp.concatenate([_gather(points, gidx), grouped_xyz], axis=-1)
        cin = x0.shape[-1]
        mrows = b * s_ * k
        x0 = x0.reshape(mrows, cin)
        m = jnp.zeros((1, cin), jnp.float32)
        d = jnp.ones((1, cin), jnp.float32)
        g = jnp.ones((1, cin), jnp.float32)
        be = jnp.zeros((1, cin), jnp.float32)
        y = x0
        u_stats = x0.reshape(b, s_, k, cin).transpose(0, 3, 2, 1)
        for li, (w, bb, gamma, beta) in enumerate(convs):
            y, _ = _conv(y, w.T, bb[None], m, d, g, be, norm_in=(li > 0))
            feat = (jnp.einsum('oc,bcks->boks', w, u_stats)
                    + bb[None, :, None, None])
            mean = jnp.sum(feat, axis=(0, 2, 3), keepdims=True) / mrows
            var = jnp.sum((feat - mean) ** 2, axis=(0, 2, 3),
                          keepdims=True) / mrows
            m = mean[0, :, 0, 0][None]
            d = jnp.sqrt(var + _EPS)[0, :, 0, 0][None]
            g = gamma[None]
            be = beta[None]
            if li < len(convs) - 1:
                yl = y.reshape(b, s_, k, -1).transpose(0, 3, 2, 1)
                u_stats = (yl - mean) / jnp.sqrt(var + _EPS)
                u_stats = gamma[None, :, None, None] * u_stats \
                    + beta[None, :, None, None]
                u_stats = jax.nn.relu(u_stats)
        out = _norm_max(y, m, d, g, be, k)
        outs.append(out.reshape(b, s_, -1))
    new_points = jnp.concatenate(outs, axis=-1)
    return new_xyz.transpose(0, 2, 1), new_points.transpose(0, 2, 1)


_SPECS = [(2048, [0.05, 0.1], [16, 32]), (512, [0.1, 0.2], [16, 32]),
          (128, [0.2, 0.4], [16, 32]), (64, [0.4, 0.8], [16, 32])]


def kernel(pc, params):
    xyz = pc[:, :3, :]
    pts = pc
    feats = []
    for (npoint, radii, nsamples), lp in zip(_SPECS, params):
        xyz, pts = _msg_layer(xyz, pts, npoint, radii, nsamples, lp)
        feats.append(pts.transpose(0, 2, 1))
    return tuple(feats)

# --- scband reference (transcript-rebuilt; emitter-appended) ---
"""Pipeline reference for scband-multi-scale-point-net2-encoder-78365973283331 (READ-ONLY COPY).

The authoritative reference and input builder live on the scoring server;
editing this copy changes nothing except your own understanding.
"""

import jax, jax.numpy as jnp
import numpy as np

B, N_PTS = 4, 8192
MLP_SPECS = [(2048, [0.05, 0.1], [16, 32], 3, [[16, 16, 32], [32, 32, 64]]), (512, [0.1, 0.2], [16, 32], 96, [[64, 64, 128], [64, 96, 128]]), (128, [0.2, 0.4], [16, 32], 256, [[128, 196, 256], [128, 196, 256]]), (64, [0.4, 0.8], [16, 32], 512, [[256, 256, 256], [256, 256, 256]])]

def make_params(key):
    params = []
    for (npoint, radii, nsamples, in_ch, mlps) in MLP_SPECS:
        layer = []
        for mlp in mlps:
            last = in_ch + 3
            convs = []
            for out_ch in mlp:
                key, k1 = jax.random.split(key)
                W = jax.random.normal(k1, (out_ch, last), jnp.float32) * (1.0 / np.sqrt(last))
                convs.append((W, jnp.zeros((out_ch,), jnp.float32), jnp.ones((out_ch,), jnp.float32), jnp.zeros((out_ch,), jnp.float32)))
                last = out_ch
            layer.append(convs)
        params.append(layer)
    return params

def square_distance(src, dst):
    d = -2.0 * jnp.einsum('bnc,bmc->bnm', src, dst)
    d = d + jnp.sum(src ** 2, -1)[:, :, None]
    d = d + jnp.sum(dst ** 2, -1)[:, None, :]
    return d

def farthest_point_sample(xyz, npoint):
    xyz = jax.lax.stop_gradient(xyz)
    Bb, Nn, _ = xyz.shape
    bidx = jnp.arange(Bb)
    def body(carry, _):
        distance, farthest = carry
        centroid = xyz[bidx, farthest][:, None, :]
        d = jnp.sum((xyz - centroid) ** 2, -1)
        distance = jnp.minimum(distance, d)
        nxt = jnp.argmax(distance, -1).astype(jnp.int32)
        return (distance, nxt), farthest
    init = (jnp.full((Bb, Nn), 1e10, jnp.float32), jnp.zeros((Bb,), jnp.int32))
    _, idx = jax.lax.scan(body, init, None, length=npoint)
    return idx.T

def index_points(points, idx):
    Bb = points.shape[0]
    batch = jnp.arange(Bb).reshape((Bb,) + (1,) * (idx.ndim - 1))
    return points[batch, idx]

def query_ball_point(radius, nsample, xyz, new_xyz):
    Bb, Nn, _ = xyz.shape
    S = new_xyz.shape[1]
    sqrdists = square_distance(new_xyz, xyz)
    group_idx = jnp.broadcast_to(jnp.arange(Nn, dtype=jnp.int32), (Bb, S, Nn))
    group_idx = jnp.where(sqrdists > radius ** 2, Nn, group_idx)
    group_idx = jnp.sort(group_idx, axis=-1)[:, :, :nsample]
    group_first = group_idx[:, :, :1]
    group_idx = jnp.where(group_idx == Nn, group_first, group_idx)
    return group_idx

def msg_layer(xyz, points, npoint, radii, nsamples, layer_params):
    xyz_t = xyz.transpose(0, 2, 1)
    points_t = points.transpose(0, 2, 1)
    fps_idx = farthest_point_sample(xyz_t, npoint)
    new_xyz = index_points(xyz_t, fps_idx)
    outs = []
    for radius, K, convs in zip(radii, nsamples, layer_params):
        group_idx = query_ball_point(radius, K, xyz_t, new_xyz)
        grouped_xyz = index_points(xyz_t, group_idx) - new_xyz[:, :, None, :]
        grouped_points = jnp.concatenate([index_points(points_t, group_idx), grouped_xyz], axis=-1)
        feat = grouped_points.transpose(0, 3, 2, 1)
        for (W, bb, gamma, beta) in convs:
            feat = jnp.einsum('oc,bcks->boks', W, feat) + bb[None, :, None, None]
            mean = feat.mean(axis=(0, 2, 3), keepdims=True)
            var = feat.var(axis=(0, 2, 3), keepdims=True)
            feat = (feat - mean) / jnp.sqrt(var + 1e-5)
            feat = gamma[None, :, None, None] * feat + beta[None, :, None, None]
            feat = jax.nn.relu(feat)
        outs.append(jnp.max(feat, axis=2))
    new_points = jnp.concatenate(outs, axis=1)
    return new_xyz.transpose(0, 2, 1), new_points

def forward(pc, params):
    xyz = pc[:, :3, :]
    pts = pc
    feats = []
    for (npoint, radii, nsamples, in_ch, mlps), lp in zip(MLP_SPECS, params):
        xyz, pts = msg_layer(xyz, pts, npoint, radii, nsamples, lp)
        feats.append(pts.transpose(0, 2, 1))
    return tuple(feats)

def setup_inputs(seed: int = 0):
    key = jax.random.key(seed)
    k1, k2 = jax.random.split(key)
    pc = jax.random.normal(k1, (B, 3, N_PTS), jnp.float32)
    params = make_params(k2)
    return {'pc': pc, 'params': params}

def reference(pc, params):
    return forward(pc, params)

if __name__ == "__main__":
    import jax
    _d = setup_inputs()
    print(jax.jit(kernel)(*tuple(_d.values())))

</pallas_src>

<mosaic_0001>
module attributes {stable_mosaic.version = 14 : i64} {
  func.func @_conv_body(%arg0: i32, %arg1: memref<2048x6xf32, #tpu.memory_space<vmem>>, %arg2: memref<6x16xf32, #tpu.memory_space<vmem>>, %arg3: memref<1x16xf32, #tpu.memory_space<vmem>>, %arg4: memref<1x6xf32, #tpu.memory_space<vmem>>, %arg5: memref<1x6xf32, #tpu.memory_space<vmem>>, %arg6: memref<1x6xf32, #tpu.memory_space<vmem>>, %arg7: memref<1x6xf32, #tpu.memory_space<vmem>>, %arg8: memref<2048x16xf32, #tpu.memory_space<vmem>>, %arg9: memref<1x1x16xf32, #tpu.memory_space<vmem>>) attributes {dimension_semantics = [#tpu.dimension_semantics<arbitrary>], iteration_bounds = array<i64: 64>, scalar_prefetch = 0 : i64, scratch_operands = 0 : i64, tpu.core_type = #tpu.core_type<tc>, window_params = [{transform_indices = @transform_0, window_bounds = array<i64: 2048, 6>}, {pipeline_mode = #tpu.pipeline_mode<synchronous>, transform_indices = @transform_1, window_bounds = array<i64: 6, 16>}, {pipeline_mode = #tpu.pipeline_mode<synchronous>, transform_indices = @transform_2, window_bounds = array<i64: 1, 16>}, {pipeline_mode = #tpu.pipeline_mode<synchronous>, transform_indices = @transform_3, window_bounds = array<i64: 1, 6>}, {pipeline_mode = #tpu.pipeline_mode<synchronous>, transform_indices = @transform_4, window_bounds = array<i64: 1, 6>}, {pipeline_mode = #tpu.pipeline_mode<synchronous>, transform_indices = @transform_5, window_bounds = array<i64: 1, 6>}, {pipeline_mode = #tpu.pipeline_mode<synchronous>, transform_indices = @transform_6, window_bounds = array<i64: 1, 6>}, {transform_indices = @transform_7, window_bounds = array<i64: 2048, 16>}, {transform_indices = @transform_8, window_bounds = array<i64: 1, 1, 16>}]} {
    %get3A = arith.constant 0 : index
    %get3A_0 = arith.constant 0 : index
    %get3A_1 = vector.load %arg1[%get3A, %get3A_0] : memref<2048x6xf32, #tpu.memory_space<vmem>>, vector<2048x6xf32>
    %get3A_2 = arith.constant 0 : index
    %get3A_3 = arith.constant 0 : index
    %get3A_4 = vector.load %arg2[%get3A_2, %get3A_3] : memref<6x16xf32, #tpu.memory_space<vmem>>, vector<6x16xf32>
    %dot_general3A = arith.constant dense<0.000000e+00> : vector<2048x16xf32>
    %dot_general3A_5 = tpu.matmul %get3A_1, %get3A_4, %dot_general3A {dimension_numbers = #tpu.dot_dimension_numbers<[1], [0], [0], [1], [0, 0, 1, 1], [], []>, transpose_lhs_hint = false} : vector<2048x6xf32>, vector<6x16xf32>, vector<2048x16xf32> -> vector<2048x16xf32>
    %get3A_6 = arith.constant 0 : index
    %get3A_7 = arith.constant 0 : index
    %get3A_8 = vector.load %arg3[%get3A_6, %get3A_7] : memref<1x16xf32, #tpu.memory_space<vmem>>, vector<1x16xf32>
    %get3A_9 = vector.shape_cast %get3A_8 : vector<1x16xf32> to vector<16xf32>
    %broadcast_in_dim3A = vector.shape_cast %get3A_9 : vector<16xf32> to vector<1x16xf32>
    %add3A = vector.broadcast %broadcast_in_dim3A : vector<1x16xf32> to vector<2048x16xf32>
    %add3A_10 = arith.addf %dot_general3A_5, %add3A : vector<2048x16xf32>
    %reduce_sum3A = arith.constant dense<0.000000e+00> : vector<16xf32>
    %reduce_sum3A_11 = vector.multi_reduction <add>, %add3A_10, %reduce_sum3A [0] : vector<2048x16xf32> to vector<16xf32>
    %swap3A = arith.constant 0 : index
    %swap3A_12 = arith.constant 0 : index
    %swap3A_13 = arith.constant 0 : index
    %swap3A_14 = vector.load %arg9[%swap3A, %swap3A_12, %swap3A_13] : memref<1x1x16xf32, #tpu.memory_space<vmem>>, vector<1x1x16xf32>
    %swap3A_15 = vector.shape_cast %swap3A_14 : vector<1x1x16xf32> to vector<16xf32>
    %swap3A_16 = vector.shape_cast %reduce_sum3A_11 : vector<16xf32> to vector<1x1x16xf32>
    tpu.vector_store %arg9[%swap3A, %swap3A_12, %swap3A_13], %swap3A_16 {strides = array<i32>} : memref<1x1x16xf32, #tpu.memory_space<vmem>>, vector<1x1x16xf32>,
    %swap3A_17 = arith.constant 0 : index
    %swap3A_18 = arith.constant 0 : index
    %swap3A_19 = vector.load %arg8[%swap3A_17, %swap3A_18] : memref<2048x16xf32, #tpu.memory_space<vmem>>, vector<2048x16xf32>
    tpu.vector_store %arg8[%swap3A_17, %swap3A_18], %add3A_10 {strides = array<i32>} : memref<2048x16xf32, #tpu.memory_space<vmem>>, vector<2048x16xf32>,
    return
  }
  func.func @transform_0(%arg0: i32) -> (i32, i32) {
    %c0_i32 = arith.constant 0 : i32
    %c0_i32_0 = arith.constant 0 : i32
    return %arg0, %c0_i32 : i32, i32
  }
  func.func @transform_1(%arg0: i32) -> (i32, i32) {
    %c0_i32 = arith.constant 0 : i32
    %c0_i32_0 = arith.constant 0 : i32
    %c0_i32_1 = arith.constant 0 : i32
    return %c0_i32, %c0_i32_0 : i32, i32
  }
  func.func @transform_2(%arg0: i32) -> (i32, i32) {
    %c0_i32 = arith.constant 0 : i32
    %c0_i32_0 = arith.constant 0 : i32
    %c0_i32_1 = arith.constant 0 : i32
    return %c0_i32, %c0_i32_0 : i32, i32
  }
  func.func @transform_3(%arg0: i32) -> (i32, i32) {
    %c0_i32 = arith.constant 0 : i32
    %c0_i32_0 = arith.constant 0 : i32
    %c0_i32_1 = arith.constant 0 : i32
    return %c0_i32, %c0_i32_0 : i32, i32
  }
  func.func @transform_4(%arg0: i32) -> (i32, i32) {
    %c0_i32 = arith.constant 0 : i32
    %c0_i32_0 = arith.constant 0 : i32
    %c0_i32_1 = arith.constant 0 : i32
    return %c0_i32, %c0_i32_0 : i32, i32
  }
  func.func @transform_5(%arg0: i32) -> (i32, i32) {
    %c0_i32 = arith.constant 0 : i32
    %c0_i32_0 = arith.constant 0 : i32
    %c0_i32_1 = arith.constant 0 : i32
    return %c0_i32, %c0_i32_0 : i32, i32
  }
  func.func @transform_6(%arg0: i32) -> (i32, i32) {
    %c0_i32 = arith.constant 0 : i32
    %c0_i32_0 = arith.constant 0 : i32
    %c0_i32_1 = arith.constant 0 : i32
    return %c0_i32, %c0_i32_0 : i32, i32
  }
  func.func @transform_7(%arg0: i32) -> (i32, i32) {
    %c0_i32 = arith.constant 0 : i32
    %c0_i32_0 = arith.constant 0 : i32
    return %arg0, %c0_i32 : i32, i32
  }
  func.func @transform_8(%arg0: i32) -> (i32, i32, i32) {
    %c0_i32 = arith.constant 0 : i32
    %c0_i32_0 = arith.constant 0 : i32
    %c0_i32_1 = arith.constant 0 : i32
    return %arg0, %c0_i32, %c0_i32_0 : i32, i32, i32
  }
}

module attributes {stable_mosaic.version = 14 : i64} {
  func.func @_conv_body(%arg0: i32, %arg1: memref<2048x16xf32, #tpu.memory_space<vmem>>, %arg2: memref<16x16xf32, #tpu.memory_space<vmem>>, %arg3: memref<1x16xf32, #tpu.memory_space<vmem>>, %arg4: memref<1x16xf32, #tpu.memory_space<vmem>>, %arg5: memref<1x16xf32, #tpu.memory_space<vmem>>, %arg6: memref<1x16xf32, #tpu.memory_space<vmem>>, %arg7: memref<1x16xf32, #tpu.memory_space<vmem>>, %arg8: memref<2048x16xf32, #tpu.memory_space<vmem>>, %arg9: memref<1x1x16xf32, #tpu.memory_space<vmem>>) attributes {dimension_semantics = [#tpu.dimension_semantics<arbitrary>], iteration_bounds = array<i64: 64>, scalar_prefetch = 0 : i64, scratch_operands = 0 : i64, tpu.core_type = #tpu.core_type<tc>, window_params = [{transform_indices = @transform_0, window_bounds = array<i64: 2048, 16>}, {pipeline_mode = #tpu.pipeline_mode<synchronous>, transform_indices = @transform_1, window_bounds = array<i64: 16, 16>}, {pipeline_mode = #tpu.pipeline_mode<synchronous>, transform_indices = @transform_2, window_bounds = array<i64: 1, 16>}, {pipeline_mode = #tpu.pipeline_mode<synchronous>, transform_indices = @transform_3, window_bounds = array<i64: 1, 16>}, {pipeline_mode = #tpu.pipeline_mode<synchronous>, transform_indices = @transform_4, window_bounds = array<i64: 1, 16>}, {pipeline_mode = #tpu.pipeline_mode<synchronous>, transform_indices = @transform_5, window_bounds = array<i64: 1, 16>}, {pipeline_mode = #tpu.pipeline_mode<synchronous>, transform_indices = @transform_6, window_bounds = array<i64: 1, 16>}, {transform_indices = @transform_7, window_bounds = array<i64: 2048, 16>}, {transform_indices = @transform_8, window_bounds = array<i64: 1, 1, 16>}]} {
    %get3A = arith.constant 0 : index
    %get3A_0 = arith.constant 0 : index
    %get3A_1 = vector.load %arg1[%get3A, %get3A_0] : memref<2048x16xf32, #tpu.memory_space<vmem>>, vector<2048x16xf32>
    %get3A_2 = arith.constant 0 : index
    %get3A_3 = arith.constant 0 : index
    %get3A_4 = vector.load %arg6[%get3A_2, %get3A_3] : memref<1x16xf32, #tpu.memory_space<vmem>>, vector<1x16xf32>
    %get3A_5 = vector.shape_cast %get3A_4 : vector<1x16xf32> to vector<16xf32>
    %get3A_6 = arith.constant 0 : index
    %get3A_7 = arith.constant 0 : index
    %get3A_8 = vector.load %arg4[%get3A_6, %get3A_7] : memref<1x16xf32, #tpu.memory_space<vmem>>, vector<1x16xf32>
    %get3A_9 = vector.shape_cast %get3A_8 : vector<1x16xf32> to vector<16xf32>
    %broadcast_in_dim3A = vector.shape_cast %get3A_9 : vector<16xf32> to vector<1x16xf32>
    %sub3A = vector.broadcast %broadcast_in_dim3A : vector<1x16xf32> to vector<2048x16xf32>
    %sub3A_10 = arith.subf %get3A_1, %sub3A : vector<2048x16xf32>
    %get3A_11 = arith.constant 0 : index
    %get3A_12 = arith.constant 0 : index
    %get3A_13 = vector.load %arg5[%get3A_11, %get3A_12] : memref<1x16xf32, #tpu.memory_space<vmem>>, vector<1x16xf32>
    %get3A_14 = vector.shape_cast %get3A_13 : vector<1x16xf32> to vector<16xf32>
    %broadcast_in_dim3A_15 = vector.shape_cast %get3A_14 : vector<16xf32> to vector<1x16xf32>
    %div3A = vector.broadcast %broadcast_in_dim3A_15 : vector<1x16xf32> to vector<2048x16xf32>
    %div3A_16 = arith.divf %sub3A_10, %div3A : vector<2048x16xf32>
    %broadcast_in_dim3A_17 = vector.shape_cast %get3A_5 : vector<16xf32> to vector<1x16xf32>
    %mul3A = vector.broadcast %broadcast_in_dim3A_17 : vector<1x16xf32> to vector<2048x16xf32>
    %mul3A_18 = arith.mulf %mul3A, %div3A_16 : vector<2048x16xf32>
    %get3A_19 = arith.constant 0 : index
    %get3A_20 = arith.constant 0 : index
    %get3A_21 = vector.load %arg7[%get3A_19, %get3A_20] : memref<1x16xf32, #tpu.memory_space<vmem>>, vector<1x16xf32>
    %get3A_22 = vector.shape_cast %get3A_21 : vector<1x16xf32> to vector<16xf32>
    %broadcast_in_dim3A_23 = vector.shape_cast %get3A_22 : vector<16xf32> to vector<1x16xf32>
    %add3A = vector.broadcast %broadcast_in_dim3A_23 : vector<1x16xf32> to vector<2048x16xf32>
    %add3A_24 = arith.addf %mul3A_18, %add3A : vector<2048x16xf32>
    %max3A = arith.constant 0.000000e+00 : f32
    %max3A_25 = vector.broadcast %max3A : f32 to vector<2048x16xf32>
    %max3A_26 = arith.maximumf %add3A_24, %max3A_25 : vector<2048x16xf32>
    %get3A_27 = arith.constant 0 : index
    %get3A_28 = arith.constant 0 : index
    %get3A_29 = vector.load %arg2[%get3A_27, %get3A_28] : memref<16x16xf32, #tpu.memory_space<vmem>>, vector<16x16xf32>
    %dot_general3A = arith.constant dense<0.000000e+00> : vector<2048x16xf32>
    %dot_general3A_30 = tpu.matmul %max3A_26, %get3A_29, %dot_general3A {dimension_numbers = #tpu.dot_dimension_numbers<[1], [0], [0], [1], [0, 0, 1, 1], [], []>, transpose_lhs_hint = false} : vector<2048x16xf32>, vector<16x16xf32>, vector<2048x16xf32> -> vector<2048x16xf32>
    %get3A_31 = arith.constant 0 : index
    %get3A_32 = arith.constant 0 : index
    %get3A_33 = vector.load %arg3[%get3A_31, %get3A_32] : memref<1x16xf32, #tpu.memory_space<vmem>>, vector<1x16xf32>
    %get3A_34 = vector.shape_cast %get3A_33 : vector<1x16xf32> to vector<16xf32>
    %broadcast_in_dim3A_35 = vector.shape_cast %get3A_34 : vector<16xf32> to vector<1x16xf32>
    %add3A_36 = vector.broadcast %broadcast_in_dim3A_35 : vector<1x16xf32> to vector<2048x16xf32>
    %add3A_37 = arith.addf %dot_general3A_30, %add3A_36 : vector<2048x16xf32>
    %reduce_sum3A = arith.constant dense<0.000000e+00> : vector<16xf32>
    %reduce_sum3A_38 = vector.multi_reduction <add>, %add3A_37, %reduce_sum3A [0] : vector<2048x16xf32> to vector<16xf32>
    %swap3A = arith.constant 0 : index
    %swap3A_39 = arith.constant 0 : index
    %swap3A_40 = arith.constant 0 : index
    %swap3A_41 = vector.load %arg9[%swap3A, %swap3A_39, %swap3A_40] : memref<1x1x16xf32, #tpu.memory_space<vmem>>, vector<1x1x16xf32>
    %swap3A_42 = vector.shape_cast %swap3A_41 : vector<1x1x16xf32> to vector<16xf32>
    %swap3A_43 = vector.shape_cast %reduce_sum3A_38 : vector<16xf32> to vector<1x1x16xf32>
    tpu.vector_store %arg9[%swap3A, %swap3A_39, %swap3A_40], %swap3A_43 {strides = array<i32>} : memref<1x1x16xf32, #tpu.memory_space<vmem>>, vector<1x1x16xf32>,
    %swap3A_44 = arith.constant 0 : index
    %swap3A_45 = arith.constant 0 : index
    %swap3A_46 = vector.load %arg8[%swap3A_44, %swap3A_45] : memref<2048x16xf32, #tpu.memory_space<vmem>>, vector<2048x16xf32>
    tpu.vector_store %arg8[%swap3A_44, %swap3A_45], %add3A_37 {strides = array<i32>} : memref<2048x16xf32, #tpu.memory_space<vmem>>, vector<2048x16xf32>,
    return
  }
  func.func @transform_0(%arg0: i32) -> (i32, i32) {
    %c0_i32 = arith.constant 0 : i32
    %c0_i32_0 = arith.constant 0 : i32
    return %arg0, %c0_i32 : i32, i32
  }
  func.func @transform_1(%arg0: i32) -> (i32, i32) {
    %c0_i32 = arith.constant 0 : i32
    %c0_i32_0 = arith.constant 0 : i32
    %c0_i32_1 = arith.constant 0 : i32
    return %c0_i32, %c0_i32_0 : i32, i32
  }
  func.func @transform_2(%arg0: i32) -> (i32, i32) {
    %c0_i32 = arith.constant 0 : i32
    %c0_i32_0 = arith.constant 0 : i32
    %c0_i32_1 = arith.constant 0 : i32
    return %c0_i32, %c0_i32_0 : i32, i32
  }
  func.func @transform_3(%arg0: i32) -> (i32, i32) {
    %c0_i32 = arith.constant 0 : i32
    %c0_i32_0 = arith.constant 0 : i32
    %c0_i32_1 = arith.constant 0 : i32
    return %c0_i32, %c0_i32_0 : i32, i32
  }
  func.func @transform_4(%arg0: i32) -> (i32, i32) {
    %c0_i32 = arith.constant 0 : i32
    %c0_i32_0 = arith.constant 0 : i32
    %c0_i32_1 = arith.constant 0 : i32
    return %c0_i32, %c0_i32_0 : i32, i32
  }
  func.func @transform_5(%arg0: i32) -> (i32, i32) {
    %c0_i32 = arith.constant 0 : i32
    %c0_i32_0 = arith.constant 0 : i32
    %c0_i32_1 = arith.constant 0 : i32
    return %c0_i32, %c0_i32_0 : i32, i32
  }
  func.func @transform_6(%arg0: i32) -> (i32, i32) {
    %c0_i32 = arith.constant 0 : i32
    %c0_i32_0 = arith.constant 0 : i32
    %c0_i32_1 = arith.constant 0 : i32
    return %c0_i32, %c0_i32_0 : i32, i32
  }
  func.func @transform_7(%arg0: i32) -> (i32, i32) {
    %c0_i32 = arith.constant 0 : i32
    %c0_i32_0 = arith.constant 0 : i32
    return %arg0, %c0_i32 : i32, i32
  }
  func.func @transform_8(%arg0: i32) -> (i32, i32, i32) {
    %c0_i32 = arith.constant 0 : i32
    %c0_i32_0 = arith.constant 0 : i32
    %c0_i32_1 = arith.constant 0 : i32
    return %arg0, %c0_i32, %c0_i32_0 : i32, i32, i32
  }
}

module attributes {stable_mosaic.version = 14 : i64} {
  func.func @_conv_body(%arg0: i32, %arg1: memref<2048x6xf32, #tpu.memory_space<vmem>>, %arg2: memref<6x32xf32, #tpu.memory_space<vmem>>, %arg3: memref<1x32xf32, #tpu.memory_space<vmem>>, %arg4: memref<1x6xf32, #tpu.memory_space<vmem>>, %arg5: memref<1x6xf32, #tpu.memory_space<vmem>>, %arg6: memref<1x6xf32, #tpu.memory_space<vmem>>, %arg7: memref<1x6xf32, #tpu.memory_space<vmem>>, %arg8: memref<2048x32xf32, #tpu.memory_space<vmem>>, %arg9: memref<1x1x32xf32, #tpu.memory_space<vmem>>) attributes {dimension_semantics = [#tpu.dimension_semantics<arbitrary>], iteration_bounds = array<i64: 128>, scalar_prefetch = 0 : i64, scratch_operands = 0 : i64, tpu.core_type = #tpu.core_type<tc>, window_params = [{transform_indices = @transform_0, window_bounds = array<i64: 2048, 6>}, {pipeline_mode = #tpu.pipeline_mode<synchronous>, transform_indices = @transform_1, window_bounds = array<i64: 6, 32>}, {pipeline_mode = #tpu.pipeline_mode<synchronous>, transform_indices = @transform_2, window_bounds = array<i64: 1, 32>}, {pipeline_mode = #tpu.pipeline_mode<synchronous>, transform_indices = @transform_3, window_bounds = array<i64: 1, 6>}, {pipeline_mode = #tpu.pipeline_mode<synchronous>, transform_indices = @transform_4, window_bounds = array<i64: 1, 6>}, {pipeline_mode = #tpu.pipeline_mode<synchronous>, transform_indices = @transform_5, window_bounds = array<i64: 1, 6>}, {pipeline_mode = #tpu.pipeline_mode<synchronous>, transform_indices = @transform_6, window_bounds = array<i64: 1, 6>}, {transform_indices = @transform_7, window_bounds = array<i64: 2048, 32>}, {transform_indices = @transform_8, window_bounds = array<i64: 1, 1, 32>}]} {
    %get3A = arith.constant 0 : index
    %get3A_0 = arith.constant 0 : index
    %get3A_1 = vector.load %arg1[%get3A, %get3A_0] : memref<2048x6xf32, #tpu.memory_space<vmem>>, vector<2048x6xf32>
    %get3A_2 = arith.constant 0 : index
    %get3A_3 = arith.constant 0 : index
    %get3A_4 = vector.load %arg2[%get3A_2, %get3A_3] : memref<6x32xf32, #tpu.memory_space<vmem>>, vector<6x32xf32>
    %dot_general3A = arith.constant dense<0.000000e+00> : vector<2048x32xf32>
    %dot_general3A_5 = tpu.matmul %get3A_1, %get3A_4, %dot_general3A {dimension_numbers = #tpu.dot_dimension_numbers<[1], [0], [0], [1], [0, 0, 1, 1], [], []>, transpose_lhs_hint = false} : vector<2048x6xf32>, vector<6x32xf32>, vector<2048x32xf32> -> vector<2048x32xf32>
    %get3A_6 = arith.constant 0 : index
    %get3A_7 = arith.constant 0 : index
    %get3A_8 = vector.load %arg3[%get3A_6, %get3A_7] : memref<1x32xf32, #tpu.memory_space<vmem>>, vector<1x32xf32>
    %get3A_9 = vector.shape_cast %get3A_8 : vector<1x32xf32> to vector<32xf32>
    %broadcast_in_dim3A = vector.shape_cast %get3A_9 : vector<32xf32> to vector<1x32xf32>
    %add3A = vector.broadcast %broadcast_in_dim3A : vector<1x32xf32> to vector<2048x32xf32>
    %add3A_10 = arith.addf %dot_general3A_5, %add3A : vector<2048x32xf32>
    %reduce_sum3A = arith.constant dense<0.000000e+00> : vector<32xf32>
    %reduce_sum3A_11 = vector.multi_reduction <add>, %add3A_10, %reduce_sum3A [0] : vector<2048x32xf32> to vector<32xf32>
    %swap3A = arith.constant 0 : index
    %swap3A_12 = arith.constant 0 : index
    %swap3A_13 = arith.constant 0 : index
    %swap3A_14 = vector.load %arg9[%swap3A, %swap3A_12, %swap3A_13] : memref<1x1x32xf32, #tpu.memory_space<vmem>>, vector<1x1x32xf32>
    %swap3A_15 = vector.shape_cast %swap3A_14 : vector<1x1x32xf32> to vector<32xf32>
    %swap3A_16 = vector.shape_cast %reduce_sum3A_11 : vector<32xf32> to vector<1x1x32xf32>
    tpu.vector_store %arg9[%swap3A, %swap3A_12, %swap3A_13], %swap3A_16 {strides = array<i32>} : memref<1x1x32xf32, #tpu.memory_space<vmem>>, vector<1x1x32xf32>,
    %swap3A_17 = arith.constant 0 : index
    %swap3A_18 = arith.constant 0 : index
    %swap3A_19 = vector.load %arg8[%swap3A_17, %swap3A_18] : memref<2048x32xf32, #tpu.memory_space<vmem>>, vector<2048x32xf32>
    tpu.vector_store %arg8[%swap3A_17, %swap3A_18], %add3A_10 {strides = array<i32>} : memref<2048x32xf32, #tpu.memory_space<vmem>>, vector<2048x32xf32>,
    return
  }
  func.func @transform_0(%arg0: i32) -> (i32, i32) {
    %c0_i32 = arith.constant 0 : i32
    %c0_i32_0 = arith.constant 0 : i32
    return %arg0, %c0_i32 : i32, i32
  }
  func.func @transform_1(%arg0: i32) -> (i32, i32) {
    %c0_i32 = arith.constant 0 : i32
    %c0_i32_0 = arith.constant 0 : i32
    %c0_i32_1 = arith.constant 0 : i32
    return %c0_i32, %c0_i32_0 : i32, i32
  }
  func.func @transform_2(%arg0: i32) -> (i32, i32) {
    %c0_i32 = arith.constant 0 : i32
    %c0_i32_0 = arith.constant 0 : i32
    %c0_i32_1 = arith.constant 0 : i32
    return %c0_i32, %c0_i32_0 : i32, i32
  }
  func.func @transform_3(%arg0: i32) -> (i32, i32) {
    %c0_i32 = arith.constant 0 : i32
    %c0_i32_0 = arith.constant 0 : i32
    %c0_i32_1 = arith.constant 0 : i32
    return %c0_i32, %c0_i32_0 : i32, i32
  }
  func.func @transform_4(%arg0: i32) -> (i32, i32) {
    %c0_i32 = arith.constant 0 : i32
    %c0_i32_0 = arith.constant 0 : i32
    %c0_i32_1 = arith.constant 0 : i32
    return %c0_i32, %c0_i32_0 : i32, i32
  }
  func.func @transform_5(%arg0: i32) -> (i32, i32) {
    %c0_i32 = arith.constant 0 : i32
    %c0_i32_0 = arith.constant 0 : i32
    %c0_i32_1 = arith.constant 0 : i32
    return %c0_i32, %c0_i32_0 : i32, i32
  }
  func.func @transform_6(%arg0: i32) -> (i32, i32) {
    %c0_i32 = arith.constant 0 : i32
    %c0_i32_0 = arith.constant 0 : i32
    %c0_i32_1 = arith.constant 0 : i32
    return %c0_i32, %c0_i32_0 : i32, i32
  }
  func.func @transform_7(%arg0: i32) -> (i32, i32) {
    %c0_i32 = arith.constant 0 : i32
    %c0_i32_0 = arith.constant 0 : i32
    return %arg0, %c0_i32 : i32, i32
  }
  func.func @transform_8(%arg0: i32) -> (i32, i32, i32) {
    %c0_i32 = arith.constant 0 : i32
    %c0_i32_0 = arith.constant 0 : i32
    %c0_i32_1 = arith.constant 0 : i32
    return %arg0, %c0_i32, %c0_i32_0 : i32, i32, i32
  }
}

module attributes {stable_mosaic.version = 14 : i64} {
  func.func @_conv_body(%arg0: i32, %arg1: memref<2048x32xf32, #tpu.memory_space<vmem>>, %arg2: memref<32x32xf32, #tpu.memory_space<vmem>>, %arg3: memref<1x32xf32, #tpu.memory_space<vmem>>, %arg4: memref<1x32xf32, #tpu.memory_space<vmem>>, %arg5: memref<1x32xf32, #tpu.memory_space<vmem>>, %arg6: memref<1x32xf32, #tpu.memory_space<vmem>>, %arg7: memref<1x32xf32, #tpu.memory_space<vmem>>, %arg8: memref<2048x32xf32, #tpu.memory_space<vmem>>, %arg9: memref<1x1x32xf32, #tpu.memory_space<vmem>>) attributes {dimension_semantics = [#tpu.dimension_semantics<arbitrary>], iteration_bounds = array<i64: 128>, scalar_prefetch = 0 : i64, scratch_operands = 0 : i64, tpu.core_type = #tpu.core_type<tc>, window_params = [{transform_indices = @transform_0, window_bounds = array<i64: 2048, 32>}, {pipeline_mode = #tpu.pipeline_mode<synchronous>, transform_indices = @transform_1, window_bounds = array<i64: 32, 32>}, {pipeline_mode = #tpu.pipeline_mode<synchronous>, transform_indices = @transform_2, window_bounds = array<i64: 1, 32>}, {pipeline_mode = #tpu.pipeline_mode<synchronous>, transform_indices = @transform_3, window_bounds = array<i64: 1, 32>}, {pipeline_mode = #tpu.pipeline_mode<synchronous>, transform_indices = @transform_4, window_bounds = array<i64: 1, 32>}, {pipeline_mode = #tpu.pipeline_mode<synchronous>, transform_indices = @transform_5, window_bounds = array<i64: 1, 32>}, {pipeline_mode = #tpu.pipeline_mode<synchronous>, transform_indices = @transform_6, window_bounds = array<i64: 1, 32>}, {transform_indices = @transform_7, window_bounds = array<i64: 2048, 32>}, {transform_indices = @transform_8, window_bounds = array<i64: 1, 1, 32>}]} {
    %get3A = arith.constant 0 : index
    %get3A_0 = arith.constant 0 : index
    %get3A_1 = vector.load %arg1[%get3A, %get3A_0] : memref<2048x32xf32, #tpu.memory_space<vmem>>, vector<2048x32xf32>
    %get3A_2 = arith.constant 0 : index
    %get3A_3 = arith.constant 0 : index
    %get3A_4 = vector.load %arg6[%get3A_2, %get3A_3] : memref<1x32xf32, #tpu.memory_space<vmem>>, vector<1x32xf32>
    %get3A_5 = vector.shape_cast %get3A_4 : vector<1x32xf32> to vector<32xf32>
    %get3A_6 = arith.constant 0 : index
    %get3A_7 = arith.constant 0 : index
    %get3A_8 = vector.load %arg4[%get3A_6, %get3A_7] : memref<1x32xf32, #tpu.memory_space<vmem>>, vector<1x32xf32>
    %get3A_9 = vector.shape_cast %get3A_8 : vector<1x32xf32> to vector<32xf32>
    %broadcast_in_dim3A = vector.shape_cast %get3A_9 : vector<32xf32> to vector<1x32xf32>
    %sub3A = vector.broadcast %broadcast_in_dim3A : vector<1x32xf32> to vector<2048x32xf32>
    %sub3A_10 = arith.subf %get3A_1, %sub3A : vector<2048x32xf32>
    %get3A_11 = arith.constant 0 : index
    %get3A_12 = arith.constant 0 : index
    %get3A_13 = vector.load %arg5[%get3A_11, %get3A_12] : memref<1x32xf32, #tpu.memory_space<vmem>>, vector<1x32xf32>
    %get3A_14 = vector.shape_cast %get3A_13 : vector<1x32xf32> to vector<32xf32>
    %broadcast_in_dim3A_15 = vector.shape_cast %get3A_14 : vector<32xf32> to vector<1x32xf32>
    %div3A = vector.broadcast %broadcast_in_dim3A_15 : vector<1x32xf32> to vector<2048x32xf32>
    %div3A_16 = arith.divf %sub3A_10, %div3A : vector<2048x32xf32>
    %broadcast_in_dim3A_17 = vector.shape_cast %get3A_5 : vector<32xf32> to vector<1x32xf32>
    %mul3A = vector.broadcast %broadcast_in_dim3A_17 : vector<1x32xf32> to vector<2048x32xf32>
    %mul3A_18 = arith.mulf %mul3A, %div3A_16 : vector<2048x32xf32>
    %get3A_19 = arith.constant 0 : index
    %get3A_20 = arith.constant 0 : index
    %get3A_21 = vector.load %arg7[%get3A_19, %get3A_20] : memref<1x32xf32, #tpu.memory_space<vmem>>, vector<1x32xf32>
    %get3A_22 = vector.shape_cast %get3A_21 : vector<1x32xf32> to vector<32xf32>
    %broadcast_in_dim3A_23 = vector.shape_cast %get3A_22 : vector<32xf32> to vector<1x32xf32>
    %add3A = vector.broadcast %broadcast_in_dim3A_23 : vector<1x32xf32> to vector<2048x32xf32>
    %add3A_24 = arith.addf %mul3A_18, %add3A : vector<2048x32xf32>
    %max3A = arith.constant 0.000000e+00 : f32
    %max3A_25 = vector.broadcast %max3A : f32 to vector<2048x32xf32>
    %max3A_26 = arith.maximumf %add3A_24, %max3A_25 : vector<2048x32xf32>
    %get3A_27 = arith.constant 0 : index
    %get3A_28 = arith.constant 0 : index
    %get3A_29 = vector.load %arg2[%get3A_27, %get3A_28] : memref<32x32xf32, #tpu.memory_space<vmem>>, vector<32x32xf32>
    %dot_general3A = arith.constant dense<0.000000e+00> : vector<2048x32xf32>
    %dot_general3A_30 = tpu.matmul %max3A_26, %get3A_29, %dot_general3A {dimension_numbers = #tpu.dot_dimension_numbers<[1], [0], [0], [1], [0, 0, 1, 1], [], []>, transpose_lhs_hint = false} : vector<2048x32xf32>, vector<32x32xf32>, vector<2048x32xf32> -> vector<2048x32xf32>
    %get3A_31 = arith.constant 0 : index
    %get3A_32 = arith.constant 0 : index
    %get3A_33 = vector.load %arg3[%get3A_31, %get3A_32] : memref<1x32xf32, #tpu.memory_space<vmem>>, vector<1x32xf32>
    %get3A_34 = vector.shape_cast %get3A_33 : vector<1x32xf32> to vector<32xf32>
    %broadcast_in_dim3A_35 = vector.shape_cast %get3A_34 : vector<32xf32> to vector<1x32xf32>
    %add3A_36 = vector.broadcast %broadcast_in_dim3A_35 : vector<1x32xf32> to vector<2048x32xf32>
    %add3A_37 = arith.addf %dot_general3A_30, %add3A_36 : vector<2048x32xf32>
    %reduce_sum3A = arith.constant dense<0.000000e+00> : vector<32xf32>
    %reduce_sum3A_38 = vector.multi_reduction <add>, %add3A_37, %reduce_sum3A [0] : vector<2048x32xf32> to vector<32xf32>
    %swap3A = arith.constant 0 : index
    %swap3A_39 = arith.constant 0 : index
    %swap3A_40 = arith.constant 0 : index
    %swap3A_41 = vector.load %arg9[%swap3A, %swap3A_39, %swap3A_40] : memref<1x1x32xf32, #tpu.memory_space<vmem>>, vector<1x1x32xf32>
    %swap3A_42 = vector.shape_cast %swap3A_41 : vector<1x1x32xf32> to vector<32xf32>
    %swap3A_43 = vector.shape_cast %reduce_sum3A_38 : vector<32xf32> to vector<1x1x32xf32>
    tpu.vector_store %arg9[%swap3A, %swap3A_39, %swap3A_40], %swap3A_43 {strides = array<i32>} : memref<1x1x32xf32, #tpu.memory_space<vmem>>, vector<1x1x32xf32>,
    %swap3A_44 = arith.constant 0 : index
    %swap3A_45 = arith.constant 0 : index
    %swap3A_46 = vector.load %arg8[%swap3A_44, %swap3A_45] : memref<2048x32xf32, #tpu.memory_space<vmem>>, vector<2048x32xf32>
    tpu.vector_store %arg8[%swap3A_44, %swap3A_45], %add3A_37 {strides = array<i32>} : memref<2048x32xf32, #tpu.memory_space<vmem>>, vector<2048x32xf32>,
    return
  }
  func.func @transform_0(%arg0: i32) -> (i32, i32) {
    %c0_i32 = arith.constant 0 : i32
    %c0_i32_0 = arith.constant 0 : i32
    return %arg0, %c0_i32 : i32, i32
  }
  func.func @transform_1(%arg0: i32) -> (i32, i32) {
    %c0_i32 = arith.constant 0 : i32
    %c0_i32_0 = arith.constant 0 : i32
    %c0_i32_1 = arith.constant 0 : i32
    return %c0_i32, %c0_i32_0 : i32, i32
  }
  func.func @transform_2(%arg0: i32) -> (i32, i32) {
    %c0_i32 = arith.constant 0 : i32
    %c0_i32_0 = arith.constant 0 : i32
    %c0_i32_1 = arith.constant 0 : i32
    return %c0_i32, %c0_i32_0 : i32, i32
  }
  func.func @transform_3(%arg0: i32) -> (i32, i32) {
    %c0_i32 = arith.constant 0 : i32
    %c0_i32_0 = arith.constant 0 : i32
    %c0_i32_1 = arith.constant 0 : i32
    return %c0_i32, %c0_i32_0 : i32, i32
  }
  func.func @transform_4(%arg0: i32) -> (i32, i32) {
    %c0_i32 = arith.constant 0 : i32
    %c0_i32_0 = arith.constant 0 : i32
    %c0_i32_1 = arith.constant 0 : i32
    return %c0_i32, %c0_i32_0 : i32, i32
  }
  func.func @transform_5(%arg0: i32) -> (i32, i32) {
    %c0_i32 = arith.constant 0 : i32
    %c0_i32_0 = arith.constant 0 : i32
    %c0_i32_1 = arith.constant 0 : i32
    return %c0_i32, %c0_i32_0 : i32, i32
  }
  func.func @transform_6(%arg0: i32) -> (i32, i32) {
    %c0_i32 = arith.constant 0 : i32
    %c0_i32_0 = arith.constant 0 : i32
    %c0_i32_1 = arith.constant 0 : i32
    return %c0_i32, %c0_i32_0 : i32, i32
  }
  func.func @transform_7(%arg0: i32) -> (i32, i32) {
    %c0_i32 = arith.constant 0 : i32
    %c0_i32_0 = arith.constant 0 : i32
    return %arg0, %c0_i32 : i32, i32
  }
  func.func @transform_8(%arg0: i32) -> (i32, i32, i32) {
    %c0_i32 = arith.constant 0 : i32
    %c0_i32_0 = arith.constant 0 : i32
    %c0_i32_1 = arith.constant 0 : i32
    return %arg0, %c0_i32, %c0_i32_0 : i32, i32, i32
  }
}

module attributes {stable_mosaic.version = 14 : i64} {
  func.func @_conv_body(%arg0: i32, %arg1: memref<2048x16xf32, #tpu.memory_space<vmem>>, %arg2: memref<16x32xf32, #tpu.memory_space<vmem>>, %arg3: memref<1x32xf32, #tpu.memory_space<vmem>>, %arg4: memref<1x16xf32, #tpu.memory_space<vmem>>, %arg5: memref<1x16xf32, #tpu.memory_space<vmem>>, %arg6: memref<1x16xf32, #tpu.memory_space<vmem>>, %arg7: memref<1x16xf32, #tpu.memory_space<vmem>>, %arg8: memref<2048x32xf32, #tpu.memory_space<vmem>>, %arg9: memref<1x1x32xf32, #tpu.memory_space<vmem>>) attributes {dimension_semantics = [#tpu.dimension_semantics<arbitrary>], iteration_bounds = array<i64: 64>, scalar_prefetch = 0 : i64, scratch_operands = 0 : i64, tpu.core_type = #tpu.core_type<tc>, window_params = [{transform_indices = @transform_0, window_bounds = array<i64: 2048, 16>}, {pipeline_mode = #tpu.pipeline_mode<synchronous>, transform_indices = @transform_1, window_bounds = array<i64: 16, 32>}, {pipeline_mode = #tpu.pipeline_mode<synchronous>, transform_indices = @transform_2, window_bounds = array<i64: 1, 32>}, {pipeline_mode = #tpu.pipeline_mode<synchronous>, transform_indices = @transform_3, window_bounds = array<i64: 1, 16>}, {pipeline_mode = #tpu.pipeline_mode<synchronous>, transform_indices = @transform_4, window_bounds = array<i64: 1, 16>}, {pipeline_mode = #tpu.pipeline_mode<synchronous>, transform_indices = @transform_5, window_bounds = array<i64: 1, 16>}, {pipeline_mode = #tpu.pipeline_mode<synchronous>, transform_indices = @transform_6, window_bounds = array<i64: 1, 16>}, {transform_indices = @transform_7, window_bounds = array<i64: 2048, 32>}, {transform_indices = @transform_8, window_bounds = array<i64: 1, 1, 32>}]} {
    %get3A = arith.constant 0 : index
    %get3A_0 = arith.constant 0 : index
    %get3A_1 = vector.load %arg1[%get3A, %get3A_0] : memref<2048x16xf32, #tpu.memory_space<vmem>>, vector<2048x16xf32>
    %get3A_2 = arith.constant 0 : index
    %get3A_3 = arith.constant 0 : index
    %get3A_4 = vector.load %arg6[%get3A_2, %get3A_3] : memref<1x16xf32, #tpu.memory_space<vmem>>, vector<1x16xf32>
    %get3A_5 = vector.shape_cast %get3A_4 : vector<1x16xf32> to vector<16xf32>
    %get3A_6 = arith.constant 0 : index
    %get3A_7 = arith.constant 0 : index
    %get3A_8 = vector.load %arg4[%get3A_6, %get3A_7] : memref<1x16xf32, #tpu.memory_space<vmem>>, vector<1x16xf32>
    %get3A_9 = vector.shape_cast %get3A_8 : vector<1x16xf32> to vector<16xf32>
    %broadcast_in_dim3A = vector.shape_cast %get3A_9 : vector<16xf32> to vector<1x16xf32>
    %sub3A = vector.broadcast %broadcast_in_dim3A : vector<1x16xf32> to vector<2048x16xf32>
    %sub3A_10 = arith.subf %get3A_1, %sub3A : vector<2048x16xf32>
    %get3A_11 = arith.constant 0 : index
    %get3A_12 = arith.constant 0 : index
    %get3A_13 = vector.load %arg5[%get3A_11, %get3A_12] : memref<1x16xf32, #tpu.memory_space<vmem>>, vector<1x16xf32>
    %get3A_14 = vector.shape_cast %get3A_13 : vector<1x16xf32> to vector<16xf32>
    %broadcast_in_dim3A_15 = vector.shape_cast %get3A_14 : vector<16xf32> to vector<1x16xf32>
    %div3A = vector.broadcast %broadcast_in_dim3A_15 : vector<1x16xf32> to vector<2048x16xf32>
    %div3A_16 = arith.divf %sub3A_10, %div3A : vector<2048x16xf32>
    %broadcast_in_dim3A_17 = vector.shape_cast %get3A_5 : vector<16xf32> to vector<1x16xf32>
    %mul3A = vector.broadcast %broadcast_in_dim3A_17 : vector<1x16xf32> to vector<2048x16xf32>
    %mul3A_18 = arith.mulf %mul3A, %div3A_16 : vector<2048x16xf32>
    %get3A_19 = arith.constant 0 : index
    %get3A_20 = arith.constant 0 : index
    %get3A_21 = vector.load %arg7[%get3A_19, %get3A_20] : memref<1x16xf32, #tpu.memory_space<vmem>>, vector<1x16xf32>
    %get3A_22 = vector.shape_cast %get3A_21 : vector<1x16xf32> to vector<16xf32>
    %broadcast_in_dim3A_23 = vector.shape_cast %get3A_22 : vector<16xf32> to vector<1x16xf32>
    %add3A = vector.broadcast %broadcast_in_dim3A_23 : vector<1x16xf32> to vector<2048x16xf32>
    %add3A_24 = arith.addf %mul3A_18, %add3A : vector<2048x16xf32>
    %max3A = arith.constant 0.000000e+00 : f32
    %max3A_25 = vector.broadcast %max3A : f32 to vector<2048x16xf32>
    %max3A_26 = arith.maximumf %add3A_24, %max3A_25 : vector<2048x16xf32>
    %get3A_27 = arith.constant 0 : index
    %get3A_28 = arith.constant 0 : index
    %get3A_29 = vector.load %arg2[%get3A_27, %get3A_28] : memref<16x32xf32, #tpu.memory_space<vmem>>, vector<16x32xf32>
    %dot_general3A = arith.constant dense<0.000000e+00> : vector<2048x32xf32>
    %dot_general3A_30 = tpu.matmul %max3A_26, %get3A_29, %dot_general3A {dimension_numbers = #tpu.dot_dimension_numbers<[1], [0], [0], [1], [0, 0, 1, 1], [], []>, transpose_lhs_hint = false} : vector<2048x16xf32>, vector<16x32xf32>, vector<2048x32xf32> -> vector<2048x32xf32>
    %get3A_31 = arith.constant 0 : index
    %get3A_32 = arith.constant 0 : index
    %get3A_33 = vector.load %arg3[%get3A_31, %get3A_32] : memref<1x32xf32, #tpu.memory_space<vmem>>, vector<1x32xf32>
    %get3A_34 = vector.shape_cast %get3A_33 : vector<1x32xf32> to vector<32xf32>
    %broadcast_in_dim3A_35 = vector.shape_cast %get3A_34 : vector<32xf32> to vector<1x32xf32>
    %add3A_36 = vector.broadcast %broadcast_in_dim3A_35 : vector<1x32xf32> to vector<2048x32xf32>
    %add3A_37 = arith.addf %dot_general3A_30, %add3A_36 : vector<2048x32xf32>
    %reduce_sum3A = arith.constant dense<0.000000e+00> : vector<32xf32>
    %reduce_sum3A_38 = vector.multi_reduction <add>, %add3A_37, %reduce_sum3A [0] : vector<2048x32xf32> to vector<32xf32>
    %swap3A = arith.constant 0 : index
    %swap3A_39 = arith.constant 0 : index
    %swap3A_40 = arith.constant 0 : index
    %swap3A_41 = vector.load %arg9[%swap3A, %swap3A_39, %swap3A_40] : memref<1x1x32xf32, #tpu.memory_space<vmem>>, vector<1x1x32xf32>
    %swap3A_42 = vector.shape_cast %swap3A_41 : vector<1x1x32xf32> to vector<32xf32>
    %swap3A_43 = vector.shape_cast %reduce_sum3A_38 : vector<32xf32> to vector<1x1x32xf32>
    tpu.vector_store %arg9[%swap3A, %swap3A_39, %swap3A_40], %swap3A_43 {strides = array<i32>} : memref<1x1x32xf32, #tpu.memory_space<vmem>>, vector<1x1x32xf32>,
    %swap3A_44 = arith.constant 0 : index
    %swap3A_45 = arith.constant 0 : index
    %swap3A_46 = vector.load %arg8[%swap3A_44, %swap3A_45] : memref<2048x32xf32, #tpu.memory_space<vmem>>, vector<2048x32xf32>
    tpu.vector_store %arg8[%swap3A_44, %swap3A_45], %add3A_37 {strides = array<i32>} : memref<2048x32xf32, #tpu.memory_space<vmem>>, vector<2048x32xf32>,
    return
  }
  func.func @transform_0(%arg0: i32) -> (i32, i32) {
    %c0_i32 = arith.constant 0 : i32
    %c0_i32_0 = arith.constant 0 : i32
    return %arg0, %c0_i32 : i32, i32
  }
  func.func @transform_1(%arg0: i32) -> (i32, i32) {
    %c0_i32 = arith.constant 0 : i32
    %c0_i32_0 = arith.constant 0 : i32
    %c0_i32_1 = arith.constant 0 : i32
    return %c0_i32, %c0_i32_0 : i32, i32
  }
  func.func @transform_2(%arg0: i32) -> (i32, i32) {
    %c0_i32 = arith.constant 0 : i32
    %c0_i32_0 = arith.constant 0 : i32
    %c0_i32_1 = arith.constant 0 : i32
    return %c0_i32, %c0_i32_0 : i32, i32
  }
  func.func @transform_3(%arg0: i32) -> (i32, i32) {
    %c0_i32 = arith.constant 0 : i32
    %c0_i32_0 = arith.constant 0 : i32
    %c0_i32_1 = arith.constant 0 : i32
    return %c0_i32, %c0_i32_0 : i32, i32
  }
  func.func @transform_4(%arg0: i32) -> (i32, i32) {
    %c0_i32 = arith.constant 0 : i32
    %c0_i32_0 = arith.constant 0 : i32
    %c0_i32_1 = arith.constant 0 : i32
    return %c0_i32, %c0_i32_0 : i32, i32
  }
  func.func @transform_5(%arg0: i32) -> (i32, i32) {
    %c0_i32 = arith.constant 0 : i32
    %c0_i32_0 = arith.constant 0 : i32
    %c0_i32_1 = arith.constant 0 : i32
    return %c0_i32, %c0_i32_0 : i32, i32
  }
  func.func @transform_6(%arg0: i32) -> (i32, i32) {
    %c0_i32 = arith.constant 0 : i32
    %c0_i32_0 = arith.constant 0 : i32
    %c0_i32_1 = arith.constant 0 : i32
    return %c0_i32, %c0_i32_0 : i32, i32
  }
  func.func @transform_7(%arg0: i32) -> (i32, i32) {
    %c0_i32 = arith.constant 0 : i32
    %c0_i32_0 = arith.constant 0 : i32
    return %arg0, %c0_i32 : i32, i32
  }
  func.func @transform_8(%arg0: i32) -> (i32, i32, i32) {
    %c0_i32 = arith.constant 0 : i32
    %c0_i32_0 = arith.constant 0 : i32
    %c0_i32_1 = arith.constant 0 : i32
    return %arg0, %c0_i32, %c0_i32_0 : i32, i32, i32
  }
}

module attributes {stable_mosaic.version = 14 : i64} {
  func.func @_norm_max_body(%arg0: i32, %arg1: memref<2048x32xf32, #tpu.memory_space<vmem>>, %arg2: memref<1x32xf32, #tpu.memory_space<vmem>>, %arg3: memref<1x32xf32, #tpu.memory_space<vmem>>, %arg4: memref<1x32xf32, #tpu.memory_space<vmem>>, %arg5: memref<1x32xf32, #tpu.memory_space<vmem>>, %arg6: memref<128x32xf32, #tpu.memory_space<vmem>>) attributes {dimension_semantics = [#tpu.dimension_semantics<arbitrary>], iteration_bounds = array<i64: 64>, scalar_prefetch = 0 : i64, scratch_operands = 0 : i64, tpu.core_type = #tpu.core_type<tc>, window_params = [{transform_indices = @transform_0, window_bounds = array<i64: 2048, 32>}, {pipeline_mode = #tpu.pipeline_mode<synchronous>, transform_indices = @transform_1, window_bounds = array<i64: 1, 32>}, {pipeline_mode = #tpu.pipeline_mode<synchronous>, transform_indices = @transform_2, window_bounds = array<i64: 1, 32>}, {pipeline_mode = #tpu.pipeline_mode<synchronous>, transform_indices = @transform_3, window_bounds = array<i64: 1, 32>}, {pipeline_mode = #tpu.pipeline_mode<synchronous>, transform_indices = @transform_4, window_bounds = array<i64: 1, 32>}, {transform_indices = @transform_5, window_bounds = array<i64: 128, 32>}]} {
    %get3A = arith.constant 0 : index
    %get3A_0 = arith.constant 0 : index
    %get3A_1 = vector.load %arg4[%get3A, %get3A_0] : memref<1x32xf32, #tpu.memory_space<vmem>>, vector<1x32xf32>
    %get3A_2 = vector.shape_cast %get3A_1 : vector<1x32xf32> to vector<32xf32>
    %get3A_3 = arith.constant 0 : index
    %get3A_4 = arith.constant 0 : index
    %get3A_5 = vector.load %arg1[%get3A_3, %get3A_4] : memref<2048x32xf32, #tpu.memory_space<vmem>>, vector<2048x32xf32>
    %get3A_6 = arith.constant 0 : index
    %get3A_7 = arith.constant 0 : index
    %get3A_8 = vector.load %arg2[%get3A_6, %get3A_7] : memref<1x32xf32, #tpu.memory_space<vmem>>, vector<1x32xf32>
    %get3A_9 = vector.shape_cast %get3A_8 : vector<1x32xf32> to vector<32xf32>
    %broadcast_in_dim3A = vector.shape_cast %get3A_9 : vector<32xf32> to vector<1x32xf32>
    %sub3A = vector.broadcast %broadcast_in_dim3A : vector<1x32xf32> to vector<2048x32xf32>
    %sub3A_10 = arith.subf %get3A_5, %sub3A : vector<2048x32xf32>
    %get3A_11 = arith.constant 0 : index
    %get3A_12 = arith.constant 0 : index
    %get3A_13 = vector.load %arg3[%get3A_11, %get3A_12] : memref<1x32xf32, #tpu.memory_space<vmem>>, vector<1x32xf32>
    %get3A_14 = vector.shape_cast %get3A_13 : vector<1x32xf32> to vector<32xf32>
    %broadcast_in_dim3A_15 = vector.shape_cast %get3A_14 : vector<32xf32> to vector<1x32xf32>
    %div3A = vector.broadcast %broadcast_in_dim3A_15 : vector<1x32xf32> to vector<2048x32xf32>
    %div3A_16 = arith.divf %sub3A_10, %div3A : vector<2048x32xf32>
    %broadcast_in_dim3A_17 = vector.shape_cast %get3A_2 : vector<32xf32> to vector<1x32xf32>
    %mul3A = vector.broadcast %broadcast_in_dim3A_17 : vector<1x32xf32> to vector<2048x32xf32>
    %mul3A_18 = arith.mulf %mul3A, %div3A_16 : vector<2048x32xf32>
    %get3A_19 = arith.constant 0 : index
    %get3A_20 = arith.constant 0 : index
    %get3A_21 = vector.load %arg5[%get3A_19, %get3A_20] : memref<1x32xf32, #tpu.memory_space<vmem>>, vector<1x32xf32>
    %get3A_22 = vector.shape_cast %get3A_21 : vector<1x32xf32> to vector<32xf32>
    %broadcast_in_dim3A_23 = vector.shape_cast %get3A_22 : vector<32xf32> to vector<1x32xf32>
    %add3A = vector.broadcast %broadcast_in_dim3A_23 : vector<1x32xf32> to vector<2048x32xf32>
    %add3A_24 = arith.addf %mul3A_18, %add3A : vector<2048x32xf32>
    %max3A = arith.constant 0.000000e+00 : f32
    %max3A_25 = vector.broadcast %max3A : f32 to vector<2048x32xf32>
    %max3A_26 = arith.maximumf %add3A_24, %max3A_25 : vector<2048x32xf32>
    %reshape3A = vector.shape_cast %max3A_26 : vector<2048x32xf32> to vector<128x16x32xf32>
    %reduce_max3A = arith.constant dense<0xFF800000> : vector<128x32xf32>
    %reduce_max3A_27 = vector.multi_reduction <maximumf>, %reshape3A, %reduce_max3A [1] : vector<128x16x32xf32> to vector<128x32xf32>
    %swap3A = arith.constant 0 : index
    %swap3A_28 = arith.constant 0 : index
    %swap3A_29 = vector.load %arg6[%swap3A, %swap3A_28] : memref<128x32xf32, #tpu.memory_space<vmem>>, vector<128x32xf32>
    tpu.vector_store %arg6[%swap3A, %swap3A_28], %reduce_max3A_27 {strides = array<i32>} : memref<128x32xf32, #tpu.memory_space<vmem>>, vector<128x32xf32>,
    return
  }
  func.func @transform_0(%arg0: i32) -> (i32, i32) {
    %c0_i32 = arith.constant 0 : i32
    %c0_i32_0 = arith.constant 0 : i32
    return %arg0, %c0_i32 : i32, i32
  }
  func.func @transform_1(%arg0: i32) -> (i32, i32) {
    %c0_i32 = arith.constant 0 : i32
    %c0_i32_0 = arith.constant 0 : i32
    %c0_i32_1 = arith.constant 0 : i32
    return %c0_i32, %c0_i32_0 : i32, i32
  }
  func.func @transform_2(%arg0: i32) -> (i32, i32) {
    %c0_i32 = arith.constant 0 : i32
    %c0_i32_0 = arith.constant 0 : i32
    %c0_i32_1 = arith.constant 0 : i32
    return %c0_i32, %c0_i32_0 : i32, i32
  }
  func.func @transform_3(%arg0: i32) -> (i32, i32) {
    %c0_i32 = arith.constant 0 : i32
    %c0_i32_0 = arith.constant 0 : i32
    %c0_i32_1 = arith.constant 0 : i32
    return %c0_i32, %c0_i32_0 : i32, i32
  }
  func.func @transform_4(%arg0: i32) -> (i32, i32) {
    %c0_i32 = arith.constant 0 : i32
    %c0_i32_0 = arith.constant 0 : i32
    %c0_i32_1 = arith.constant 0 : i32
    return %c0_i32, %c0_i32_0 : i32, i32
  }
  func.func @transform_5(%arg0: i32) -> (i32, i32) {
    %c0_i32 = arith.constant 0 : i32
    %c0_i32_0 = arith.constant 0 : i32
    return %arg0, %c0_i32 : i32, i32
  }
}

module attributes {stable_mosaic.version = 14 : i64} {
  func.func @_conv_body(%arg0: i32, %arg1: memref<2048x32xf32, #tpu.memory_space<vmem>>, %arg2: memref<32x64xf32, #tpu.memory_space<vmem>>, %arg3: memref<1x64xf32, #tpu.memory_space<vmem>>, %arg4: memref<1x32xf32, #tpu.memory_space<vmem>>, %arg5: memref<1x32xf32, #tpu.memory_space<vmem>>, %arg6: memref<1x32xf32, #tpu.memory_space<vmem>>, %arg7: memref<1x32xf32, #tpu.memory_space<vmem>>, %arg8: memref<2048x64xf32, #tpu.memory_space<vmem>>, %arg9: memref<1x1x64xf32, #tpu.memory_space<vmem>>) attributes {dimension_semantics = [#tpu.dimension_semantics<arbitrary>], iteration_bounds = array<i64: 128>, scalar_prefetch = 0 : i64, scratch_operands = 0 : i64, tpu.core_type = #tpu.core_type<tc>, window_params = [{transform_indices = @transform_0, window_bounds = array<i64: 2048, 32>}, {pipeline_mode = #tpu.pipeline_mode<synchronous>, transform_indices = @transform_1, window_bounds = array<i64: 32, 64>}, {pipeline_mode = #tpu.pipeline_mode<synchronous>, transform_indices = @transform_2, window_bounds = array<i64: 1, 64>}, {pipeline_mode = #tpu.pipeline_mode<synchronous>, transform_indices = @transform_3, window_bounds = array<i64: 1, 32>}, {pipeline_mode = #tpu.pipeline_mode<synchronous>, transform_indices = @transform_4, window_bounds = array<i64: 1, 32>}, {pipeline_mode = #tpu.pipeline_mode<synchronous>, transform_indices = @transform_5, window_bounds = array<i64: 1, 32>}, {pipeline_mode = #tpu.pipeline_mode<synchronous>, transform_indices = @transform_6, window_bounds = array<i64: 1, 32>}, {transform_indices = @transform_7, window_bounds = array<i64: 2048, 64>}, {transform_indices = @transform_8, window_bounds = array<i64: 1, 1, 64>}]} {
    %get3A = arith.constant 0 : index
    %get3A_0 = arith.constant 0 : index
    %get3A_1 = vector.load %arg1[%get3A, %get3A_0] : memref<2048x32xf32, #tpu.memory_space<vmem>>, vector<2048x32xf32>
    %get3A_2 = arith.constant 0 : index
    %get3A_3 = arith.constant 0 : index
    %get3A_4 = vector.load %arg6[%get3A_2, %get3A_3] : memref<1x32xf32, #tpu.memory_space<vmem>>, vector<1x32xf32>
    %get3A_5 = vector.shape_cast %get3A_4 : vector<1x32xf32> to vector<32xf32>
    %get3A_6 = arith.constant 0 : index
    %get3A_7 = arith.constant 0 : index
    %get3A_8 = vector.load %arg4[%get3A_6, %get3A_7] : memref<1x32xf32, #tpu.memory_space<vmem>>, vector<1x32xf32>
    %get3A_9 = vector.shape_cast %get3A_8 : vector<1x32xf32> to vector<32xf32>
    %broadcast_in_dim3A = vector.shape_cast %get3A_9 : vector<32xf32> to vector<1x32xf32>
    %sub3A = vector.broadcast %broadcast_in_dim3A : vector<1x32xf32> to vector<2048x32xf32>
    %sub3A_10 = arith.subf %get3A_1, %sub3A : vector<2048x32xf32>
    %get3A_11 = arith.constant 0 : index
    %get3A_12 = arith.constant 0 : index
    %get3A_13 = vector.load %arg5[%get3A_11, %get3A_12] : memref<1x32xf32, #tpu.memory_space<vmem>>, vector<1x32xf32>
    %get3A_14 = vector.shape_cast %get3A_13 : vector<1x32xf32> to vector<32xf32>
    %broadcast_in_dim3A_15 = vector.shape_cast %get3A_14 : vector<32xf32> to vector<1x32xf32>
    %div3A = vector.broadcast %broadcast_in_dim3A_15 : vector<1x32xf32> to vector<2048x32xf32>
    %div3A_16 = arith.divf %sub3A_10, %div3A : vector<2048x32xf32>
    %broadcast_in_dim3A_17 = vector.shape_cast %get3A_5 : vector<32xf32> to vector<1x32xf32>
    %mul3A = vector.broadcast %broadcast_in_dim3A_17 : vector<1x32xf32> to vector<2048x32xf32>
    %mul3A_18 = arith.mulf %mul3A, %div3A_16 : vector<2048x32xf32>
    %get3A_19 = arith.constant 0 : index
    %get3A_20 = arith.constant 0 : index
    %get3A_21 = vector.load %arg7[%get3A_19, %get3A_20] : memref<1x32xf32, #tpu.memory_space<vmem>>, vector<1x32xf32>
    %get3A_22 = vector.shape_cast %get3A_21 : vector<1x32xf32> to vector<32xf32>
    %broadcast_in_dim3A_23 = vector.shape_cast %get3A_22 : vector<32xf32> to vector<1x32xf32>
    %add3A = vector.broadcast %broadcast_in_dim3A_23 : vector<1x32xf32> to vector<2048x32xf32>
    %add3A_24 = arith.addf %mul3A_18, %add3A : vector<2048x32xf32>
    %max3A = arith.constant 0.000000e+00 : f32
    %max3A_25 = vector.broadcast %max3A : f32 to vector<2048x32xf32>
    %max3A_26 = arith.maximumf %add3A_24, %max3A_25 : vector<2048x32xf32>
    %get3A_27 = arith.constant 0 : index
    %get3A_28 = arith.constant 0 : index
    %get3A_29 = vector.load %arg2[%get3A_27, %get3A_28] : memref<32x64xf32, #tpu.memory_space<vmem>>, vector<32x64xf32>
    %dot_general3A = arith.constant dense<0.000000e+00> : vector<2048x64xf32>
    %dot_general3A_30 = tpu.matmul %max3A_26, %get3A_29, %dot_general3A {dimension_numbers = #tpu.dot_dimension_numbers<[1], [0], [0], [1], [0, 0, 1, 1], [], []>, transpose_lhs_hint = false} : vector<2048x32xf32>, vector<32x64xf32>, vector<2048x64xf32> -> vector<2048x64xf32>
    %get3A_31 = arith.constant 0 : index
    %get3A_32 = arith.constant 0 : index
    %get3A_33 = vector.load %arg3[%get3A_31, %get3A_32] : memref<1x64xf32, #tpu.memory_space<vmem>>, vector<1x64xf32>
    %get3A_34 = vector.shape_cast %get3A_33 : vector<1x64xf32> to vector<64xf32>
    %broadcast_in_dim3A_35 = vector.shape_cast %get3A_34 : vector<64xf32> to vector<1x64xf32>
    %add3A_36 = vector.broadcast %broadcast_in_dim3A_35 : vector<1x64xf32> to vector<2048x64xf32>
    %add3A_37 = arith.addf %dot_general3A_30, %add3A_36 : vector<2048x64xf32>
    %reduce_sum3A = arith.constant dense<0.000000e+00> : vector<64xf32>
    %reduce_sum3A_38 = vector.multi_reduction <add>, %add3A_37, %reduce_sum3A [0] : vector<2048x64xf32> to vector<64xf32>
    %swap3A = arith.constant 0 : index
    %swap3A_39 = arith.constant 0 : index
    %swap3A_40 = arith.constant 0 : index
    %swap3A_41 = vector.load %arg9[%swap3A, %swap3A_39, %swap3A_40] : memref<1x1x64xf32, #tpu.memory_space<vmem>>, vector<1x1x64xf32>
    %swap3A_42 = vector.shape_cast %swap3A_41 : vector<1x1x64xf32> to vector<64xf32>
    %swap3A_43 = vector.shape_cast %reduce_sum3A_38 : vector<64xf32> to vector<1x1x64xf32>
    tpu.vector_store %arg9[%swap3A, %swap3A_39, %swap3A_40], %swap3A_43 {strides = array<i32>} : memref<1x1x64xf32, #tpu.memory_space<vmem>>, vector<1x1x64xf32>,
    %swap3A_44 = arith.constant 0 : index
    %swap3A_45 = arith.constant 0 : index
    %swap3A_46 = vector.load %arg8[%swap3A_44, %swap3A_45] : memref<2048x64xf32, #tpu.memory_space<vmem>>, vector<2048x64xf32>
    tpu.vector_store %arg8[%swap3A_44, %swap3A_45], %add3A_37 {strides = array<i32>} : memref<2048x64xf32, #tpu.memory_space<vmem>>, vector<2048x64xf32>,
    return
  }
  func.func @transform_0(%arg0: i32) -> (i32, i32) {
    %c0_i32 = arith.constant 0 : i32
    %c0_i32_0 = arith.constant 0 : i32
    return %arg0, %c0_i32 : i32, i32
  }
  func.func @transform_1(%arg0: i32) -> (i32, i32) {
    %c0_i32 = arith.constant 0 : i32
    %c0_i32_0 = arith.constant 0 : i32
    %c0_i32_1 = arith.constant 0 : i32
    return %c0_i32, %c0_i32_0 : i32, i32
  }
  func.func @transform_2(%arg0: i32) -> (i32, i32) {
    %c0_i32 = arith.constant 0 : i32
    %c0_i32_0 = arith.constant 0 : i32
    %c0_i32_1 = arith.constant 0 : i32
    return %c0_i32, %c0_i32_0 : i32, i32
  }
  func.func @transform_3(%arg0: i32) -> (i32, i32) {
    %c0_i32 = arith.constant 0 : i32
    %c0_i32_0 = arith.constant 0 : i32
    %c0_i32_1 = arith.constant 0 : i32
    return %c0_i32, %c0_i32_0 : i32, i32
  }
  func.func @transform_4(%arg0: i32) -> (i32, i32) {
    %c0_i32 = arith.constant 0 : i32
    %c0_i32_0 = arith.constant 0 : i32
    %c0_i32_1 = arith.constant 0 : i32
    return %c0_i32, %c0_i32_0 : i32, i32
  }
  func.func @transform_5(%arg0: i32) -> (i32, i32) {
    %c0_i32 = arith.constant 0 : i32
    %c0_i32_0 = arith.constant 0 : i32
    %c0_i32_1 = arith.constant 0 : i32
    return %c0_i32, %c0_i32_0 : i32, i32
  }
  func.func @transform_6(%arg0: i32) -> (i32, i32) {
    %c0_i32 = arith.constant 0 : i32
    %c0_i32_0 = arith.constant 0 : i32
    %c0_i32_1 = arith.constant 0 : i32
    return %c0_i32, %c0_i32_0 : i32, i32
  }
  func.func @transform_7(%arg0: i32) -> (i32, i32) {
    %c0_i32 = arith.constant 0 : i32
    %c0_i32_0 = arith.constant 0 : i32
    return %arg0, %c0_i32 : i32, i32
  }
  func.func @transform_8(%arg0: i32) -> (i32, i32, i32) {
    %c0_i32 = arith.constant 0 : i32
    %c0_i32_0 = arith.constant 0 : i32
    %c0_i32_1 = arith.constant 0 : i32
    return %arg0, %c0_i32, %c0_i32_0 : i32, i32, i32
  }
}

module attributes {stable_mosaic.version = 14 : i64} {
  func.func @_norm_max_body(%arg0: i32, %arg1: memref<2048x64xf32, #tpu.memory_space<vmem>>, %arg2: memref<1x64xf32, #tpu.memory_space<vmem>>, %arg3: memref<1x64xf32, #tpu.memory_space<vmem>>, %arg4: memref<1x64xf32, #tpu.memory_space<vmem>>, %arg5: memref<1x64xf32, #tpu.memory_space<vmem>>, %arg6: memref<64x64xf32, #tpu.memory_space<vmem>>) attributes {dimension_semantics = [#tpu.dimension_semantics<arbitrary>], iteration_bounds = array<i64: 128>, scalar_prefetch = 0 : i64, scratch_operands = 0 : i64, tpu.core_type = #tpu.core_type<tc>, window_params = [{transform_indices = @transform_0, window_bounds = array<i64: 2048, 64>}, {pipeline_mode = #tpu.pipeline_mode<synchronous>, transform_indices = @transform_1, window_bounds = array<i64: 1, 64>}, {pipeline_mode = #tpu.pipeline_mode<synchronous>, transform_indices = @transform_2, window_bounds = array<i64: 1, 64>}, {pipeline_mode = #tpu.pipeline_mode<synchronous>, transform_indices = @transform_3, window_bounds = array<i64: 1, 64>}, {pipeline_mode = #tpu.pipeline_mode<synchronous>, transform_indices = @transform_4, window_bounds = array<i64: 1, 64>}, {transform_indices = @transform_5, window_bounds = array<i64: 64, 64>}]} {
    %get3A = arith.constant 0 : index
    %get3A_0 = arith.constant 0 : index
    %get3A_1 = vector.load %arg4[%get3A, %get3A_0] : memref<1x64xf32, #tpu.memory_space<vmem>>, vector<1x64xf32>
    %get3A_2 = vector.shape_cast %get3A_1 : vector<1x64xf32> to vector<64xf32>
    %get3A_3 = arith.constant 0 : index
    %get3A_4 = arith.constant 0 : index
    %get3A_5 = vector.load %arg1[%get3A_3, %get3A_4] : memref<2048x64xf32, #tpu.memory_space<vmem>>, vector<2048x64xf32>
    %get3A_6 = arith.constant 0 : index
    %get3A_7 = arith.constant 0 : index
    %get3A_8 = vector.load %arg2[%get3A_6, %get3A_7] : memref<1x64xf32, #tpu.memory_space<vmem>>, vector<1x64xf32>
    %get3A_9 = vector.shape_cast %get3A_8 : vector<1x64xf32> to vector<64xf32>
    %broadcast_in_dim3A = vector.shape_cast %get3A_9 : vector<64xf32> to vector<1x64xf32>
    %sub3A = vector.broadcast %broadcast_in_dim3A : vector<1x64xf32> to vector<2048x64xf32>
    %sub3A_10 = arith.subf %get3A_5, %sub3A : vector<2048x64xf32>
    %get3A_11 = arith.constant 0 : index
    %get3A_12 = arith.constant 0 : index
    %get3A_13 = vector.load %arg3[%get3A_11, %get3A_12] : memref<1x64xf32, #tpu.memory_space<vmem>>, vector<1x64xf32>
    %get3A_14 = vector.shape_cast %get3A_13 : vector<1x64xf32> to vector<64xf32>
    %broadcast_in_dim3A_15 = vector.shape_cast %get3A_14 : vector<64xf32> to vector<1x64xf32>
    %div3A = vector.broadcast %broadcast_in_dim3A_15 : vector<1x64xf32> to vector<2048x64xf32>
    %div3A_16 = arith.divf %sub3A_10, %div3A : vector<2048x64xf32>
    %broadcast_in_dim3A_17 = vector.shape_cast %get3A_2 : vector<64xf32> to vector<1x64xf32>
    %mul3A = vector.broadcast %broadcast_in_dim3A_17 : vector<1x64xf32> to vector<2048x64xf32>
    %mul3A_18 = arith.mulf %mul3A, %div3A_16 : vector<2048x64xf32>
    %get3A_19 = arith.constant 0 : index
    %get3A_20 = arith.constant 0 : index
    %get3A_21 = vector.load %arg5[%get3A_19, %get3A_20] : memref<1x64xf32, #tpu.memory_space<vmem>>, vector<1x64xf32>
    %get3A_22 = vector.shape_cast %get3A_21 : vector<1x64xf32> to vector<64xf32>
    %broadcast_in_dim3A_23 = vector.shape_cast %get3A_22 : vector<64xf32> to vector<1x64xf32>
    %add3A = vector.broadcast %broadcast_in_dim3A_23 : vector<1x64xf32> to vector<2048x64xf32>
    %add3A_24 = arith.addf %mul3A_18, %add3A : vector<2048x64xf32>
    %max3A = arith.constant 0.000000e+00 : f32
    %max3A_25 = vector.broadcast %max3A : f32 to vector<2048x64xf32>
    %max3A_26 = arith.maximumf %add3A_24, %max3A_25 : vector<2048x64xf32>
    %reshape3A = vector.shape_cast %max3A_26 : vector<2048x64xf32> to vector<64x32x64xf32>
    %reduce_max3A = arith.constant dense<0xFF800000> : vector<64x64xf32>
    %reduce_max3A_27 = vector.multi_reduction <maximumf>, %reshape3A, %reduce_max3A [1] : vector<64x32x64xf32> to vector<64x64xf32>
    %swap3A = arith.constant 0 : index
    %swap3A_28 = arith.constant 0 : index
    %swap3A_29 = vector.load %arg6[%swap3A, %swap3A_28] : memref<64x64xf32, #tpu.memory_space<vmem>>, vector<64x64xf32>
    tpu.vector_store %arg6[%swap3A, %swap3A_28], %reduce_max3A_27 {strides = array<i32>} : memref<64x64xf32, #tpu.memory_space<vmem>>, vector<64x64xf32>,
    return
  }
  func.func @transform_0(%arg0: i32) -> (i32, i32) {
    %c0_i32 = arith.constant 0 : i32
    %c0_i32_0 = arith.constant 0 : i32
    return %arg0, %c0_i32 : i32, i32
  }
  func.func @transform_1(%arg0: i32) -> (i32, i32) {
    %c0_i32 = arith.constant 0 : i32
    %c0_i32_0 = arith.constant 0 : i32
    %c0_i32_1 = arith.constant 0 : i32
    return %c0_i32, %c0_i32_0 : i32, i32
  }
  func.func @transform_2(%arg0: i32) -> (i32, i32) {
    %c0_i32 = arith.constant 0 : i32
    %c0_i32_0 = arith.constant 0 : i32
    %c0_i32_1 = arith.constant 0 : i32
    return %c0_i32, %c0_i32_0 : i32, i32
  }
  func.func @transform_3(%arg0: i32) -> (i32, i32) {
    %c0_i32 = arith.constant 0 : i32
    %c0_i32_0 = arith.constant 0 : i32
    %c0_i32_1 = arith.constant 0 : i32
    return %c0_i32, %c0_i32_0 : i32, i32
  }
  func.func @transform_4(%arg0: i32) -> (i32, i32) {
    %c0_i32 = arith.constant 0 : i32
    %c0_i32_0 = arith.constant 0 : i32
    %c0_i32_1 = arith.constant 0 : i32
    return %c0_i32, %c0_i32_0 : i32, i32
  }
  func.func @transform_5(%arg0: i32) -> (i32, i32) {
    %c0_i32 = arith.constant 0 : i32
    %c0_i32_0 = arith.constant 0 : i32
    return %arg0, %c0_i32 : i32, i32
  }
}

module attributes {stable_mosaic.version = 14 : i64} {
  func.func @_conv_body(%arg0: i32, %arg1: memref<2048x99xf32, #tpu.memory_space<vmem>>, %arg2: memref<99x64xf32, #tpu.memory_space<vmem>>, %arg3: memref<1x64xf32, #tpu.memory_space<vmem>>, %arg4: memref<1x99xf32, #tpu.memory_space<vmem>>, %arg5: memref<1x99xf32, #tpu.memory_space<vmem>>, %arg6: memref<1x99xf32, #tpu.memory_space<vmem>>, %arg7: memref<1x99xf32, #tpu.memory_space<vmem>>, %arg8: memref<2048x64xf32, #tpu.memory_space<vmem>>, %arg9: memref<1x1x64xf32, #tpu.memory_space<vmem>>) attributes {dimension_semantics = [#tpu.dimension_semantics<arbitrary>], iteration_bounds = array<i64: 16>, scalar_prefetch = 0 : i64, scratch_operands = 0 : i64, tpu.core_type = #tpu.core_type<tc>, window_params = [{transform_indices = @transform_0, window_bounds = array<i64: 2048, 99>}, {pipeline_mode = #tpu.pipeline_mode<synchronous>, transform_indices = @transform_1, window_bounds = array<i64: 99, 64>}, {pipeline_mode = #tpu.pipeline_mode<synchronous>, transform_indices = @transform_2, window_bounds = array<i64: 1, 64>}, {pipeline_mode = #tpu.pipeline_mode<synchronous>, transform_indices = @transform_3, window_bounds = array<i64: 1, 99>}, {pipeline_mode = #tpu.pipeline_mode<synchronous>, transform_indices = @transform_4, window_bounds = array<i64: 1, 99>}, {pipeline_mode = #tpu.pipeline_mode<synchronous>, transform_indices = @transform_5, window_bounds = array<i64: 1, 99>}, {pipeline_mode = #tpu.pipeline_mode<synchronous>, transform_indices = @transform_6, window_bounds = array<i64: 1, 99>}, {transform_indices = @transform_7, window_bounds = array<i64: 2048, 64>}, {transform_indices = @transform_8, window_bounds = array<i64: 1, 1, 64>}]} {
    %get3A = arith.constant 0 : index
    %get3A_0 = arith.constant 0 : index
    %get3A_1 = vector.load %arg1[%get3A, %get3A_0] : memref<2048x99xf32, #tpu.memory_space<vmem>>, vector<2048x99xf32>
    %get3A_2 = arith.constant 0 : index
    %get3A_3 = arith.constant 0 : index
    %get3A_4 = vector.load %arg2[%get3A_2, %get3A_3] : memref<99x64xf32, #tpu.memory_space<vmem>>, vector<99x64xf32>
    %dot_general3A = arith.constant dense<0.000000e+00> : vector<2048x64xf32>
    %dot_general3A_5 = tpu.matmul %get3A_1, %get3A_4, %dot_general3A {dimension_numbers = #tpu.dot_dimension_numbers<[1], [0], [0], [1], [0, 0, 1, 1], [], []>, transpose_lhs_hint = false} : vector<2048x99xf32>, vector<99x64xf32>, vector<2048x64xf32> -> vector<2048x64xf32>
    %get3A_6 = arith.constant 0 : index
    %get3A_7 = arith.constant 0 : index
    %get3A_8 = vector.load %arg3[%get3A_6, %get3A_7] : memref<1x64xf32, #tpu.memory_space<vmem>>, vector<1x64xf32>
    %get3A_9 = vector.shape_cast %get3A_8 : vector<1x64xf32> to vector<64xf32>
    %broadcast_in_dim3A = vector.shape_cast %get3A_9 : vector<64xf32> to vector<1x64xf32>
    %add3A = vector.broadcast %broadcast_in_dim3A : vector<1x64xf32> to vector<2048x64xf32>
    %add3A_10 = arith.addf %dot_general3A_5, %add3A : vector<2048x64xf32>
    %reduce_sum3A = arith.constant dense<0.000000e+00> : vector<64xf32>
    %reduce_sum3A_11 = vector.multi_reduction <add>, %add3A_10, %reduce_sum3A [0] : vector<2048x64xf32> to vector<64xf32>
    %swap3A = arith.constant 0 : index
    %swap3A_12 = arith.constant 0 : index
    %swap3A_13 = arith.constant 0 : index
    %swap3A_14 = vector.load %arg9[%swap3A, %swap3A_12, %swap3A_13] : memref<1x1x64xf32, #tpu.memory_space<vmem>>, vector<1x1x64xf32>
    %swap3A_15 = vector.shape_cast %swap3A_14 : vector<1x1x64xf32> to vector<64xf32>
    %swap3A_16 = vector.shape_cast %reduce_sum3A_11 : vector<64xf32> to vector<1x1x64xf32>
    tpu.vector_store %arg9[%swap3A, %swap3A_12, %swap3A_13], %swap3A_16 {strides = array<i32>} : memref<1x1x64xf32, #tpu.memory_space<vmem>>, vector<1x1x64xf32>,
    %swap3A_17 = arith.constant 0 : index
    %swap3A_18 = arith.constant 0 : index
    %swap3A_19 = vector.load %arg8[%swap3A_17, %swap3A_18] : memref<2048x64xf32, #tpu.memory_space<vmem>>, vector<2048x64xf32>
    tpu.vector_store %arg8[%swap3A_17, %swap3A_18], %add3A_10 {strides = array<i32>} : memref<2048x64xf32, #tpu.memory_space<vmem>>, vector<2048x64xf32>,
    return
  }
  func.func @transform_0(%arg0: i32) -> (i32, i32) {
    %c0_i32 = arith.constant 0 : i32
    %c0_i32_0 = arith.constant 0 : i32
    return %arg0, %c0_i32 : i32, i32
  }
  func.func @transform_1(%arg0: i32) -> (i32, i32) {
    %c0_i32 = arith.constant 0 : i32
    %c0_i32_0 = arith.constant 0 : i32
    %c0_i32_1 = arith.constant 0 : i32
    return %c0_i32, %c0_i32_0 : i32, i32
  }
  func.func @transform_2(%arg0: i32) -> (i32, i32) {
    %c0_i32 = arith.constant 0 : i32
    %c0_i32_0 = arith.constant 0 : i32
    %c0_i32_1 = arith.constant 0 : i32
    return %c0_i32, %c0_i32_0 : i32, i32
  }
  func.func @transform_3(%arg0: i32) -> (i32, i32) {
    %c0_i32 = arith.constant 0 : i32
    %c0_i32_0 = arith.constant 0 : i32
    %c0_i32_1 = arith.constant 0 : i32
    return %c0_i32, %c0_i32_0 : i32, i32
  }
  func.func @transform_4(%arg0: i32) -> (i32, i32) {
    %c0_i32 = arith.constant 0 : i32
    %c0_i32_0 = arith.constant 0 : i32
    %c0_i32_1 = arith.constant 0 : i32
    return %c0_i32, %c0_i32_0 : i32, i32
  }
  func.func @transform_5(%arg0: i32) -> (i32, i32) {
    %c0_i32 = arith.constant 0 : i32
    %c0_i32_0 = arith.constant 0 : i32
    %c0_i32_1 = arith.constant 0 : i32
    return %c0_i32, %c0_i32_0 : i32, i32
  }
  func.func @transform_6(%arg0: i32) -> (i32, i32) {
    %c0_i32 = arith.constant 0 : i32
    %c0_i32_0 = arith.constant 0 : i32
    %c0_i32_1 = arith.constant 0 : i32
    return %c0_i32, %c0_i32_0 : i32, i32
  }
  func.func @transform_7(%arg0: i32) -> (i32, i32) {
    %c0_i32 = arith.constant 0 : i32
    %c0_i32_0 = arith.constant 0 : i32
    return %arg0, %c0_i32 : i32, i32
  }
  func.func @transform_8(%arg0: i32) -> (i32, i32, i32) {
    %c0_i32 = arith.constant 0 : i32
    %c0_i32_0 = arith.constant 0 : i32
    %c0_i32_1 = arith.constant 0 : i32
    return %arg0, %c0_i32, %c0_i32_0 : i32, i32, i32
  }
}

module attributes {stable_mosaic.version = 14 : i64} {
  func.func @_conv_body(%arg0: i32, %arg1: memref<2048x64xf32, #tpu.memory_space<vmem>>, %arg2: memref<64x64xf32, #tpu.memory_space<vmem>>, %arg3: memref<1x64xf32, #tpu.memory_space<vmem>>, %arg4: memref<1x64xf32, #tpu.memory_space<vmem>>, %arg5: memref<1x64xf32, #tpu.memory_space<vmem>>, %arg6: memref<1x64xf32, #tpu.memory_space<vmem>>, %arg7: memref<1x64xf32, #tpu.memory_space<vmem>>, %arg8: memref<2048x64xf32, #tpu.memory_space<vmem>>, %arg9: memref<1x1x64xf32, #tpu.memory_space<vmem>>) attributes {dimension_semantics = [#tpu.dimension_semantics<arbitrary>], iteration_bounds = array<i64: 16>, scalar_prefetch = 0 : i64, scratch_operands = 0 : i64, tpu.core_type = #tpu.core_type<tc>, window_params = [{transform_indices = @transform_0, window_bounds = array<i64: 2048, 64>}, {pipeline_mode = #tpu.pipeline_mode<synchronous>, transform_indices = @transform_1, window_bounds = array<i64: 64, 64>}, {pipeline_mode = #tpu.pipeline_mode<synchronous>, transform_indices = @transform_2, window_bounds = array<i64: 1, 64>}, {pipeline_mode = #tpu.pipeline_mode<synchronous>, transform_indices = @transform_3, window_bounds = array<i64: 1, 64>}, {pipeline_mode = #tpu.pipeline_mode<synchronous>, transform_indices = @transform_4, window_bounds = array<i64: 1, 64>}, {pipeline_mode = #tpu.pipeline_mode<synchronous>, transform_indices = @transform_5, window_bounds = array<i64: 1, 64>}, {pipeline_mode = #tpu.pipeline_mode<synchronous>, transform_indices = @transform_6, window_bounds = array<i64: 1, 64>}, {transform_indices = @transform_7, window_bounds = array<i64: 2048, 64>}, {transform_indices = @transform_8, window_bounds = array<i64: 1, 1, 64>}]} {
    %get3A = arith.constant 0 : index
    %get3A_0 = arith.constant 0 : index
    %get3A_1 = vector.load %arg1[%get3A, %get3A_0] : memref<2048x64xf32, #tpu.memory_space<vmem>>, vector<2048x64xf32>
    %get3A_2 = arith.constant 0 : index
    %get3A_3 = arith.constant 0 : index
    %get3A_4 = vector.load %arg6[%get3A_2, %get3A_3] : memref<1x64xf32, #tpu.memory_space<vmem>>, vector<1x64xf32>
    %get3A_5 = vector.shape_cast %get3A_4 : vector<1x64xf32> to vector<64xf32>
    %get3A_6 = arith.constant 0 : index
    %get3A_7 = arith.constant 0 : index
    %get3A_8 = vector.load %arg4[%get3A_6, %get3A_7] : memref<1x64xf32, #tpu.memory_space<vmem>>, vector<1x64xf32>
    %get3A_9 = vector.shape_cast %get3A_8 : vector<1x64xf32> to vector<64xf32>
    %broadcast_in_dim3A = vector.shape_cast %get3A_9 : vector<64xf32> to vector<1x64xf32>
    %sub3A = vector.broadcast %broadcast_in_dim3A : vector<1x64xf32> to vector<2048x64xf32>
    %sub3A_10 = arith.subf %get3A_1, %sub3A : vector<2048x64xf32>
    %get3A_11 = arith.constant 0 : index
    %get3A_12 = arith.constant 0 : index
    %get3A_13 = vector.load %arg5[%get3A_11, %get3A_12] : memref<1x64xf32, #tpu.memory_space<vmem>>, vector<1x64xf32>
    %get3A_14 = vector.shape_cast %get3A_13 : vector<1x64xf32> to vector<64xf32>
    %broadcast_in_dim3A_15 = vector.shape_cast %get3A_14 : vector<64xf32> to vector<1x64xf32>
    %div3A = vector.broadcast %broadcast_in_dim3A_15 : vector<1x64xf32> to vector<2048x64xf32>
    %div3A_16 = arith.divf %sub3A_10, %div3A : vector<2048x64xf32>
    %broadcast_in_dim3A_17 = vector.shape_cast %get3A_5 : vector<64xf32> to vector<1x64xf32>
    %mul3A = vector.broadcast %broadcast_in_dim3A_17 : vector<1x64xf32> to vector<2048x64xf32>
    %mul3A_18 = arith.mulf %mul3A, %div3A_16 : vector<2048x64xf32>
    %get3A_19 = arith.constant 0 : index
    %get3A_20 = arith.constant 0 : index
    %get3A_21 = vector.load %arg7[%get3A_19, %get3A_20] : memref<1x64xf32, #tpu.memory_space<vmem>>, vector<1x64xf32>
    %get3A_22 = vector.shape_cast %get3A_21 : vector<1x64xf32> to vector<64xf32>
    %broadcast_in_dim3A_23 = vector.shape_cast %get3A_22 : vector<64xf32> to vector<1x64xf32>
    %add3A = vector.broadcast %broadcast_in_dim3A_23 : vector<1x64xf32> to vector<2048x64xf32>
    %add3A_24 = arith.addf %mul3A_18, %add3A : vector<2048x64xf32>
    %max3A = arith.constant 0.000000e+00 : f32
    %max3A_25 = vector.broadcast %max3A : f32 to vector<2048x64xf32>
    %max3A_26 = arith.maximumf %add3A_24, %max3A_25 : vector<2048x64xf32>
    %get3A_27 = arith.constant 0 : index
    %get3A_28 = arith.constant 0 : index
    %get3A_29 = vector.load %arg2[%get3A_27, %get3A_28] : memref<64x64xf32, #tpu.memory_space<vmem>>, vector<64x64xf32>
    %dot_general3A = arith.constant dense<0.000000e+00> : vector<2048x64xf32>
    %dot_general3A_30 = tpu.matmul %max3A_26, %get3A_29, %dot_general3A {dimension_numbers = #tpu.dot_dimension_numbers<[1], [0], [0], [1], [0, 0, 1, 1], [], []>, transpose_lhs_hint = false} : vector<2048x64xf32>, vector<64x64xf32>, vector<2048x64xf32> -> vector<2048x64xf32>
    %get3A_31 = arith.constant 0 : index
    %get3A_32 = arith.constant 0 : index
    %get3A_33 = vector.load %arg3[%get3A_31, %get3A_32] : memref<1x64xf32, #tpu.memory_space<vmem>>, vector<1x64xf32>
    %get3A_34 = vector.shape_cast %get3A_33 : vector<1x64xf32> to vector<64xf32>
    %broadcast_in_dim3A_35 = vector.shape_cast %get3A_34 : vector<64xf32> to vector<1x64xf32>
    %add3A_36 = vector.broadcast %broadcast_in_dim3A_35 : vector<1x64xf32> to vector<2048x64xf32>
    %add3A_37 = arith.addf %dot_general3A_30, %add3A_36 : vector<2048x64xf32>
    %reduce_sum3A = arith.constant dense<0.000000e+00> : vector<64xf32>
    %reduce_sum3A_38 = vector.multi_reduction <add>, %add3A_37, %reduce_sum3A [0] : vector<2048x64xf32> to vector<64xf32>
    %swap3A = arith.constant 0 : index
    %swap3A_39 = arith.constant 0 : index
    %swap3A_40 = arith.constant 0 : index
    %swap3A_41 = vector.load %arg9[%swap3A, %swap3A_39, %swap3A_40] : memref<1x1x64xf32, #tpu.memory_space<vmem>>, vector<1x1x64xf32>
    %swap3A_42 = vector.shape_cast %swap3A_41 : vector<1x1x64xf32> to vector<64xf32>
    %swap3A_43 = vector.shape_cast %reduce_sum3A_38 : vector<64xf32> to vector<1x1x64xf32>
    tpu.vector_store %arg9[%swap3A, %swap3A_39, %swap3A_40], %swap3A_43 {strides = array<i32>} : memref<1x1x64xf32, #tpu.memory_space<vmem>>, vector<1x1x64xf32>,
    %swap3A_44 = arith.constant 0 : index
    %swap3A_45 = arith.constant 0 : index
    %swap3A_46 = vector.load %arg8[%swap3A_44, %swap3A_45] : memref<2048x64xf32, #tpu.memory_space<vmem>>, vector<2048x64xf32>
    tpu.vector_store %arg8[%swap3A_44, %swap3A_45], %add3A_37 {strides = array<i32>} : memref<2048x64xf32, #tpu.memory_space<vmem>>, vector<2048x64xf32>,
    return
  }
  func.func @transform_0(%arg0: i32) -> (i32, i32) {
    %c0_i32 = arith.constant 0 : i32
    %c0_i32_0 = arith.constant 0 : i32
    return %arg0, %c0_i32 : i32, i32
  }
  func.func @transform_1(%arg0: i32) -> (i32, i32) {
    %c0_i32 = arith.constant 0 : i32
    %c0_i32_0 = arith.constant 0 : i32
    %c0_i32_1 = arith.constant 0 : i32
    return %c0_i32, %c0_i32_0 : i32, i32
  }
  func.func @transform_2(%arg0: i32) -> (i32, i32) {
    %c0_i32 = arith.constant 0 : i32
    %c0_i32_0 = arith.constant 0 : i32
    %c0_i32_1 = arith.constant 0 : i32
    return %c0_i32, %c0_i32_0 : i32, i32
  }
  func.func @transform_3(%arg0: i32) -> (i32, i32) {
    %c0_i32 = arith.constant 0 : i32
    %c0_i32_0 = arith.constant 0 : i32
    %c0_i32_1 = arith.constant 0 : i32
    return %c0_i32, %c0_i32_0 : i32, i32
  }
  func.func @transform_4(%arg0: i32) -> (i32, i32) {
    %c0_i32 = arith.constant 0 : i32
    %c0_i32_0 = arith.constant 0 : i32
    %c0_i32_1 = arith.constant 0 : i32
    return %c0_i32, %c0_i32_0 : i32, i32
  }
  func.func @transform_5(%arg0: i32) -> (i32, i32) {
    %c0_i32 = arith.constant 0 : i32
    %c0_i32_0 = arith.constant 0 : i32
    %c0_i32_1 = arith.constant 0 : i32
    return %c0_i32, %c0_i32_0 : i32, i32
  }
  func.func @transform_6(%arg0: i32) -> (i32, i32) {
    %c0_i32 = arith.constant 0 : i32
    %c0_i32_0 = arith.constant 0 : i32
    %c0_i32_1 = arith.constant 0 : i32
    return %c0_i32, %c0_i32_0 : i32, i32
  }
  func.func @transform_7(%arg0: i32) -> (i32, i32) {
    %c0_i32 = arith.constant 0 : i32
    %c0_i32_0 = arith.constant 0 : i32
    return %arg0, %c0_i32 : i32, i32
  }
  func.func @transform_8(%arg0: i32) -> (i32, i32, i32) {
    %c0_i32 = arith.constant 0 : i32
    %c0_i32_0 = arith.constant 0 : i32
    %c0_i32_1 = arith.constant 0 : i32
    return %arg0, %c0_i32, %c0_i32_0 : i32, i32, i32
  }
}

module attributes {stable_mosaic.version = 14 : i64} {
  func.func @_conv_body(%arg0: i32, %arg1: memref<2048x99xf32, #tpu.memory_space<vmem>>, %arg2: memref<99x64xf32, #tpu.memory_space<vmem>>, %arg3: memref<1x64xf32, #tpu.memory_space<vmem>>, %arg4: memref<1x99xf32, #tpu.memory_space<vmem>>, %arg5: memref<1x99xf32, #tpu.memory_space<vmem>>, %arg6: memref<1x99xf32, #tpu.memory_space<vmem>>, %arg7: memref<1x99xf32, #tpu.memory_space<vmem>>, %arg8: memref<2048x64xf32, #tpu.memory_space<vmem>>, %arg9: memref<1x1x64xf32, #tpu.memory_space<vmem>>) attributes {dimension_semantics = [#tpu.dimension_semantics<arbitrary>], iteration_bounds = array<i64: 32>, scalar_prefetch = 0 : i64, scratch_operands = 0 : i64, tpu.core_type = #tpu.core_type<tc>, window_params = [{transform_indices = @transform_0, window_bounds = array<i64: 2048, 99>}, {pipeline_mode = #tpu.pipeline_mode<synchronous>, transform_indices = @transform_1, window_bounds = array<i64: 99, 64>}, {pipeline_mode = #tpu.pipeline_mode<synchronous>, transform_indices = @transform_2, window_bounds = array<i64: 1, 64>}, {pipeline_mode = #tpu.pipeline_mode<synchronous>, transform_indices = @transform_3, window_bounds = array<i64: 1, 99>}, {pipeline_mode = #tpu.pipeline_mode<synchronous>, transform_indices = @transform_4, window_bounds = array<i64: 1, 99>}, {pipeline_mode = #tpu.pipeline_mode<synchronous>, transform_indices = @transform_5, window_bounds = array<i64: 1, 99>}, {pipeline_mode = #tpu.pipeline_mode<synchronous>, transform_indices = @transform_6, window_bounds = array<i64: 1, 99>}, {transform_indices = @transform_7, window_bounds = array<i64: 2048, 64>}, {transform_indices = @transform_8, window_bounds = array<i64: 1, 1, 64>}]} {
    %get3A = arith.constant 0 : index
    %get3A_0 = arith.constant 0 : index
    %get3A_1 = vector.load %arg1[%get3A, %get3A_0] : memref<2048x99xf32, #tpu.memory_space<vmem>>, vector<2048x99xf32>
    %get3A_2 = arith.constant 0 : index
    %get3A_3 = arith.constant 0 : index
    %get3A_4 = vector.load %arg2[%get3A_2, %get3A_3] : memref<99x64xf32, #tpu.memory_space<vmem>>, vector<99x64xf32>
    %dot_general3A = arith.constant dense<0.000000e+00> : vector<2048x64xf32>
    %dot_general3A_5 = tpu.matmul %get3A_1, %get3A_4, %dot_general3A {dimension_numbers = #tpu.dot_dimension_numbers<[1], [0], [0], [1], [0, 0, 1, 1], [], []>, transpose_lhs_hint = false} : vector<2048x99xf32>, vector<99x64xf32>, vector<2048x64xf32> -> vector<2048x64xf32>
    %get3A_6 = arith.constant 0 : index
    %get3A_7 = arith.constant 0 : index
    %get3A_8 = vector.load %arg3[%get3A_6, %get3A_7] : memref<1x64xf32, #tpu.memory_space<vmem>>, vector<1x64xf32>
    %get3A_9 = vector.shape_cast %get3A_8 : vector<1x64xf32> to vector<64xf32>
    %broadcast_in_dim3A = vector.shape_cast %get3A_9 : vector<64xf32> to vector<1x64xf32>
    %add3A = vector.broadcast %broadcast_in_dim3A : vector<1x64xf32> to vector<2048x64xf32>
    %add3A_10 = arith.addf %dot_general3A_5, %add3A : vector<2048x64xf32>
    %reduce_sum3A = arith.constant dense<0.000000e+00> : vector<64xf32>
    %reduce_sum3A_11 = vector.multi_reduction <add>, %add3A_10, %reduce_sum3A [0] : vector<2048x64xf32> to vector<64xf32>
    %swap3A = arith.constant 0 : index
    %swap3A_12 = arith.constant 0 : index
    %swap3A_13 = arith.constant 0 : index
    %swap3A_14 = vector.load %arg9[%swap3A, %swap3A_12, %swap3A_13] : memref<1x1x64xf32, #tpu.memory_space<vmem>>, vector<1x1x64xf32>
    %swap3A_15 = vector.shape_cast %swap3A_14 : vector<1x1x64xf32> to vector<64xf32>
    %swap3A_16 = vector.shape_cast %reduce_sum3A_11 : vector<64xf32> to vector<1x1x64xf32>
    tpu.vector_store %arg9[%swap3A, %swap3A_12, %swap3A_13], %swap3A_16 {strides = array<i32>} : memref<1x1x64xf32, #tpu.memory_space<vmem>>, vector<1x1x64xf32>,
    %swap3A_17 = arith.constant 0 : index
    %swap3A_18 = arith.constant 0 : index
    %swap3A_19 = vector.load %arg8[%swap3A_17, %swap3A_18] : memref<2048x64xf32, #tpu.memory_space<vmem>>, vector<2048x64xf32>
    tpu.vector_store %arg8[%swap3A_17, %swap3A_18], %add3A_10 {strides = array<i32>} : memref<2048x64xf32, #tpu.memory_space<vmem>>, vector<2048x64xf32>,
    return
  }
  func.func @transform_0(%arg0: i32) -> (i32, i32) {
    %c0_i32 = arith.constant 0 : i32
    %c0_i32_0 = arith.constant 0 : i32
    return %arg0, %c0_i32 : i32, i32
  }
  func.func @transform_1(%arg0: i32) -> (i32, i32) {
    %c0_i32 = arith.constant 0 : i32
    %c0_i32_0 = arith.constant 0 : i32
    %c0_i32_1 = arith.constant 0 : i32
    return %c0_i32, %c0_i32_0 : i32, i32
  }
  func.func @transform_2(%arg0: i32) -> (i32, i32) {
    %c0_i32 = arith.constant 0 : i32
    %c0_i32_0 = arith.constant 0 : i32
    %c0_i32_1 = arith.constant 0 : i32
    return %c0_i32, %c0_i32_0 : i32, i32
  }
  func.func @transform_3(%arg0: i32) -> (i32, i32) {
    %c0_i32 = arith.constant 0 : i32
    %c0_i32_0 = arith.constant 0 : i32
    %c0_i32_1 = arith.constant 0 : i32
    return %c0_i32, %c0_i32_0 : i32, i32
  }
  func.func @transform_4(%arg0: i32) -> (i32, i32) {
    %c0_i32 = arith.constant 0 : i32
    %c0_i32_0 = arith.constant 0 : i32
    %c0_i32_1 = arith.constant 0 : i32
    return %c0_i32, %c0_i32_0 : i32, i32
  }
  func.func @transform_5(%arg0: i32) -> (i32, i32) {
    %c0_i32 = arith.constant 0 : i32
    %c0_i32_0 = arith.constant 0 : i32
    %c0_i32_1 = arith.constant 0 : i32
    return %c0_i32, %c0_i32_0 : i32, i32
  }
  func.func @transform_6(%arg0: i32) -> (i32, i32) {
    %c0_i32 = arith.constant 0 : i32
    %c0_i32_0 = arith.constant 0 : i32
    %c0_i32_1 = arith.constant 0 : i32
    return %c0_i32, %c0_i32_0 : i32, i32
  }
  func.func @transform_7(%arg0: i32) -> (i32, i32) {
    %c0_i32 = arith.constant 0 : i32
    %c0_i32_0 = arith.constant 0 : i32
    return %arg0, %c0_i32 : i32, i32
  }
  func.func @transform_8(%arg0: i32) -> (i32, i32, i32) {
    %c0_i32 = arith.constant 0 : i32
    %c0_i32_0 = arith.constant 0 : i32
    %c0_i32_1 = arith.constant 0 : i32
    return %arg0, %c0_i32, %c0_i32_0 : i32, i32, i32
  }
}

module attributes {stable_mosaic.version = 14 : i64} {
  func.func @_conv_body(%arg0: i32, %arg1: memref<2048x64xf32, #tpu.memory_space<vmem>>, %arg2: memref<64x96xf32, #tpu.memory_space<vmem>>, %arg3: memref<1x96xf32, #tpu.memory_space<vmem>>, %arg4: memref<1x64xf32, #tpu.memory_space<vmem>>, %arg5: memref<1x64xf32, #tpu.memory_space<vmem>>, %arg6: memref<1x64xf32, #tpu.memory_space<vmem>>, %arg7: memref<1x64xf32, #tpu.memory_space<vmem>>, %arg8: memref<2048x96xf32, #tpu.memory_space<vmem>>, %arg9: memref<1x1x96xf32, #tpu.memory_space<vmem>>) attributes {dimension_semantics = [#tpu.dimension_semantics<arbitrary>], iteration_bounds = array<i64: 32>, scalar_prefetch = 0 : i64, scratch_operands = 0 : i64, tpu.core_type = #tpu.core_type<tc>, window_params = [{transform_indices = @transform_0, window_bounds = array<i64: 2048, 64>}, {pipeline_mode = #tpu.pipeline_mode<synchronous>, transform_indices = @transform_1, window_bounds = array<i64: 64, 96>}, {pipeline_mode = #tpu.pipeline_mode<synchronous>, transform_indices = @transform_2, window_bounds = array<i64: 1, 96>}, {pipeline_mode = #tpu.pipeline_mode<synchronous>, transform_indices = @transform_3, window_bounds = array<i64: 1, 64>}, {pipeline_mode = #tpu.pipeline_mode<synchronous>, transform_indices = @transform_4, window_bounds = array<i64: 1, 64>}, {pipeline_mode = #tpu.pipeline_mode<synchronous>, transform_indices = @transform_5, window_bounds = array<i64: 1, 64>}, {pipeline_mode = #tpu.pipeline_mode<synchronous>, transform_indices = @transform_6, window_bounds = array<i64: 1, 64>}, {transform_indices = @transform_7, window_bounds = array<i64: 2048, 96>}, {transform_indices = @transform_8, window_bounds = array<i64: 1, 1, 96>}]} {
    %get3A = arith.constant 0 : index
    %get3A_0 = arith.constant 0 : index
    %get3A_1 = vector.load %arg1[%get3A, %get3A_0] : memref<2048x64xf32, #tpu.memory_space<vmem>>, vector<2048x64xf32>
    %get3A_2 = arith.constant 0 : index
    %get3A_3 = arith.constant 0 : index
    %get3A_4 = vector.load %arg6[%get3A_2, %get3A_3] : memref<1x64xf32, #tpu.memory_space<vmem>>, vector<1x64xf32>
    %get3A_5 = vector.shape_cast %get3A_4 : vector<1x64xf32> to vector<64xf32>
    %get3A_6 = arith.constant 0 : index
    %get3A_7 = arith.constant 0 : index
    %get3A_8 = vector.load %arg4[%get3A_6, %get3A_7] : memref<1x64xf32, #tpu.memory_space<vmem>>, vector<1x64xf32>
    %get3A_9 = vector.shape_cast %get3A_8 : vector<1x64xf32> to vector<64xf32>
    %broadcast_in_dim3A = vector.shape_cast %get3A_9 : vector<64xf32> to vector<1x64xf32>
    %sub3A = vector.broadcast %broadcast_in_dim3A : vector<1x64xf32> to vector<2048x64xf32>
    %sub3A_10 = arith.subf %get3A_1, %sub3A : vector<2048x64xf32>
    %get3A_11 = arith.constant 0 : index
    %get3A_12 = arith.constant 0 : index
    %get3A_13 = vector.load %arg5[%get3A_11, %get3A_12] : memref<1x64xf32, #tpu.memory_space<vmem>>, vector<1x64xf32>
    %get3A_14 = vector.shape_cast %get3A_13 : vector<1x64xf32> to vector<64xf32>
    %broadcast_in_dim3A_15 = vector.shape_cast %get3A_14 : vector<64xf32> to vector<1x64xf32>
    %div3A = vector.broadcast %broadcast_in_dim3A_15 : vector<1x64xf32> to vector<2048x64xf32>
    %div3A_16 = arith.divf %sub3A_10, %div3A : vector<2048x64xf32>
    %broadcast_in_dim3A_17 = vector.shape_cast %get3A_5 : vector<64xf32> to vector<1x64xf32>
    %mul3A = vector.broadcast %broadcast_in_dim3A_17 : vector<1x64xf32> to vector<2048x64xf32>
    %mul3A_18 = arith.mulf %mul3A, %div3A_16 : vector<2048x64xf32>
    %get3A_19 = arith.constant 0 : index
    %get3A_20 = arith.constant 0 : index
    %get3A_21 = vector.load %arg7[%get3A_19, %get3A_20] : memref<1x64xf32, #tpu.memory_space<vmem>>, vector<1x64xf32>
    %get3A_22 = vector.shape_cast %get3A_21 : vector<1x64xf32> to vector<64xf32>
    %broadcast_in_dim3A_23 = vector.shape_cast %get3A_22 : vector<64xf32> to vector<1x64xf32>
    %add3A = vector.broadcast %broadcast_in_dim3A_23 : vector<1x64xf32> to vector<2048x64xf32>
    %add3A_24 = arith.addf %mul3A_18, %add3A : vector<2048x64xf32>
    %max3A = arith.constant 0.000000e+00 : f32
    %max3A_25 = vector.broadcast %max3A : f32 to vector<2048x64xf32>
    %max3A_26 = arith.maximumf %add3A_24, %max3A_25 : vector<2048x64xf32>
    %get3A_27 = arith.constant 0 : index
    %get3A_28 = arith.constant 0 : index
    %get3A_29 = vector.load %arg2[%get3A_27, %get3A_28] : memref<64x96xf32, #tpu.memory_space<vmem>>, vector<64x96xf32>
    %dot_general3A = arith.constant dense<0.000000e+00> : vector<2048x96xf32>
    %dot_general3A_30 = tpu.matmul %max3A_26, %get3A_29, %dot_general3A {dimension_numbers = #tpu.dot_dimension_numbers<[1], [0], [0], [1], [0, 0, 1, 1], [], []>, transpose_lhs_hint = false} : vector<2048x64xf32>, vector<64x96xf32>, vector<2048x96xf32> -> vector<2048x96xf32>
    %get3A_31 = arith.constant 0 : index
    %get3A_32 = arith.constant 0 : index
    %get3A_33 = vector.load %arg3[%get3A_31, %get3A_32] : memref<1x96xf32, #tpu.memory_space<vmem>>, vector<1x96xf32>
    %get3A_34 = vector.shape_cast %get3A_33 : vector<1x96xf32> to vector<96xf32>
    %broadcast_in_dim3A_35 = vector.shape_cast %get3A_34 : vector<96xf32> to vector<1x96xf32>
    %add3A_36 = vector.broadcast %broadcast_in_dim3A_35 : vector<1x96xf32> to vector<2048x96xf32>
    %add3A_37 = arith.addf %dot_general3A_30, %add3A_36 : vector<2048x96xf32>
    %reduce_sum3A = arith.constant dense<0.000000e+00> : vector<96xf32>
    %reduce_sum3A_38 = vector.multi_reduction <add>, %add3A_37, %reduce_sum3A [0] : vector<2048x96xf32> to vector<96xf32>
    %swap3A = arith.constant 0 : index
    %swap3A_39 = arith.constant 0 : index
    %swap3A_40 = arith.constant 0 : index
    %swap3A_41 = vector.load %arg9[%swap3A, %swap3A_39, %swap3A_40] : memref<1x1x96xf32, #tpu.memory_space<vmem>>, vector<1x1x96xf32>
    %swap3A_42 = vector.shape_cast %swap3A_41 : vector<1x1x96xf32> to vector<96xf32>
    %swap3A_43 = vector.shape_cast %reduce_sum3A_38 : vector<96xf32> to vector<1x1x96xf32>
    tpu.vector_store %arg9[%swap3A, %swap3A_39, %swap3A_40], %swap3A_43 {strides = array<i32>} : memref<1x1x96xf32, #tpu.memory_space<vmem>>, vector<1x1x96xf32>,
    %swap3A_44 = arith.constant 0 : index
    %swap3A_45 = arith.constant 0 : index
    %swap3A_46 = vector.load %arg8[%swap3A_44, %swap3A_45] : memref<2048x96xf32, #tpu.memory_space<vmem>>, vector<2048x96xf32>
    tpu.vector_store %arg8[%swap3A_44, %swap3A_45], %add3A_37 {strides = array<i32>} : memref<2048x96xf32, #tpu.memory_space<vmem>>, vector<2048x96xf32>,
    return
  }
  func.func @transform_0(%arg0: i32) -> (i32, i32) {
    %c0_i32 = arith.constant 0 : i32
    %c0_i32_0 = arith.constant 0 : i32
    return %arg0, %c0_i32 : i32, i32
  }
  func.func @transform_1(%arg0: i32) -> (i32, i32) {
    %c0_i32 = arith.constant 0 : i32
    %c0_i32_0 = arith.constant 0 : i32
    %c0_i32_1 = arith.constant 0 : i32
    return %c0_i32, %c0_i32_0 : i32, i32
  }
  func.func @transform_2(%arg0: i32) -> (i32, i32) {
    %c0_i32 = arith.constant 0 : i32
    %c0_i32_0 = arith.constant 0 : i32
    %c0_i32_1 = arith.constant 0 : i32
    return %c0_i32, %c0_i32_0 : i32, i32
  }
  func.func @transform_3(%arg0: i32) -> (i32, i32) {
    %c0_i32 = arith.constant 0 : i32
    %c0_i32_0 = arith.constant 0 : i32
    %c0_i32_1 = arith.constant 0 : i32
    return %c0_i32, %c0_i32_0 : i32, i32
  }
  func.func @transform_4(%arg0: i32) -> (i32, i32) {
    %c0_i32 = arith.constant 0 : i32
    %c0_i32_0 = arith.constant 0 : i32
    %c0_i32_1 = arith.constant 0 : i32
    return %c0_i32, %c0_i32_0 : i32, i32
  }
  func.func @transform_5(%arg0: i32) -> (i32, i32) {
    %c0_i32 = arith.constant 0 : i32
    %c0_i32_0 = arith.constant 0 : i32
    %c0_i32_1 = arith.constant 0 : i32
    return %c0_i32, %c0_i32_0 : i32, i32
  }
  func.func @transform_6(%arg0: i32) -> (i32, i32) {
    %c0_i32 = arith.constant 0 : i32
    %c0_i32_0 = arith.constant 0 : i32
    %c0_i32_1 = arith.constant 0 : i32
    return %c0_i32, %c0_i32_0 : i32, i32
  }
  func.func @transform_7(%arg0: i32) -> (i32, i32) {
    %c0_i32 = arith.constant 0 : i32
    %c0_i32_0 = arith.constant 0 : i32
    return %arg0, %c0_i32 : i32, i32
  }
  func.func @transform_8(%arg0: i32) -> (i32, i32, i32) {
    %c0_i32 = arith.constant 0 : i32
    %c0_i32_0 = arith.constant 0 : i32
    %c0_i32_1 = arith.constant 0 : i32
    return %arg0, %c0_i32, %c0_i32_0 : i32, i32, i32
  }
}

module attributes {stable_mosaic.version = 14 : i64} {
  func.func @_conv_body(%arg0: i32, %arg1: memref<2048x64xf32, #tpu.memory_space<vmem>>, %arg2: memref<64x128xf32, #tpu.memory_space<vmem>>, %arg3: memref<1x128xf32, #tpu.memory_space<vmem>>, %arg4: memref<1x64xf32, #tpu.memory_space<vmem>>, %arg5: memref<1x64xf32, #tpu.memory_space<vmem>>, %arg6: memref<1x64xf32, #tpu.memory_space<vmem>>, %arg7: memref<1x64xf32, #tpu.memory_space<vmem>>, %arg8: memref<2048x128xf32, #tpu.memory_space<vmem>>, %arg9: memref<1x1x128xf32, #tpu.memory_space<vmem>>) attributes {dimension_semantics = [#tpu.dimension_semantics<arbitrary>], iteration_bounds = array<i64: 16>, scalar_prefetch = 0 : i64, scratch_operands = 0 : i64, tpu.core_type = #tpu.core_type<tc>, window_params = [{transform_indices = @transform_0, window_bounds = array<i64: 2048, 64>}, {pipeline_mode = #tpu.pipeline_mode<synchronous>, transform_indices = @transform_1, window_bounds = array<i64: 64, 128>}, {pipeline_mode = #tpu.pipeline_mode<synchronous>, transform_indices = @transform_2, window_bounds = array<i64: 1, 128>}, {pipeline_mode = #tpu.pipeline_mode<synchronous>, transform_indices = @transform_3, window_bounds = array<i64: 1, 64>}, {pipeline_mode = #tpu.pipeline_mode<synchronous>, transform_indices = @transform_4, window_bounds = array<i64: 1, 64>}, {pipeline_mode = #tpu.pipeline_mode<synchronous>, transform_indices = @transform_5, window_bounds = array<i64: 1, 64>}, {pipeline_mode = #tpu.pipeline_mode<synchronous>, transform_indices = @transform_6, window_bounds = array<i64: 1, 64>}, {transform_indices = @transform_7, window_bounds = array<i64: 2048, 128>}, {transform_indices = @transform_8, window_bounds = array<i64: 1, 1, 128>}]} {
    %get3A = arith.constant 0 : index
    %get3A_0 = arith.constant 0 : index
    %get3A_1 = vector.load %arg1[%get3A, %get3A_0] : memref<2048x64xf32, #tpu.memory_space<vmem>>, vector<2048x64xf32>
    %get3A_2 = arith.constant 0 : index
    %get3A_3 = arith.constant 0 : index
    %get3A_4 = vector.load %arg6[%get3A_2, %get3A_3] : memref<1x64xf32, #tpu.memory_space<vmem>>, vector<1x64xf32>
    %get3A_5 = vector.shape_cast %get3A_4 : vector<1x64xf32> to vector<64xf32>
    %get3A_6 = arith.constant 0 : index
    %get3A_7 = arith.constant 0 : index
    %get3A_8 = vector.load %arg4[%get3A_6, %get3A_7] : memref<1x64xf32, #tpu.memory_space<vmem>>, vector<1x64xf32>
    %get3A_9 = vector.shape_cast %get3A_8 : vector<1x64xf32> to vector<64xf32>
    %broadcast_in_dim3A = vector.shape_cast %get3A_9 : vector<64xf32> to vector<1x64xf32>
    %sub3A = vector.broadcast %broadcast_in_dim3A : vector<1x64xf32> to vector<2048x64xf32>
    %sub3A_10 = arith.subf %get3A_1, %sub3A : vector<2048x64xf32>
    %get3A_11 = arith.constant 0 : index
    %get3A_12 = arith.constant 0 : index
    %get3A_13 = vector.load %arg5[%get3A_11, %get3A_12] : memref<1x64xf32, #tpu.memory_space<vmem>>, vector<1x64xf32>
    %get3A_14 = vector.shape_cast %get3A_13 : vector<1x64xf32> to vector<64xf32>
    %broadcast_in_dim3A_15 = vector.shape_cast %get3A_14 : vector<64xf32> to vector<1x64xf32>
    %div3A = vector.broadcast %broadcast_in_dim3A_15 : vector<1x64xf32> to vector<2048x64xf32>
    %div3A_16 = arith.divf %sub3A_10, %div3A : vector<2048x64xf32>
    %broadcast_in_dim3A_17 = vector.shape_cast %get3A_5 : vector<64xf32> to vector<1x64xf32>
    %mul3A = vector.broadcast %broadcast_in_dim3A_17 : vector<1x64xf32> to vector<2048x64xf32>
    %mul3A_18 = arith.mulf %mul3A, %div3A_16 : vector<2048x64xf32>
    %get3A_19 = arith.constant 0 : index
    %get3A_20 = arith.constant 0 : index
    %get3A_21 = vector.load %arg7[%get3A_19, %get3A_20] : memref<1x64xf32, #tpu.memory_space<vmem>>, vector<1x64xf32>
    %get3A_22 = vector.shape_cast %get3A_21 : vector<1x64xf32> to vector<64xf32>
    %broadcast_in_dim3A_23 = vector.shape_cast %get3A_22 : vector<64xf32> to vector<1x64xf32>
    %add3A = vector.broadcast %broadcast_in_dim3A_23 : vector<1x64xf32> to vector<2048x64xf32>
    %add3A_24 = arith.addf %mul3A_18, %add3A : vector<2048x64xf32>
    %max3A = arith.constant 0.000000e+00 : f32
    %max3A_25 = vector.broadcast %max3A : f32 to vector<2048x64xf32>
    %max3A_26 = arith.maximumf %add3A_24, %max3A_25 : vector<2048x64xf32>
    %get3A_27 = arith.constant 0 : index
    %get3A_28 = arith.constant 0 : index
    %get3A_29 = vector.load %arg2[%get3A_27, %get3A_28] : memref<64x128xf32, #tpu.memory_space<vmem>>, vector<64x128xf32>
    %dot_general3A = arith.constant dense<0.000000e+00> : vector<2048x128xf32>
    %dot_general3A_30 = tpu.matmul %max3A_26, %get3A_29, %dot_general3A {dimension_numbers = #tpu.dot_dimension_numbers<[1], [0], [0], [1], [0, 0, 1, 1], [], []>, transpose_lhs_hint = false} : vector<2048x64xf32>, vector<64x128xf32>, vector<2048x128xf32> -> vector<2048x128xf32>
    %get3A_31 = arith.constant 0 : index
    %get3A_32 = arith.constant 0 : index
    %get3A_33 = vector.load %arg3[%get3A_31, %get3A_32] : memref<1x128xf32, #tpu.memory_space<vmem>>, vector<1x128xf32>
    %get3A_34 = vector.shape_cast %get3A_33 : vector<1x128xf32> to vector<128xf32>
    %broadcast_in_dim3A_35 = vector.shape_cast %get3A_34 : vector<128xf32> to vector<1x128xf32>
    %add3A_36 = vector.broadcast %broadcast_in_dim3A_35 : vector<1x128xf32> to vector<2048x128xf32>
    %add3A_37 = arith.addf %dot_general3A_30, %add3A_36 : vector<2048x128xf32>
    %reduce_sum3A = arith.constant dense<0.000000e+00> : vector<128xf32>
    %reduce_sum3A_38 = vector.multi_reduction <add>, %add3A_37, %reduce_sum3A [0] : vector<2048x128xf32> to vector<128xf32>
    %swap3A = arith.constant 0 : index
    %swap3A_39 = arith.constant 0 : index
    %swap3A_40 = arith.constant 0 : index
    %swap3A_41 = vector.load %arg9[%swap3A, %swap3A_39, %swap3A_40] : memref<1x1x128xf32, #tpu.memory_space<vmem>>, vector<1x1x128xf32>
    %swap3A_42 = vector.shape_cast %swap3A_41 : vector<1x1x128xf32> to vector<128xf32>
    %swap3A_43 = vector.shape_cast %reduce_sum3A_38 : vector<128xf32> to vector<1x1x128xf32>
    tpu.vector_store %arg9[%swap3A, %swap3A_39, %swap3A_40], %swap3A_43 {strides = array<i32>} : memref<1x1x128xf32, #tpu.memory_space<vmem>>, vector<1x1x128xf32>,
    %swap3A_44 = arith.constant 0 : index
    %swap3A_45 = arith.constant 0 : index
    %swap3A_46 = vector.load %arg8[%swap3A_44, %swap3A_45] : memref<2048x128xf32, #tpu.memory_space<vmem>>, vector<2048x128xf32>
    tpu.vector_store %arg8[%swap3A_44, %swap3A_45], %add3A_37 {strides = array<i32>} : memref<2048x128xf32, #tpu.memory_space<vmem>>, vector<2048x128xf32>,
    return
  }
  func.func @transform_0(%arg0: i32) -> (i32, i32) {
    %c0_i32 = arith.constant 0 : i32
    %c0_i32_0 = arith.constant 0 : i32
    return %arg0, %c0_i32 : i32, i32
  }
  func.func @transform_1(%arg0: i32) -> (i32, i32) {
    %c0_i32 = arith.constant 0 : i32
    %c0_i32_0 = arith.constant 0 : i32
    %c0_i32_1 = arith.constant 0 : i32
    return %c0_i32, %c0_i32_0 : i32, i32
  }
  func.func @transform_2(%arg0: i32) -> (i32, i32) {
    %c0_i32 = arith.constant 0 : i32
    %c0_i32_0 = arith.constant 0 : i32
    %c0_i32_1 = arith.constant 0 : i32
    return %c0_i32, %c0_i32_0 : i32, i32
  }
  func.func @transform_3(%arg0: i32) -> (i32, i32) {
    %c0_i32 = arith.constant 0 : i32
    %c0_i32_0 = arith.constant 0 : i32
    %c0_i32_1 = arith.constant 0 : i32
    return %c0_i32, %c0_i32_0 : i32, i32
  }
  func.func @transform_4(%arg0: i32) -> (i32, i32) {
    %c0_i32 = arith.constant 0 : i32
    %c0_i32_0 = arith.constant 0 : i32
    %c0_i32_1 = arith.constant 0 : i32
    return %c0_i32, %c0_i32_0 : i32, i32
  }
  func.func @transform_5(%arg0: i32) -> (i32, i32) {
    %c0_i32 = arith.constant 0 : i32
    %c0_i32_0 = arith.constant 0 : i32
    %c0_i32_1 = arith.constant 0 : i32
    return %c0_i32, %c0_i32_0 : i32, i32
  }
  func.func @transform_6(%arg0: i32) -> (i32, i32) {
    %c0_i32 = arith.constant 0 : i32
    %c0_i32_0 = arith.constant 0 : i32
    %c0_i32_1 = arith.constant 0 : i32
    return %c0_i32, %c0_i32_0 : i32, i32
  }
  func.func @transform_7(%arg0: i32) -> (i32, i32) {
    %c0_i32 = arith.constant 0 : i32
    %c0_i32_0 = arith.constant 0 : i32
    return %arg0, %c0_i32 : i32, i32
  }
  func.func @transform_8(%arg0: i32) -> (i32, i32, i32) {
    %c0_i32 = arith.constant 0 : i32
    %c0_i32_0 = arith.constant 0 : i32
    %c0_i32_1 = arith.constant 0 : i32
    return %arg0, %c0_i32, %c0_i32_0 : i32, i32, i32
  }
}

module attributes {stable_mosaic.version = 14 : i64} {
  func.func @_norm_max_body(%arg0: i32, %arg1: memref<2048x128xf32, #tpu.memory_space<vmem>>, %arg2: memref<1x128xf32, #tpu.memory_space<vmem>>, %arg3: memref<1x128xf32, #tpu.memory_space<vmem>>, %arg4: memref<1x128xf32, #tpu.memory_space<vmem>>, %arg5: memref<1x128xf32, #tpu.memory_space<vmem>>, %arg6: memref<128x128xf32, #tpu.memory_space<vmem>>) attributes {dimension_semantics = [#tpu.dimension_semantics<arbitrary>], iteration_bounds = array<i64: 16>, scalar_prefetch = 0 : i64, scratch_operands = 0 : i64, tpu.core_type = #tpu.core_type<tc>, window_params = [{transform_indices = @transform_0, window_bounds = array<i64: 2048, 128>}, {pipeline_mode = #tpu.pipeline_mode<synchronous>, transform_indices = @transform_1, window_bounds = array<i64: 1, 128>}, {pipeline_mode = #tpu.pipeline_mode<synchronous>, transform_indices = @transform_2, window_bounds = array<i64: 1, 128>}, {pipeline_mode = #tpu.pipeline_mode<synchronous>, transform_indices = @transform_3, window_bounds = array<i64: 1, 128>}, {pipeline_mode = #tpu.pipeline_mode<synchronous>, transform_indices = @transform_4, window_bounds = array<i64: 1, 128>}, {transform_indices = @transform_5, window_bounds = array<i64: 128, 128>}]} {
    %get3A = arith.constant 0 : index
    %get3A_0 = arith.constant 0 : index
    %get3A_1 = vector.load %arg4[%get3A, %get3A_0] : memref<1x128xf32, #tpu.memory_space<vmem>>, vector<1x128xf32>
    %get3A_2 = vector.shape_cast %get3A_1 : vector<1x128xf32> to vector<128xf32>
    %get3A_3 = arith.constant 0 : index
    %get3A_4 = arith.constant 0 : index
    %get3A_5 = vector.load %arg1[%get3A_3, %get3A_4] : memref<2048x128xf32, #tpu.memory_space<vmem>>, vector<2048x128xf32>
    %get3A_6 = arith.constant 0 : index
    %get3A_7 = arith.constant 0 : index
    %get3A_8 = vector.load %arg2[%get3A_6, %get3A_7] : memref<1x128xf32, #tpu.memory_space<vmem>>, vector<1x128xf32>
    %get3A_9 = vector.shape_cast %get3A_8 : vector<1x128xf32> to vector<128xf32>
    %broadcast_in_dim3A = vector.shape_cast %get3A_9 : vector<128xf32> to vector<1x128xf32>
    %sub3A = vector.broadcast %broadcast_in_dim3A : vector<1x128xf32> to vector<2048x128xf32>
    %sub3A_10 = arith.subf %get3A_5, %sub3A : vector<2048x128xf32>
    %get3A_11 = arith.constant 0 : index
    %get3A_12 = arith.constant 0 : index
    %get3A_13 = vector.load %arg3[%get3A_11, %get3A_12] : memref<1x128xf32, #tpu.memory_space<vmem>>, vector<1x128xf32>
    %get3A_14 = vector.shape_cast %get3A_13 : vector<1x128xf32> to vector<128xf32>
    %broadcast_in_dim3A_15 = vector.shape_cast %get3A_14 : vector<128xf32> to vector<1x128xf32>
    %div3A = vector.broadcast %broadcast_in_dim3A_15 : vector<1x128xf32> to vector<2048x128xf32>
    %div3A_16 = arith.divf %sub3A_10, %div3A : vector<2048x128xf32>
    %broadcast_in_dim3A_17 = vector.shape_cast %get3A_2 : vector<128xf32> to vector<1x128xf32>
    %mul3A = vector.broadcast %broadcast_in_dim3A_17 : vector<1x128xf32> to vector<2048x128xf32>
    %mul3A_18 = arith.mulf %mul3A, %div3A_16 : vector<2048x128xf32>
    %get3A_19 = arith.constant 0 : index
    %get3A_20 = arith.constant 0 : index
    %get3A_21 = vector.load %arg5[%get3A_19, %get3A_20] : memref<1x128xf32, #tpu.memory_space<vmem>>, vector<1x128xf32>
    %get3A_22 = vector.shape_cast %get3A_21 : vector<1x128xf32> to vector<128xf32>
    %broadcast_in_dim3A_23 = vector.shape_cast %get3A_22 : vector<128xf32> to vector<1x128xf32>
    %add3A = vector.broadcast %broadcast_in_dim3A_23 : vector<1x128xf32> to vector<2048x128xf32>
    %add3A_24 = arith.addf %mul3A_18, %add3A : vector<2048x128xf32>
    %max3A = arith.constant 0.000000e+00 : f32
    %max3A_25 = vector.broadcast %max3A : f32 to vector<2048x128xf32>
    %max3A_26 = arith.maximumf %add3A_24, %max3A_25 : vector<2048x128xf32>
    %reshape3A = vector.shape_cast %max3A_26 : vector<2048x128xf32> to vector<128x16x128xf32>
    %reduce_max3A = arith.constant dense<0xFF800000> : vector<128x128xf32>
    %reduce_max3A_27 = vector.multi_reduction <maximumf>, %reshape3A, %reduce_max3A [1] : vector<128x16x128xf32> to vector<128x128xf32>
    %swap3A = arith.constant 0 : index
    %swap3A_28 = arith.constant 0 : index
    %swap3A_29 = vector.load %arg6[%swap3A, %swap3A_28] : memref<128x128xf32, #tpu.memory_space<vmem>>, vector<128x128xf32>
    tpu.vector_store %arg6[%swap3A, %swap3A_28], %reduce_max3A_27 {strides = array<i32>} : memref<128x128xf32, #tpu.memory_space<vmem>>, vector<128x128xf32>,
    return
  }
  func.func @transform_0(%arg0: i32) -> (i32, i32) {
    %c0_i32 = arith.constant 0 : i32
    %c0_i32_0 = arith.constant 0 : i32
    return %arg0, %c0_i32 : i32, i32
  }
  func.func @transform_1(%arg0: i32) -> (i32, i32) {
    %c0_i32 = arith.constant 0 : i32
    %c0_i32_0 = arith.constant 0 : i32
    %c0_i32_1 = arith.constant 0 : i32
    return %c0_i32, %c0_i32_0 : i32, i32
  }
  func.func @transform_2(%arg0: i32) -> (i32, i32) {
    %c0_i32 = arith.constant 0 : i32
    %c0_i32_0 = arith.constant 0 : i32
    %c0_i32_1 = arith.constant 0 : i32
    return %c0_i32, %c0_i32_0 : i32, i32
  }
  func.func @transform_3(%arg0: i32) -> (i32, i32) {
    %c0_i32 = arith.constant 0 : i32
    %c0_i32_0 = arith.constant 0 : i32
    %c0_i32_1 = arith.constant 0 : i32
    return %c0_i32, %c0_i32_0 : i32, i32
  }
  func.func @transform_4(%arg0: i32) -> (i32, i32) {
    %c0_i32 = arith.constant 0 : i32
    %c0_i32_0 = arith.constant 0 : i32
    %c0_i32_1 = arith.constant 0 : i32
    return %c0_i32, %c0_i32_0 : i32, i32
  }
  func.func @transform_5(%arg0: i32) -> (i32, i32) {
    %c0_i32 = arith.constant 0 : i32
    %c0_i32_0 = arith.constant 0 : i32
    return %arg0, %c0_i32 : i32, i32
  }
}

module attributes {stable_mosaic.version = 14 : i64} {
  func.func @_conv_body(%arg0: i32, %arg1: memref<2048x96xf32, #tpu.memory_space<vmem>>, %arg2: memref<96x128xf32, #tpu.memory_space<vmem>>, %arg3: memref<1x128xf32, #tpu.memory_space<vmem>>, %arg4: memref<1x96xf32, #tpu.memory_space<vmem>>, %arg5: memref<1x96xf32, #tpu.memory_space<vmem>>, %arg6: memref<1x96xf32, #tpu.memory_space<vmem>>, %arg7: memref<1x96xf32, #tpu.memory_space<vmem>>, %arg8: memref<2048x128xf32, #tpu.memory_space<vmem>>, %arg9: memref<1x1x128xf32, #tpu.memory_space<vmem>>) attributes {dimension_semantics = [#tpu.dimension_semantics<arbitrary>], iteration_bounds = array<i64: 32>, scalar_prefetch = 0 : i64, scratch_operands = 0 : i64, tpu.core_type = #tpu.core_type<tc>, window_params = [{transform_indices = @transform_0, window_bounds = array<i64: 2048, 96>}, {pipeline_mode = #tpu.pipeline_mode<synchronous>, transform_indices = @transform_1, window_bounds = array<i64: 96, 128>}, {pipeline_mode = #tpu.pipeline_mode<synchronous>, transform_indices = @transform_2, window_bounds = array<i64: 1, 128>}, {pipeline_mode = #tpu.pipeline_mode<synchronous>, transform_indices = @transform_3, window_bounds = array<i64: 1, 96>}, {pipeline_mode = #tpu.pipeline_mode<synchronous>, transform_indices = @transform_4, window_bounds = array<i64: 1, 96>}, {pipeline_mode = #tpu.pipeline_mode<synchronous>, transform_indices = @transform_5, window_bounds = array<i64: 1, 96>}, {pipeline_mode = #tpu.pipeline_mode<synchronous>, transform_indices = @transform_6, window_bounds = array<i64: 1, 96>}, {transform_indices = @transform_7, window_bounds = array<i64: 2048, 128>}, {transform_indices = @transform_8, window_bounds = array<i64: 1, 1, 128>}]} {
    %get3A = arith.constant 0 : index
    %get3A_0 = arith.constant 0 : index
    %get3A_1 = vector.load %arg1[%get3A, %get3A_0] : memref<2048x96xf32, #tpu.memory_space<vmem>>, vector<2048x96xf32>
    %get3A_2 = arith.constant 0 : index
    %get3A_3 = arith.constant 0 : index
    %get3A_4 = vector.load %arg6[%get3A_2, %get3A_3] : memref<1x96xf32, #tpu.memory_space<vmem>>, vector<1x96xf32>
    %get3A_5 = vector.shape_cast %get3A_4 : vector<1x96xf32> to vector<96xf32>
    %get3A_6 = arith.constant 0 : index
    %get3A_7 = arith.constant 0 : index
    %get3A_8 = vector.load %arg4[%get3A_6, %get3A_7] : memref<1x96xf32, #tpu.memory_space<vmem>>, vector<1x96xf32>
    %get3A_9 = vector.shape_cast %get3A_8 : vector<1x96xf32> to vector<96xf32>
    %broadcast_in_dim3A = vector.shape_cast %get3A_9 : vector<96xf32> to vector<1x96xf32>
    %sub3A = vector.broadcast %broadcast_in_dim3A : vector<1x96xf32> to vector<2048x96xf32>
    %sub3A_10 = arith.subf %get3A_1, %sub3A : vector<2048x96xf32>
    %get3A_11 = arith.constant 0 : index
    %get3A_12 = arith.constant 0 : index
    %get3A_13 = vector.load %arg5[%get3A_11, %get3A_12] : memref<1x96xf32, #tpu.memory_space<vmem>>, vector<1x96xf32>
    %get3A_14 = vector.shape_cast %get3A_13 : vector<1x96xf32> to vector<96xf32>
    %broadcast_in_dim3A_15 = vector.shape_cast %get3A_14 : vector<96xf32> to vector<1x96xf32>
    %div3A = vector.broadcast %broadcast_in_dim3A_15 : vector<1x96xf32> to vector<2048x96xf32>
    %div3A_16 = arith.divf %sub3A_10, %div3A : vector<2048x96xf32>
    %broadcast_in_dim3A_17 = vector.shape_cast %get3A_5 : vector<96xf32> to vector<1x96xf32>
    %mul3A = vector.broadcast %broadcast_in_dim3A_17 : vector<1x96xf32> to vector<2048x96xf32>
    %mul3A_18 = arith.mulf %mul3A, %div3A_16 : vector<2048x96xf32>
    %get3A_19 = arith.constant 0 : index
    %get3A_20 = arith.constant 0 : index
    %get3A_21 = vector.load %arg7[%get3A_19, %get3A_20] : memref<1x96xf32, #tpu.memory_space<vmem>>, vector<1x96xf32>
    %get3A_22 = vector.shape_cast %get3A_21 : vector<1x96xf32> to vector<96xf32>
    %broadcast_in_dim3A_23 = vector.shape_cast %get3A_22 : vector<96xf32> to vector<1x96xf32>
    %add3A = vector.broadcast %broadcast_in_dim3A_23 : vector<1x96xf32> to vector<2048x96xf32>
    %add3A_24 = arith.addf %mul3A_18, %add3A : vector<2048x96xf32>
    %max3A = arith.constant 0.000000e+00 : f32
    %max3A_25 = vector.broadcast %max3A : f32 to vector<2048x96xf32>
    %max3A_26 = arith.maximumf %add3A_24, %max3A_25 : vector<2048x96xf32>
    %get3A_27 = arith.constant 0 : index
    %get3A_28 = arith.constant 0 : index
    %get3A_29 = vector.load %arg2[%get3A_27, %get3A_28] : memref<96x128xf32, #tpu.memory_space<vmem>>, vector<96x128xf32>
    %dot_general3A = arith.constant dense<0.000000e+00> : vector<2048x128xf32>
    %dot_general3A_30 = tpu.matmul %max3A_26, %get3A_29, %dot_general3A {dimension_numbers = #tpu.dot_dimension_numbers<[1], [0], [0], [1], [0, 0, 1, 1], [], []>, transpose_lhs_hint = false} : vector<2048x96xf32>, vector<96x128xf32>, vector<2048x128xf32> -> vector<2048x128xf32>
    %get3A_31 = arith.constant 0 : index
    %get3A_32 = arith.constant 0 : index
    %get3A_33 = vector.load %arg3[%get3A_31, %get3A_32] : memref<1x128xf32, #tpu.memory_space<vmem>>, vector<1x128xf32>
    %get3A_34 = vector.shape_cast %get3A_33 : vector<1x128xf32> to vector<128xf32>
    %broadcast_in_dim3A_35 = vector.shape_cast %get3A_34 : vector<128xf32> to vector<1x128xf32>
    %add3A_36 = vector.broadcast %broadcast_in_dim3A_35 : vector<1x128xf32> to vector<2048x128xf32>
    %add3A_37 = arith.addf %dot_general3A_30, %add3A_36 : vector<2048x128xf32>
    %reduce_sum3A = arith.constant dense<0.000000e+00> : vector<128xf32>
    %reduce_sum3A_38 = vector.multi_reduction <add>, %add3A_37, %reduce_sum3A [0] : vector<2048x128xf32> to vector<128xf32>
    %swap3A = arith.constant 0 : index
    %swap3A_39 = arith.constant 0 : index
    %swap3A_40 = arith.constant 0 : index
    %swap3A_41 = vector.load %arg9[%swap3A, %swap3A_39, %swap3A_40] : memref<1x1x128xf32, #tpu.memory_space<vmem>>, vector<1x1x128xf32>
    %swap3A_42 = vector.shape_cast %swap3A_41 : vector<1x1x128xf32> to vector<128xf32>
    %swap3A_43 = vector.shape_cast %reduce_sum3A_38 : vector<128xf32> to vector<1x1x128xf32>
    tpu.vector_store %arg9[%swap3A, %swap3A_39, %swap3A_40], %swap3A_43 {strides = array<i32>} : memref<1x1x128xf32, #tpu.memory_space<vmem>>, vector<1x1x128xf32>,
    %swap3A_44 = arith.constant 0 : index
    %swap3A_45 = arith.constant 0 : index
    %swap3A_46 = vector.load %arg8[%swap3A_44, %swap3A_45] : memref<2048x128xf32, #tpu.memory_space<vmem>>, vector<2048x128xf32>
    tpu.vector_store %arg8[%swap3A_44, %swap3A_45], %add3A_37 {strides = array<i32>} : memref<2048x128xf32, #tpu.memory_space<vmem>>, vector<2048x128xf32>,
    return
  }
  func.func @transform_0(%arg0: i32) -> (i32, i32) {
    %c0_i32 = arith.constant 0 : i32
    %c0_i32_0 = arith.constant 0 : i32
    return %arg0, %c0_i32 : i32, i32
  }
  func.func @transform_1(%arg0: i32) -> (i32, i32) {
    %c0_i32 = arith.constant 0 : i32
    %c0_i32_0 = arith.constant 0 : i32
    %c0_i32_1 = arith.constant 0 : i32
    return %c0_i32, %c0_i32_0 : i32, i32
  }
  func.func @transform_2(%arg0: i32) -> (i32, i32) {
    %c0_i32 = arith.constant 0 : i32
    %c0_i32_0 = arith.constant 0 : i32
    %c0_i32_1 = arith.constant 0 : i32
    return %c0_i32, %c0_i32_0 : i32, i32
  }
  func.func @transform_3(%arg0: i32) -> (i32, i32) {
    %c0_i32 = arith.constant 0 : i32
    %c0_i32_0 = arith.constant 0 : i32
    %c0_i32_1 = arith.constant 0 : i32
    return %c0_i32, %c0_i32_0 : i32, i32
  }
  func.func @transform_4(%arg0: i32) -> (i32, i32) {
    %c0_i32 = arith.constant 0 : i32
    %c0_i32_0 = arith.constant 0 : i32
    %c0_i32_1 = arith.constant 0 : i32
    return %c0_i32, %c0_i32_0 : i32, i32
  }
  func.func @transform_5(%arg0: i32) -> (i32, i32) {
    %c0_i32 = arith.constant 0 : i32
    %c0_i32_0 = arith.constant 0 : i32
    %c0_i32_1 = arith.constant 0 : i32
    return %c0_i32, %c0_i32_0 : i32, i32
  }
  func.func @transform_6(%arg0: i32) -> (i32, i32) {
    %c0_i32 = arith.constant 0 : i32
    %c0_i32_0 = arith.constant 0 : i32
    %c0_i32_1 = arith.constant 0 : i32
    return %c0_i32, %c0_i32_0 : i32, i32
  }
  func.func @transform_7(%arg0: i32) -> (i32, i32) {
    %c0_i32 = arith.constant 0 : i32
    %c0_i32_0 = arith.constant 0 : i32
    return %arg0, %c0_i32 : i32, i32
  }
  func.func @transform_8(%arg0: i32) -> (i32, i32, i32) {
    %c0_i32 = arith.constant 0 : i32
    %c0_i32_0 = arith.constant 0 : i32
    %c0_i32_1 = arith.constant 0 : i32
    return %arg0, %c0_i32, %c0_i32_0 : i32, i32, i32
  }
}

module attributes {stable_mosaic.version = 14 : i64} {
  func.func @_norm_max_body(%arg0: i32, %arg1: memref<2048x128xf32, #tpu.memory_space<vmem>>, %arg2: memref<1x128xf32, #tpu.memory_space<vmem>>, %arg3: memref<1x128xf32, #tpu.memory_space<vmem>>, %arg4: memref<1x128xf32, #tpu.memory_space<vmem>>, %arg5: memref<1x128xf32, #tpu.memory_space<vmem>>, %arg6: memref<64x128xf32, #tpu.memory_space<vmem>>) attributes {dimension_semantics = [#tpu.dimension_semantics<arbitrary>], iteration_bounds = array<i64: 32>, scalar_prefetch = 0 : i64, scratch_operands = 0 : i64, tpu.core_type = #tpu.core_type<tc>, window_params = [{transform_indices = @transform_0, window_bounds = array<i64: 2048, 128>}, {pipeline_mode = #tpu.pipeline_mode<synchronous>, transform_indices = @transform_1, window_bounds = array<i64: 1, 128>}, {pipeline_mode = #tpu.pipeline_mode<synchronous>, transform_indices = @transform_2, window_bounds = array<i64: 1, 128>}, {pipeline_mode = #tpu.pipeline_mode<synchronous>, transform_indices = @transform_3, window_bounds = array<i64: 1, 128>}, {pipeline_mode = #tpu.pipeline_mode<synchronous>, transform_indices = @transform_4, window_bounds = array<i64: 1, 128>}, {transform_indices = @transform_5, window_bounds = array<i64: 64, 128>}]} {
    %get3A = arith.constant 0 : index
    %get3A_0 = arith.constant 0 : index
    %get3A_1 = vector.load %arg4[%get3A, %get3A_0] : memref<1x128xf32, #tpu.memory_space<vmem>>, vector<1x128xf32>
    %get3A_2 = vector.shape_cast %get3A_1 : vector<1x128xf32> to vector<128xf32>
    %get3A_3 = arith.constant 0 : index
    %get3A_4 = arith.constant 0 : index
    %get3A_5 = vector.load %arg1[%get3A_3, %get3A_4] : memref<2048x128xf32, #tpu.memory_space<vmem>>, vector<2048x128xf32>
    %get3A_6 = arith.constant 0 : index
    %get3A_7 = arith.constant 0 : index
    %get3A_8 = vector.load %arg2[%get3A_6, %get3A_7] : memref<1x128xf32, #tpu.memory_space<vmem>>, vector<1x128xf32>
    %get3A_9 = vector.shape_cast %get3A_8 : vector<1x128xf32> to vector<128xf32>
    %broadcast_in_dim3A = vector.shape_cast %get3A_9 : vector<128xf32> to vector<1x128xf32>
    %sub3A = vector.broadcast %broadcast_in_dim3A : vector<1x128xf32> to vector<2048x128xf32>
    %sub3A_10 = arith.subf %get3A_5, %sub3A : vector<2048x128xf32>
    %get3A_11 = arith.constant 0 : index
    %get3A_12 = arith.constant 0 : index
    %get3A_13 = vector.load %arg3[%get3A_11, %get3A_12] : memref<1x128xf32, #tpu.memory_space<vmem>>, vector<1x128xf32>
    %get3A_14 = vector.shape_cast %get3A_13 : vector<1x128xf32> to vector<128xf32>
    %broadcast_in_dim3A_15 = vector.shape_cast %get3A_14 : vector<128xf32> to vector<1x128xf32>
    %div3A = vector.broadcast %broadcast_in_dim3A_15 : vector<1x128xf32> to vector<2048x128xf32>
    %div3A_16 = arith.divf %sub3A_10, %div3A : vector<2048x128xf32>
    %broadcast_in_dim3A_17 = vector.shape_cast %get3A_2 : vector<128xf32> to vector<1x128xf32>
    %mul3A = vector.broadcast %broadcast_in_dim3A_17 : vector<1x128xf32> to vector<2048x128xf32>
    %mul3A_18 = arith.mulf %mul3A, %div3A_16 : vector<2048x128xf32>
    %get3A_19 = arith.constant 0 : index
    %get3A_20 = arith.constant 0 : index
    %get3A_21 = vector.load %arg5[%get3A_19, %get3A_20] : memref<1x128xf32, #tpu.memory_space<vmem>>, vector<1x128xf32>
    %get3A_22 = vector.shape_cast %get3A_21 : vector<1x128xf32> to vector<128xf32>
    %broadcast_in_dim3A_23 = vector.shape_cast %get3A_22 : vector<128xf32> to vector<1x128xf32>
    %add3A = vector.broadcast %broadcast_in_dim3A_23 : vector<1x128xf32> to vector<2048x128xf32>
    %add3A_24 = arith.addf %mul3A_18, %add3A : vector<2048x128xf32>
    %max3A = arith.constant 0.000000e+00 : f32
    %max3A_25 = vector.broadcast %max3A : f32 to vector<2048x128xf32>
    %max3A_26 = arith.maximumf %add3A_24, %max3A_25 : vector<2048x128xf32>
    %reshape3A = vector.shape_cast %max3A_26 : vector<2048x128xf32> to vector<64x32x128xf32>
    %reduce_max3A = arith.constant dense<0xFF800000> : vector<64x128xf32>
    %reduce_max3A_27 = vector.multi_reduction <maximumf>, %reshape3A, %reduce_max3A [1] : vector<64x32x128xf32> to vector<64x128xf32>
    %swap3A = arith.constant 0 : index
    %swap3A_28 = arith.constant 0 : index
    %swap3A_29 = vector.load %arg6[%swap3A, %swap3A_28] : memref<64x128xf32, #tpu.memory_space<vmem>>, vector<64x128xf32>
    tpu.vector_store %arg6[%swap3A, %swap3A_28], %reduce_max3A_27 {strides = array<i32>} : memref<64x128xf32, #tpu.memory_space<vmem>>, vector<64x128xf32>,
    return
  }
  func.func @transform_0(%arg0: i32) -> (i32, i32) {
    %c0_i32 = arith.constant 0 : i32
    %c0_i32_0 = arith.constant 0 : i32
    return %arg0, %c0_i32 : i32, i32
  }
  func.func @transform_1(%arg0: i32) -> (i32, i32) {
    %c0_i32 = arith.constant 0 : i32
    %c0_i32_0 = arith.constant 0 : i32
    %c0_i32_1 = arith.constant 0 : i32
    return %c0_i32, %c0_i32_0 : i32, i32
  }
  func.func @transform_2(%arg0: i32) -> (i32, i32) {
    %c0_i32 = arith.constant 0 : i32
    %c0_i32_0 = arith.constant 0 : i32
    %c0_i32_1 = arith.constant 0 : i32
    return %c0_i32, %c0_i32_0 : i32, i32
  }
  func.func @transform_3(%arg0: i32) -> (i32, i32) {
    %c0_i32 = arith.constant 0 : i32
    %c0_i32_0 = arith.constant 0 : i32
    %c0_i32_1 = arith.constant 0 : i32
    return %c0_i32, %c0_i32_0 : i32, i32
  }
  func.func @transform_4(%arg0: i32) -> (i32, i32) {
    %c0_i32 = arith.constant 0 : i32
    %c0_i32_0 = arith.constant 0 : i32
    %c0_i32_1 = arith.constant 0 : i32
    return %c0_i32, %c0_i32_0 : i32, i32
  }
  func.func @transform_5(%arg0: i32) -> (i32, i32) {
    %c0_i32 = arith.constant 0 : i32
    %c0_i32_0 = arith.constant 0 : i32
    return %arg0, %c0_i32 : i32, i32
  }
}

module attributes {stable_mosaic.version = 14 : i64} {
  func.func @_conv_body(%arg0: i32, %arg1: memref<2048x259xf32, #tpu.memory_space<vmem>>, %arg2: memref<259x128xf32, #tpu.memory_space<vmem>>, %arg3: memref<1x128xf32, #tpu.memory_space<vmem>>, %arg4: memref<1x259xf32, #tpu.memory_space<vmem>>, %arg5: memref<1x259xf32, #tpu.memory_space<vmem>>, %arg6: memref<1x259xf32, #tpu.memory_space<vmem>>, %arg7: memref<1x259xf32, #tpu.memory_space<vmem>>, %arg8: memref<2048x128xf32, #tpu.memory_space<vmem>>, %arg9: memref<1x1x128xf32, #tpu.memory_space<vmem>>) attributes {dimension_semantics = [#tpu.dimension_semantics<arbitrary>], iteration_bounds = array<i64: 4>, scalar_prefetch = 0 : i64, scratch_operands = 0 : i64, tpu.core_type = #tpu.core_type<tc>, window_params = [{transform_indices = @transform_0, window_bounds = array<i64: 2048, 259>}, {pipeline_mode = #tpu.pipeline_mode<synchronous>, transform_indices = @transform_1, window_bounds = array<i64: 259, 128>}, {pipeline_mode = #tpu.pipeline_mode<synchronous>, transform_indices = @transform_2, window_bounds = array<i64: 1, 128>}, {pipeline_mode = #tpu.pipeline_mode<synchronous>, transform_indices = @transform_3, window_bounds = array<i64: 1, 259>}, {pipeline_mode = #tpu.pipeline_mode<synchronous>, transform_indices = @transform_4, window_bounds = array<i64: 1, 259>}, {pipeline_mode = #tpu.pipeline_mode<synchronous>, transform_indices = @transform_5, window_bounds = array<i64: 1, 259>}, {pipeline_mode = #tpu.pipeline_mode<synchronous>, transform_indices = @transform_6, window_bounds = array<i64: 1, 259>}, {transform_indices = @transform_7, window_bounds = array<i64: 2048, 128>}, {transform_indices = @transform_8, window_bounds = array<i64: 1, 1, 128>}]} {
    %get3A = arith.constant 0 : index
    %get3A_0 = arith.constant 0 : index
    %get3A_1 = vector.load %arg1[%get3A, %get3A_0] : memref<2048x259xf32, #tpu.memory_space<vmem>>, vector<2048x259xf32>
    %get3A_2 = arith.constant 0 : index
    %get3A_3 = arith.constant 0 : index
    %get3A_4 = vector.load %arg2[%get3A_2, %get3A_3] : memref<259x128xf32, #tpu.memory_space<vmem>>, vector<259x128xf32>
    %dot_general3A = arith.constant dense<0.000000e+00> : vector<2048x128xf32>
    %dot_general3A_5 = tpu.matmul %get3A_1, %get3A_4, %dot_general3A {dimension_numbers = #tpu.dot_dimension_numbers<[1], [0], [0], [1], [0, 0, 1, 1], [], []>, transpose_lhs_hint = false} : vector<2048x259xf32>, vector<259x128xf32>, vector<2048x128xf32> -> vector<2048x128xf32>
    %get3A_6 = arith.constant 0 : index
    %get3A_7 = arith.constant 0 : index
    %get3A_8 = vector.load %arg3[%get3A_6, %get3A_7] : memref<1x128xf32, #tpu.memory_space<vmem>>, vector<1x128xf32>
    %get3A_9 = vector.shape_cast %get3A_8 : vector<1x128xf32> to vector<128xf32>
    %broadcast_in_dim3A = vector.shape_cast %get3A_9 : vector<128xf32> to vector<1x128xf32>
    %add3A = vector.broadcast %broadcast_in_dim3A : vector<1x128xf32> to vector<2048x128xf32>
    %add3A_10 = arith.addf %dot_general3A_5, %add3A : vector<2048x128xf32>
    %reduce_sum3A = arith.constant dense<0.000000e+00> : vector<128xf32>
    %reduce_sum3A_11 = vector.multi_reduction <add>, %add3A_10, %reduce_sum3A [0] : vector<2048x128xf32> to vector<128xf32>
    %swap3A = arith.constant 0 : index
    %swap3A_12 = arith.constant 0 : index
    %swap3A_13 = arith.constant 0 : index
    %swap3A_14 = vector.load %arg9[%swap3A, %swap3A_12, %swap3A_13] : memref<1x1x128xf32, #tpu.memory_space<vmem>>, vector<1x1x128xf32>
    %swap3A_15 = vector.shape_cast %swap3A_14 : vector<1x1x128xf32> to vector<128xf32>
    %swap3A_16 = vector.shape_cast %reduce_sum3A_11 : vector<128xf32> to vector<1x1x128xf32>
    tpu.vector_store %arg9[%swap3A, %swap3A_12, %swap3A_13], %swap3A_16 {strides = array<i32>} : memref<1x1x128xf32, #tpu.memory_space<vmem>>, vector<1x1x128xf32>,
    %swap3A_17 = arith.constant 0 : index
    %swap3A_18 = arith.constant 0 : index
    %swap3A_19 = vector.load %arg8[%swap3A_17, %swap3A_18] : memref<2048x128xf32, #tpu.memory_space<vmem>>, vector<2048x128xf32>
    tpu.vector_store %arg8[%swap3A_17, %swap3A_18], %add3A_10 {strides = array<i32>} : memref<2048x128xf32, #tpu.memory_space<vmem>>, vector<2048x128xf32>,
    return
  }
  func.func @transform_0(%arg0: i32) -> (i32, i32) {
    %c0_i32 = arith.constant 0 : i32
    %c0_i32_0 = arith.constant 0 : i32
    return %arg0, %c0_i32 : i32, i32
  }
  func.func @transform_1(%arg0: i32) -> (i32, i32) {
    %c0_i32 = arith.constant 0 : i32
    %c0_i32_0 = arith.constant 0 : i32
    %c0_i32_1 = arith.constant 0 : i32
    return %c0_i32, %c0_i32_0 : i32, i32
  }
  func.func @transform_2(%arg0: i32) -> (i32, i32) {
    %c0_i32 = arith.constant 0 : i32
    %c0_i32_0 = arith.constant 0 : i32
    %c0_i32_1 = arith.constant 0 : i32
    return %c0_i32, %c0_i32_0 : i32, i32
  }
  func.func @transform_3(%arg0: i32) -> (i32, i32) {
    %c0_i32 = arith.constant 0 : i32
    %c0_i32_0 = arith.constant 0 : i32
    %c0_i32_1 = arith.constant 0 : i32
    return %c0_i32, %c0_i32_0 : i32, i32
  }
  func.func @transform_4(%arg0: i32) -> (i32, i32) {
    %c0_i32 = arith.constant 0 : i32
    %c0_i32_0 = arith.constant 0 : i32
    %c0_i32_1 = arith.constant 0 : i32
    return %c0_i32, %c0_i32_0 : i32, i32
  }
  func.func @transform_5(%arg0: i32) -> (i32, i32) {
    %c0_i32 = arith.constant 0 : i32
    %c0_i32_0 = arith.constant 0 : i32
    %c0_i32_1 = arith.constant 0 : i32
    return %c0_i32, %c0_i32_0 : i32, i32
  }
  func.func @transform_6(%arg0: i32) -> (i32, i32) {
    %c0_i32 = arith.constant 0 : i32
    %c0_i32_0 = arith.constant 0 : i32
    %c0_i32_1 = arith.constant 0 : i32
    return %c0_i32, %c0_i32_0 : i32, i32
  }
  func.func @transform_7(%arg0: i32) -> (i32, i32) {
    %c0_i32 = arith.constant 0 : i32
    %c0_i32_0 = arith.constant 0 : i32
    return %arg0, %c0_i32 : i32, i32
  }
  func.func @transform_8(%arg0: i32) -> (i32, i32, i32) {
    %c0_i32 = arith.constant 0 : i32
    %c0_i32_0 = arith.constant 0 : i32
    %c0_i32_1 = arith.constant 0 : i32
    return %arg0, %c0_i32, %c0_i32_0 : i32, i32, i32
  }
}

module attributes {stable_mosaic.version = 14 : i64} {
  func.func @_conv_body(%arg0: i32, %arg1: memref<2048x128xf32, #tpu.memory_space<vmem>>, %arg2: memref<128x196xf32, #tpu.memory_space<vmem>>, %arg3: memref<1x196xf32, #tpu.memory_space<vmem>>, %arg4: memref<1x128xf32, #tpu.memory_space<vmem>>, %arg5: memref<1x128xf32, #tpu.memory_space<vmem>>, %arg6: memref<1x128xf32, #tpu.memory_space<vmem>>, %arg7: memref<1x128xf32, #tpu.memory_space<vmem>>, %arg8: memref<2048x196xf32, #tpu.memory_space<vmem>>, %arg9: memref<1x1x196xf32, #tpu.memory_space<vmem>>) attributes {dimension_semantics = [#tpu.dimension_semantics<arbitrary>], iteration_bounds = array<i64: 4>, scalar_prefetch = 0 : i64, scratch_operands = 0 : i64, tpu.core_type = #tpu.core_type<tc>, window_params = [{transform_indices = @transform_0, window_bounds = array<i64: 2048, 128>}, {pipeline_mode = #tpu.pipeline_mode<synchronous>, transform_indices = @transform_1, window_bounds = array<i64: 128, 196>}, {pipeline_mode = #tpu.pipeline_mode<synchronous>, transform_indices = @transform_2, window_bounds = array<i64: 1, 196>}, {pipeline_mode = #tpu.pipeline_mode<synchronous>, transform_indices = @transform_3, window_bounds = array<i64: 1, 128>}, {pipeline_mode = #tpu.pipeline_mode<synchronous>, transform_indices = @transform_4, window_bounds = array<i64: 1, 128>}, {pipeline_mode = #tpu.pipeline_mode<synchronous>, transform_indices = @transform_5, window_bounds = array<i64: 1, 128>}, {pipeline_mode = #tpu.pipeline_mode<synchronous>, transform_indices = @transform_6, window_bounds = array<i64: 1, 128>}, {transform_indices = @transform_7, window_bounds = array<i64: 2048, 196>}, {transform_indices = @transform_8, window_bounds = array<i64: 1, 1, 196>}]} {
    %get3A = arith.constant 0 : index
    %get3A_0 = arith.constant 0 : index
    %get3A_1 = vector.load %arg1[%get3A, %get3A_0] : memref<2048x128xf32, #tpu.memory_space<vmem>>, vector<2048x128xf32>
    %get3A_2 = arith.constant 0 : index
    %get3A_3 = arith.constant 0 : index
    %get3A_4 = vector.load %arg6[%get3A_2, %get3A_3] : memref<1x128xf32, #tpu.memory_space<vmem>>, vector<1x128xf32>
    %get3A_5 = vector.shape_cast %get3A_4 : vector<1x128xf32> to vector<128xf32>
    %get3A_6 = arith.constant 0 : index
    %get3A_7 = arith.constant 0 : index
    %get3A_8 = vector.load %arg4[%get3A_6, %get3A_7] : memref<1x128xf32, #tpu.memory_space<vmem>>, vector<1x128xf32>
    %get3A_9 = vector.shape_cast %get3A_8 : vector<1x128xf32> to vector<128xf32>
    %broadcast_in_dim3A = vector.shape_cast %get3A_9 : vector<128xf32> to vector<1x128xf32>
    %sub3A = vector.broadcast %broadcast_in_dim3A : vector<1x128xf32> to vector<2048x128xf32>
    %sub3A_10 = arith.subf %get3A_1, %sub3A : vector<2048x128xf32>
    %get3A_11 = arith.constant 0 : index
    %get3A_12 = arith.constant 0 : index
    %get3A_13 = vector.load %arg5[%get3A_11, %get3A_12] : memref<1x128xf32, #tpu.memory_space<vmem>>, vector<1x128xf32>
    %get3A_14 = vector.shape_cast %get3A_13 : vector<1x128xf32> to vector<128xf32>
    %broadcast_in_dim3A_15 = vector.shape_cast %get3A_14 : vector<128xf32> to vector<1x128xf32>
    %div3A = vector.broadcast %broadcast_in_dim3A_15 : vector<1x128xf32> to vector<2048x128xf32>
    %div3A_16 = arith.divf %sub3A_10, %div3A : vector<2048x128xf32>
    %broadcast_in_dim3A_17 = vector.shape_cast %get3A_5 : vector<128xf32> to vector<1x128xf32>
    %mul3A = vector.broadcast %broadcast_in_dim3A_17 : vector<1x128xf32> to vector<2048x128xf32>
    %mul3A_18 = arith.mulf %mul3A, %div3A_16 : vector<2048x128xf32>
    %get3A_19 = arith.constant 0 : index
    %get3A_20 = arith.constant 0 : index
    %get3A_21 = vector.load %arg7[%get3A_19, %get3A_20] : memref<1x128xf32, #tpu.memory_space<vmem>>, vector<1x128xf32>
    %get3A_22 = vector.shape_cast %get3A_21 : vector<1x128xf32> to vector<128xf32>
    %broadcast_in_dim3A_23 = vector.shape_cast %get3A_22 : vector<128xf32> to vector<1x128xf32>
    %add3A = vector.broadcast %broadcast_in_dim3A_23 : vector<1x128xf32> to vector<2048x128xf32>
    %add3A_24 = arith.addf %mul3A_18, %add3A : vector<2048x128xf32>
    %max3A = arith.constant 0.000000e+00 : f32
    %max3A_25 = vector.broadcast %max3A : f32 to vector<2048x128xf32>
    %max3A_26 = arith.maximumf %add3A_24, %max3A_25 : vector<2048x128xf32>
    %get3A_27 = arith.constant 0 : index
    %get3A_28 = arith.constant 0 : index
    %get3A_29 = vector.load %arg2[%get3A_27, %get3A_28] : memref<128x196xf32, #tpu.memory_space<vmem>>, vector<128x196xf32>
    %dot_general3A = arith.constant dense<0.000000e+00> : vector<2048x196xf32>
    %dot_general3A_30 = tpu.matmul %max3A_26, %get3A_29, %dot_general3A {dimension_numbers = #tpu.dot_dimension_numbers<[1], [0], [0], [1], [0, 0, 1, 1], [], []>, transpose_lhs_hint = false} : vector<2048x128xf32>, vector<128x196xf32>, vector<2048x196xf32> -> vector<2048x196xf32>
    %get3A_31 = arith.constant 0 : index
    %get3A_32 = arith.constant 0 : index
    %get3A_33 = vector.load %arg3[%get3A_31, %get3A_32] : memref<1x196xf32, #tpu.memory_space<vmem>>, vector<1x196xf32>
    %get3A_34 = vector.shape_cast %get3A_33 : vector<1x196xf32> to vector<196xf32>
    %broadcast_in_dim3A_35 = vector.shape_cast %get3A_34 : vector<196xf32> to vector<1x196xf32>
    %add3A_36 = vector.broadcast %broadcast_in_dim3A_35 : vector<1x196xf32> to vector<2048x196xf32>
    %add3A_37 = arith.addf %dot_general3A_30, %add3A_36 : vector<2048x196xf32>
    %reduce_sum3A = arith.constant dense<0.000000e+00> : vector<196xf32>
    %reduce_sum3A_38 = vector.multi_reduction <add>, %add3A_37, %reduce_sum3A [0] : vector<2048x196xf32> to vector<196xf32>
    %swap3A = arith.constant 0 : index
    %swap3A_39 = arith.constant 0 : index
    %swap3A_40 = arith.constant 0 : index
    %swap3A_41 = vector.load %arg9[%swap3A, %swap3A_39, %swap3A_40] : memref<1x1x196xf32, #tpu.memory_space<vmem>>, vector<1x1x196xf32>
    %swap3A_42 = vector.shape_cast %swap3A_41 : vector<1x1x196xf32> to vector<196xf32>
    %swap3A_43 = vector.shape_cast %reduce_sum3A_38 : vector<196xf32> to vector<1x1x196xf32>
    tpu.vector_store %arg9[%swap3A, %swap3A_39, %swap3A_40], %swap3A_43 {strides = array<i32>} : memref<1x1x196xf32, #tpu.memory_space<vmem>>, vector<1x1x196xf32>,
    %swap3A_44 = arith.constant 0 : index
    %swap3A_45 = arith.constant 0 : index
    %swap3A_46 = vector.load %arg8[%swap3A_44, %swap3A_45] : memref<2048x196xf32, #tpu.memory_space<vmem>>, vector<2048x196xf32>
    tpu.vector_store %arg8[%swap3A_44, %swap3A_45], %add3A_37 {strides = array<i32>} : memref<2048x196xf32, #tpu.memory_space<vmem>>, vector<2048x196xf32>,
    return
  }
  func.func @transform_0(%arg0: i32) -> (i32, i32) {
    %c0_i32 = arith.constant 0 : i32
    %c0_i32_0 = arith.constant 0 : i32
    return %arg0, %c0_i32 : i32, i32
  }
  func.func @transform_1(%arg0: i32) -> (i32, i32) {
    %c0_i32 = arith.constant 0 : i32
    %c0_i32_0 = arith.constant 0 : i32
    %c0_i32_1 = arith.constant 0 : i32
    return %c0_i32, %c0_i32_0 : i32, i32
  }
  func.func @transform_2(%arg0: i32) -> (i32, i32) {
    %c0_i32 = arith.constant 0 : i32
    %c0_i32_0 = arith.constant 0 : i32
    %c0_i32_1 = arith.constant 0 : i32
    return %c0_i32, %c0_i32_0 : i32, i32
  }
  func.func @transform_3(%arg0: i32) -> (i32, i32) {
    %c0_i32 = arith.constant 0 : i32
    %c0_i32_0 = arith.constant 0 : i32
    %c0_i32_1 = arith.constant 0 : i32
    return %c0_i32, %c0_i32_0 : i32, i32
  }
  func.func @transform_4(%arg0: i32) -> (i32, i32) {
    %c0_i32 = arith.constant 0 : i32
    %c0_i32_0 = arith.constant 0 : i32
    %c0_i32_1 = arith.constant 0 : i32
    return %c0_i32, %c0_i32_0 : i32, i32
  }
  func.func @transform_5(%arg0: i32) -> (i32, i32) {
    %c0_i32 = arith.constant 0 : i32
    %c0_i32_0 = arith.constant 0 : i32
    %c0_i32_1 = arith.constant 0 : i32
    return %c0_i32, %c0_i32_0 : i32, i32
  }
  func.func @transform_6(%arg0: i32) -> (i32, i32) {
    %c0_i32 = arith.constant 0 : i32
    %c0_i32_0 = arith.constant 0 : i32
    %c0_i32_1 = arith.constant 0 : i32
    return %c0_i32, %c0_i32_0 : i32, i32
  }
  func.func @transform_7(%arg0: i32) -> (i32, i32) {
    %c0_i32 = arith.constant 0 : i32
    %c0_i32_0 = arith.constant 0 : i32
    return %arg0, %c0_i32 : i32, i32
  }
  func.func @transform_8(%arg0: i32) -> (i32, i32, i32) {
    %c0_i32 = arith.constant 0 : i32
    %c0_i32_0 = arith.constant 0 : i32
    %c0_i32_1 = arith.constant 0 : i32
    return %arg0, %c0_i32, %c0_i32_0 : i32, i32, i32
  }
}

module attributes {stable_mosaic.version = 14 : i64} {
  func.func @_conv_body(%arg0: i32, %arg1: memref<2048x259xf32, #tpu.memory_space<vmem>>, %arg2: memref<259x128xf32, #tpu.memory_space<vmem>>, %arg3: memref<1x128xf32, #tpu.memory_space<vmem>>, %arg4: memref<1x259xf32, #tpu.memory_space<vmem>>, %arg5: memref<1x259xf32, #tpu.memory_space<vmem>>, %arg6: memref<1x259xf32, #tpu.memory_space<vmem>>, %arg7: memref<1x259xf32, #tpu.memory_space<vmem>>, %arg8: memref<2048x128xf32, #tpu.memory_space<vmem>>, %arg9: memref<1x1x128xf32, #tpu.memory_space<vmem>>) attributes {dimension_semantics = [#tpu.dimension_semantics<arbitrary>], iteration_bounds = array<i64: 8>, scalar_prefetch = 0 : i64, scratch_operands = 0 : i64, tpu.core_type = #tpu.core_type<tc>, window_params = [{transform_indices = @transform_0, window_bounds = array<i64: 2048, 259>}, {pipeline_mode = #tpu.pipeline_mode<synchronous>, transform_indices = @transform_1, window_bounds = array<i64: 259, 128>}, {pipeline_mode = #tpu.pipeline_mode<synchronous>, transform_indices = @transform_2, window_bounds = array<i64: 1, 128>}, {pipeline_mode = #tpu.pipeline_mode<synchronous>, transform_indices = @transform_3, window_bounds = array<i64: 1, 259>}, {pipeline_mode = #tpu.pipeline_mode<synchronous>, transform_indices = @transform_4, window_bounds = array<i64: 1, 259>}, {pipeline_mode = #tpu.pipeline_mode<synchronous>, transform_indices = @transform_5, window_bounds = array<i64: 1, 259>}, {pipeline_mode = #tpu.pipeline_mode<synchronous>, transform_indices = @transform_6, window_bounds = array<i64: 1, 259>}, {transform_indices = @transform_7, window_bounds = array<i64: 2048, 128>}, {transform_indices = @transform_8, window_bounds = array<i64: 1, 1, 128>}]} {
    %get3A = arith.constant 0 : index
    %get3A_0 = arith.constant 0 : index
    %get3A_1 = vector.load %arg1[%get3A, %get3A_0] : memref<2048x259xf32, #tpu.memory_space<vmem>>, vector<2048x259xf32>
    %get3A_2 = arith.constant 0 : index
    %get3A_3 = arith.constant 0 : index
    %get3A_4 = vector.load %arg2[%get3A_2, %get3A_3] : memref<259x128xf32, #tpu.memory_space<vmem>>, vector<259x128xf32>
    %dot_general3A = arith.constant dense<0.000000e+00> : vector<2048x128xf32>
    %dot_general3A_5 = tpu.matmul %get3A_1, %get3A_4, %dot_general3A {dimension_numbers = #tpu.dot_dimension_numbers<[1], [0], [0], [1], [0, 0, 1, 1], [], []>, transpose_lhs_hint = false} : vector<2048x259xf32>, vector<259x128xf32>, vector<2048x128xf32> -> vector<2048x128xf32>
    %get3A_6 = arith.constant 0 : index
    %get3A_7 = arith.constant 0 : index
    %get3A_8 = vector.load %arg3[%get3A_6, %get3A_7] : memref<1x128xf32, #tpu.memory_space<vmem>>, vector<1x128xf32>
    %get3A_9 = vector.shape_cast %get3A_8 : vector<1x128xf32> to vector<128xf32>
    %broadcast_in_dim3A = vector.shape_cast %get3A_9 : vector<128xf32> to vector<1x128xf32>
    %add3A = vector.broadcast %broadcast_in_dim3A : vector<1x128xf32> to vector<2048x128xf32>
    %add3A_10 = arith.addf %dot_general3A_5, %add3A : vector<2048x128xf32>
    %reduce_sum3A = arith.constant dense<0.000000e+00> : vector<128xf32>
    %reduce_sum3A_11 = vector.multi_reduction <add>, %add3A_10, %reduce_sum3A [0] : vector<2048x128xf32> to vector<128xf32>
    %swap3A = arith.constant 0 : index
    %swap3A_12 = arith.constant 0 : index
    %swap3A_13 = arith.constant 0 : index
    %swap3A_14 = vector.load %arg9[%swap3A, %swap3A_12, %swap3A_13] : memref<1x1x128xf32, #tpu.memory_space<vmem>>, vector<1x1x128xf32>
    %swap3A_15 = vector.shape_cast %swap3A_14 : vector<1x1x128xf32> to vector<128xf32>
    %swap3A_16 = vector.shape_cast %reduce_sum3A_11 : vector<128xf32> to vector<1x1x128xf32>
    tpu.vector_store %arg9[%swap3A, %swap3A_12, %swap3A_13], %swap3A_16 {strides = array<i32>} : memref<1x1x128xf32, #tpu.memory_space<vmem>>, vector<1x1x128xf32>,
    %swap3A_17 = arith.constant 0 : index
    %swap3A_18 = arith.constant 0 : index
    %swap3A_19 = vector.load %arg8[%swap3A_17, %swap3A_18] : memref<2048x128xf32, #tpu.memory_space<vmem>>, vector<2048x128xf32>
    tpu.vector_store %arg8[%swap3A_17, %swap3A_18], %add3A_10 {strides = array<i32>} : memref<2048x128xf32, #tpu.memory_space<vmem>>, vector<2048x128xf32>,
    return
  }
  func.func @transform_0(%arg0: i32) -> (i32, i32) {
    %c0_i32 = arith.constant 0 : i32
    %c0_i32_0 = arith.constant 0 : i32
    return %arg0, %c0_i32 : i32, i32
  }
  func.func @transform_1(%arg0: i32) -> (i32, i32) {
    %c0_i32 = arith.constant 0 : i32
    %c0_i32_0 = arith.constant 0 : i32
    %c0_i32_1 = arith.constant 0 : i32
    return %c0_i32, %c0_i32_0 : i32, i32
  }
  func.func @transform_2(%arg0: i32) -> (i32, i32) {
    %c0_i32 = arith.constant 0 : i32
    %c0_i32_0 = arith.constant 0 : i32
    %c0_i32_1 = arith.constant 0 : i32
    return %c0_i32, %c0_i32_0 : i32, i32
  }
  func.func @transform_3(%arg0: i32) -> (i32, i32) {
    %c0_i32 = arith.constant 0 : i32
    %c0_i32_0 = arith.constant 0 : i32
    %c0_i32_1 = arith.constant 0 : i32
    return %c0_i32, %c0_i32_0 : i32, i32
  }
  func.func @transform_4(%arg0: i32) -> (i32, i32) {
    %c0_i32 = arith.constant 0 : i32
    %c0_i32_0 = arith.constant 0 : i32
    %c0_i32_1 = arith.constant 0 : i32
    return %c0_i32, %c0_i32_0 : i32, i32
  }
  func.func @transform_5(%arg0: i32) -> (i32, i32) {
    %c0_i32 = arith.constant 0 : i32
    %c0_i32_0 = arith.constant 0 : i32
    %c0_i32_1 = arith.constant 0 : i32
    return %c0_i32, %c0_i32_0 : i32, i32
  }
  func.func @transform_6(%arg0: i32) -> (i32, i32) {
    %c0_i32 = arith.constant 0 : i32
    %c0_i32_0 = arith.constant 0 : i32
    %c0_i32_1 = arith.constant 0 : i32
    return %c0_i32, %c0_i32_0 : i32, i32
  }
  func.func @transform_7(%arg0: i32) -> (i32, i32) {
    %c0_i32 = arith.constant 0 : i32
    %c0_i32_0 = arith.constant 0 : i32
    return %arg0, %c0_i32 : i32, i32
  }
  func.func @transform_8(%arg0: i32) -> (i32, i32, i32) {
    %c0_i32 = arith.constant 0 : i32
    %c0_i32_0 = arith.constant 0 : i32
    %c0_i32_1 = arith.constant 0 : i32
    return %arg0, %c0_i32, %c0_i32_0 : i32, i32, i32
  }
}

module attributes {stable_mosaic.version = 14 : i64} {
  func.func @_conv_body(%arg0: i32, %arg1: memref<2048x128xf32, #tpu.memory_space<vmem>>, %arg2: memref<128x196xf32, #tpu.memory_space<vmem>>, %arg3: memref<1x196xf32, #tpu.memory_space<vmem>>, %arg4: memref<1x128xf32, #tpu.memory_space<vmem>>, %arg5: memref<1x128xf32, #tpu.memory_space<vmem>>, %arg6: memref<1x128xf32, #tpu.memory_space<vmem>>, %arg7: memref<1x128xf32, #tpu.memory_space<vmem>>, %arg8: memref<2048x196xf32, #tpu.memory_space<vmem>>, %arg9: memref<1x1x196xf32, #tpu.memory_space<vmem>>) attributes {dimension_semantics = [#tpu.dimension_semantics<arbitrary>], iteration_bounds = array<i64: 8>, scalar_prefetch = 0 : i64, scratch_operands = 0 : i64, tpu.core_type = #tpu.core_type<tc>, window_params = [{transform_indices = @transform_0, window_bounds = array<i64: 2048, 128>}, {pipeline_mode = #tpu.pipeline_mode<synchronous>, transform_indices = @transform_1, window_bounds = array<i64: 128, 196>}, {pipeline_mode = #tpu.pipeline_mode<synchronous>, transform_indices = @transform_2, window_bounds = array<i64: 1, 196>}, {pipeline_mode = #tpu.pipeline_mode<synchronous>, transform_indices = @transform_3, window_bounds = array<i64: 1, 128>}, {pipeline_mode = #tpu.pipeline_mode<synchronous>, transform_indices = @transform_4, window_bounds = array<i64: 1, 128>}, {pipeline_mode = #tpu.pipeline_mode<synchronous>, transform_indices = @transform_5, window_bounds = array<i64: 1, 128>}, {pipeline_mode = #tpu.pipeline_mode<synchronous>, transform_indices = @transform_6, window_bounds = array<i64: 1, 128>}, {transform_indices = @transform_7, window_bounds = array<i64: 2048, 196>}, {transform_indices = @transform_8, window_bounds = array<i64: 1, 1, 196>}]} {
    %get3A = arith.constant 0 : index
    %get3A_0 = arith.constant 0 : index
    %get3A_1 = vector.load %arg1[%get3A, %get3A_0] : memref<2048x128xf32, #tpu.memory_space<vmem>>, vector<2048x128xf32>
    %get3A_2 = arith.constant 0 : index
    %get3A_3 = arith.constant 0 : index
    %get3A_4 = vector.load %arg6[%get3A_2, %get3A_3] : memref<1x128xf32, #tpu.memory_space<vmem>>, vector<1x128xf32>
    %get3A_5 = vector.shape_cast %get3A_4 : vector<1x128xf32> to vector<128xf32>
    %get3A_6 = arith.constant 0 : index
    %get3A_7 = arith.constant 0 : index
    %get3A_8 = vector.load %arg4[%get3A_6, %get3A_7] : memref<1x128xf32, #tpu.memory_space<vmem>>, vector<1x128xf32>
    %get3A_9 = vector.shape_cast %get3A_8 : vector<1x128xf32> to vector<128xf32>
    %broadcast_in_dim3A = vector.shape_cast %get3A_9 : vector<128xf32> to vector<1x128xf32>
    %sub3A = vector.broadcast %broadcast_in_dim3A : vector<1x128xf32> to vector<2048x128xf32>
    %sub3A_10 = arith.subf %get3A_1, %sub3A : vector<2048x128xf32>
    %get3A_11 = arith.constant 0 : index
    %get3A_12 = arith.constant 0 : index
    %get3A_13 = vector.load %arg5[%get3A_11, %get3A_12] : memref<1x128xf32, #tpu.memory_space<vmem>>, vector<1x128xf32>
    %get3A_14 = vector.shape_cast %get3A_13 : vector<1x128xf32> to vector<128xf32>
    %broadcast_in_dim3A_15 = vector.shape_cast %get3A_14 : vector<128xf32> to vector<1x128xf32>
    %div3A = vector.broadcast %broadcast_in_dim3A_15 : vector<1x128xf32> to vector<2048x128xf32>
    %div3A_16 = arith.divf %sub3A_10, %div3A : vector<2048x128xf32>
    %broadcast_in_dim3A_17 = vector.shape_cast %get3A_5 : vector<128xf32> to vector<1x128xf32>
    %mul3A = vector.broadcast %broadcast_in_dim3A_17 : vector<1x128xf32> to vector<2048x128xf32>
    %mul3A_18 = arith.mulf %mul3A, %div3A_16 : vector<2048x128xf32>
    %get3A_19 = arith.constant 0 : index
    %get3A_20 = arith.constant 0 : index
    %get3A_21 = vector.load %arg7[%get3A_19, %get3A_20] : memref<1x128xf32, #tpu.memory_space<vmem>>, vector<1x128xf32>
    %get3A_22 = vector.shape_cast %get3A_21 : vector<1x128xf32> to vector<128xf32>
    %broadcast_in_dim3A_23 = vector.shape_cast %get3A_22 : vector<128xf32> to vector<1x128xf32>
    %add3A = vector.broadcast %broadcast_in_dim3A_23 : vector<1x128xf32> to vector<2048x128xf32>
    %add3A_24 = arith.addf %mul3A_18, %add3A : vector<2048x128xf32>
    %max3A = arith.constant 0.000000e+00 : f32
    %max3A_25 = vector.broadcast %max3A : f32 to vector<2048x128xf32>
    %max3A_26 = arith.maximumf %add3A_24, %max3A_25 : vector<2048x128xf32>
    %get3A_27 = arith.constant 0 : index
    %get3A_28 = arith.constant 0 : index
    %get3A_29 = vector.load %arg2[%get3A_27, %get3A_28] : memref<128x196xf32, #tpu.memory_space<vmem>>, vector<128x196xf32>
    %dot_general3A = arith.constant dense<0.000000e+00> : vector<2048x196xf32>
    %dot_general3A_30 = tpu.matmul %max3A_26, %get3A_29, %dot_general3A {dimension_numbers = #tpu.dot_dimension_numbers<[1], [0], [0], [1], [0, 0, 1, 1], [], []>, transpose_lhs_hint = false} : vector<2048x128xf32>, vector<128x196xf32>, vector<2048x196xf32> -> vector<2048x196xf32>
    %get3A_31 = arith.constant 0 : index
    %get3A_32 = arith.constant 0 : index
    %get3A_33 = vector.load %arg3[%get3A_31, %get3A_32] : memref<1x196xf32, #tpu.memory_space<vmem>>, vector<1x196xf32>
    %get3A_34 = vector.shape_cast %get3A_33 : vector<1x196xf32> to vector<196xf32>
    %broadcast_in_dim3A_35 = vector.shape_cast %get3A_34 : vector<196xf32> to vector<1x196xf32>
    %add3A_36 = vector.broadcast %broadcast_in_dim3A_35 : vector<1x196xf32> to vector<2048x196xf32>
    %add3A_37 = arith.addf %dot_general3A_30, %add3A_36 : vector<2048x196xf32>
    %reduce_sum3A = arith.constant dense<0.000000e+00> : vector<196xf32>
    %reduce_sum3A_38 = vector.multi_reduction <add>, %add3A_37, %reduce_sum3A [0] : vector<2048x196xf32> to vector<196xf32>
    %swap3A = arith.constant 0 : index
    %swap3A_39 = arith.constant 0 : index
    %swap3A_40 = arith.constant 0 : index
    %swap3A_41 = vector.load %arg9[%swap3A, %swap3A_39, %swap3A_40] : memref<1x1x196xf32, #tpu.memory_space<vmem>>, vector<1x1x196xf32>
    %swap3A_42 = vector.shape_cast %swap3A_41 : vector<1x1x196xf32> to vector<196xf32>
    %swap3A_43 = vector.shape_cast %reduce_sum3A_38 : vector<196xf32> to vector<1x1x196xf32>
    tpu.vector_store %arg9[%swap3A, %swap3A_39, %swap3A_40], %swap3A_43 {strides = array<i32>} : memref<1x1x196xf32, #tpu.memory_space<vmem>>, vector<1x1x196xf32>,
    %swap3A_44 = arith.constant 0 : index
    %swap3A_45 = arith.constant 0 : index
    %swap3A_46 = vector.load %arg8[%swap3A_44, %swap3A_45] : memref<2048x196xf32, #tpu.memory_space<vmem>>, vector<2048x196xf32>
    tpu.vector_store %arg8[%swap3A_44, %swap3A_45], %add3A_37 {strides = array<i32>} : memref<2048x196xf32, #tpu.memory_space<vmem>>, vector<2048x196xf32>,
    return
  }
  func.func @transform_0(%arg0: i32) -> (i32, i32) {
    %c0_i32 = arith.constant 0 : i32
    %c0_i32_0 = arith.constant 0 : i32
    return %arg0, %c0_i32 : i32, i32
  }
  func.func @transform_1(%arg0: i32) -> (i32, i32) {
    %c0_i32 = arith.constant 0 : i32
    %c0_i32_0 = arith.constant 0 : i32
    %c0_i32_1 = arith.constant 0 : i32
    return %c0_i32, %c0_i32_0 : i32, i32
  }
  func.func @transform_2(%arg0: i32) -> (i32, i32) {
    %c0_i32 = arith.constant 0 : i32
    %c0_i32_0 = arith.constant 0 : i32
    %c0_i32_1 = arith.constant 0 : i32
    return %c0_i32, %c0_i32_0 : i32, i32
  }
  func.func @transform_3(%arg0: i32) -> (i32, i32) {
    %c0_i32 = arith.constant 0 : i32
    %c0_i32_0 = arith.constant 0 : i32
    %c0_i32_1 = arith.constant 0 : i32
    return %c0_i32, %c0_i32_0 : i32, i32
  }
  func.func @transform_4(%arg0: i32) -> (i32, i32) {
    %c0_i32 = arith.constant 0 : i32
    %c0_i32_0 = arith.constant 0 : i32
    %c0_i32_1 = arith.constant 0 : i32
    return %c0_i32, %c0_i32_0 : i32, i32
  }
  func.func @transform_5(%arg0: i32) -> (i32, i32) {
    %c0_i32 = arith.constant 0 : i32
    %c0_i32_0 = arith.constant 0 : i32
    %c0_i32_1 = arith.constant 0 : i32
    return %c0_i32, %c0_i32_0 : i32, i32
  }
  func.func @transform_6(%arg0: i32) -> (i32, i32) {
    %c0_i32 = arith.constant 0 : i32
    %c0_i32_0 = arith.constant 0 : i32
    %c0_i32_1 = arith.constant 0 : i32
    return %c0_i32, %c0_i32_0 : i32, i32
  }
  func.func @transform_7(%arg0: i32) -> (i32, i32) {
    %c0_i32 = arith.constant 0 : i32
    %c0_i32_0 = arith.constant 0 : i32
    return %arg0, %c0_i32 : i32, i32
  }
  func.func @transform_8(%arg0: i32) -> (i32, i32, i32) {
    %c0_i32 = arith.constant 0 : i32
    %c0_i32_0 = arith.constant 0 : i32
    %c0_i32_1 = arith.constant 0 : i32
    return %arg0, %c0_i32, %c0_i32_0 : i32, i32, i32
  }
}

module attributes {stable_mosaic.version = 14 : i64} {
  func.func @_conv_body(%arg0: i32, %arg1: memref<2048x196xf32, #tpu.memory_space<vmem>>, %arg2: memref<196x256xf32, #tpu.memory_space<vmem>>, %arg3: memref<1x256xf32, #tpu.memory_space<vmem>>, %arg4: memref<1x196xf32, #tpu.memory_space<vmem>>, %arg5: memref<1x196xf32, #tpu.memory_space<vmem>>, %arg6: memref<1x196xf32, #tpu.memory_space<vmem>>, %arg7: memref<1x196xf32, #tpu.memory_space<vmem>>, %arg8: memref<2048x256xf32, #tpu.memory_space<vmem>>, %arg9: memref<1x1x256xf32, #tpu.memory_space<vmem>>) attributes {dimension_semantics = [#tpu.dimension_semantics<arbitrary>], iteration_bounds = array<i64: 4>, scalar_prefetch = 0 : i64, scratch_operands = 0 : i64, tpu.core_type = #tpu.core_type<tc>, window_params = [{transform_indices = @transform_0, window_bounds = array<i64: 2048, 196>}, {pipeline_mode = #tpu.pipeline_mode<synchronous>, transform_indices = @transform_1, window_bounds = array<i64: 196, 256>}, {pipeline_mode = #tpu.pipeline_mode<synchronous>, transform_indices = @transform_2, window_bounds = array<i64: 1, 256>}, {pipeline_mode = #tpu.pipeline_mode<synchronous>, transform_indices = @transform_3, window_bounds = array<i64: 1, 196>}, {pipeline_mode = #tpu.pipeline_mode<synchronous>, transform_indices = @transform_4, window_bounds = array<i64: 1, 196>}, {pipeline_mode = #tpu.pipeline_mode<synchronous>, transform_indices = @transform_5, window_bounds = array<i64: 1, 196>}, {pipeline_mode = #tpu.pipeline_mode<synchronous>, transform_indices = @transform_6, window_bounds = array<i64: 1, 196>}, {transform_indices = @transform_7, window_bounds = array<i64: 2048, 256>}, {transform_indices = @transform_8, window_bounds = array<i64: 1, 1, 256>}]} {
    %get3A = arith.constant 0 : index
    %get3A_0 = arith.constant 0 : index
    %get3A_1 = vector.load %arg1[%get3A, %get3A_0] : memref<2048x196xf32, #tpu.memory_space<vmem>>, vector<2048x196xf32>
    %get3A_2 = arith.constant 0 : index
    %get3A_3 = arith.constant 0 : index
    %get3A_4 = vector.load %arg6[%get3A_2, %get3A_3] : memref<1x196xf32, #tpu.memory_space<vmem>>, vector<1x196xf32>
    %get3A_5 = vector.shape_cast %get3A_4 : vector<1x196xf32> to vector<196xf32>
    %get3A_6 = arith.constant 0 : index
    %get3A_7 = arith.constant 0 : index
    %get3A_8 = vector.load %arg4[%get3A_6, %get3A_7] : memref<1x196xf32, #tpu.memory_space<vmem>>, vector<1x196xf32>
    %get3A_9 = vector.shape_cast %get3A_8 : vector<1x196xf32> to vector<196xf32>
    %broadcast_in_dim3A = vector.shape_cast %get3A_9 : vector<196xf32> to vector<1x196xf32>
    %sub3A = vector.broadcast %broadcast_in_dim3A : vector<1x196xf32> to vector<2048x196xf32>
    %sub3A_10 = arith.subf %get3A_1, %sub3A : vector<2048x196xf32>
    %get3A_11 = arith.constant 0 : index
    %get3A_12 = arith.constant 0 : index
    %get3A_13 = vector.load %arg5[%get3A_11, %get3A_12] : memref<1x196xf32, #tpu.memory_space<vmem>>, vector<1x196xf32>
    %get3A_14 = vector.shape_cast %get3A_13 : vector<1x196xf32> to vector<196xf32>
    %broadcast_in_dim3A_15 = vector.shape_cast %get3A_14 : vector<196xf32> to vector<1x196xf32>
    %div3A = vector.broadcast %broadcast_in_dim3A_15 : vector<1x196xf32> to vector<2048x196xf32>
    %div3A_16 = arith.divf %sub3A_10, %div3A : vector<2048x196xf32>
    %broadcast_in_dim3A_17 = vector.shape_cast %get3A_5 : vector<196xf32> to vector<1x196xf32>
    %mul3A = vector.broadcast %broadcast_in_dim3A_17 : vector<1x196xf32> to vector<2048x196xf32>
    %mul3A_18 = arith.mulf %mul3A, %div3A_16 : vector<2048x196xf32>
    %get3A_19 = arith.constant 0 : index
    %get3A_20 = arith.constant 0 : index
    %get3A_21 = vector.load %arg7[%get3A_19, %get3A_20] : memref<1x196xf32, #tpu.memory_space<vmem>>, vector<1x196xf32>
    %get3A_22 = vector.shape_cast %get3A_21 : vector<1x196xf32> to vector<196xf32>
    %broadcast_in_dim3A_23 = vector.shape_cast %get3A_22 : vector<196xf32> to vector<1x196xf32>
    %add3A = vector.broadcast %broadcast_in_dim3A_23 : vector<1x196xf32> to vector<2048x196xf32>
    %add3A_24 = arith.addf %mul3A_18, %add3A : vector<2048x196xf32>
    %max3A = arith.constant 0.000000e+00 : f32
    %max3A_25 = vector.broadcast %max3A : f32 to vector<2048x196xf32>
    %max3A_26 = arith.maximumf %add3A_24, %max3A_25 : vector<2048x196xf32>
    %get3A_27 = arith.constant 0 : index
    %get3A_28 = arith.constant 0 : index
    %get3A_29 = vector.load %arg2[%get3A_27, %get3A_28] : memref<196x256xf32, #tpu.memory_space<vmem>>, vector<196x256xf32>
    %dot_general3A = arith.constant dense<0.000000e+00> : vector<2048x256xf32>
    %dot_general3A_30 = tpu.matmul %max3A_26, %get3A_29, %dot_general3A {dimension_numbers = #tpu.dot_dimension_numbers<[1], [0], [0], [1], [0, 0, 1, 1], [], []>, transpose_lhs_hint = false} : vector<2048x196xf32>, vector<196x256xf32>, vector<2048x256xf32> -> vector<2048x256xf32>
    %get3A_31 = arith.constant 0 : index
    %get3A_32 = arith.constant 0 : index
    %get3A_33 = vector.load %arg3[%get3A_31, %get3A_32] : memref<1x256xf32, #tpu.memory_space<vmem>>, vector<1x256xf32>
    %get3A_34 = vector.shape_cast %get3A_33 : vector<1x256xf32> to vector<256xf32>
    %broadcast_in_dim3A_35 = vector.shape_cast %get3A_34 : vector<256xf32> to vector<1x256xf32>
    %add3A_36 = vector.broadcast %broadcast_in_dim3A_35 : vector<1x256xf32> to vector<2048x256xf32>
    %add3A_37 = arith.addf %dot_general3A_30, %add3A_36 : vector<2048x256xf32>
    %reduce_sum3A = arith.constant dense<0.000000e+00> : vector<256xf32>
    %reduce_sum3A_38 = vector.multi_reduction <add>, %add3A_37, %reduce_sum3A [0] : vector<2048x256xf32> to vector<256xf32>
    %swap3A = arith.constant 0 : index
    %swap3A_39 = arith.constant 0 : index
    %swap3A_40 = arith.constant 0 : index
    %swap3A_41 = vector.load %arg9[%swap3A, %swap3A_39, %swap3A_40] : memref<1x1x256xf32, #tpu.memory_space<vmem>>, vector<1x1x256xf32>
    %swap3A_42 = vector.shape_cast %swap3A_41 : vector<1x1x256xf32> to vector<256xf32>
    %swap3A_43 = vector.shape_cast %reduce_sum3A_38 : vector<256xf32> to vector<1x1x256xf32>
    tpu.vector_store %arg9[%swap3A, %swap3A_39, %swap3A_40], %swap3A_43 {strides = array<i32>} : memref<1x1x256xf32, #tpu.memory_space<vmem>>, vector<1x1x256xf32>,
    %swap3A_44 = arith.constant 0 : index
    %swap3A_45 = arith.constant 0 : index
    %swap3A_46 = vector.load %arg8[%swap3A_44, %swap3A_45] : memref<2048x256xf32, #tpu.memory_space<vmem>>, vector<2048x256xf32>
    tpu.vector_store %arg8[%swap3A_44, %swap3A_45], %add3A_37 {strides = array<i32>} : memref<2048x256xf32, #tpu.memory_space<vmem>>, vector<2048x256xf32>,
    return
  }
  func.func @transform_0(%arg0: i32) -> (i32, i32) {
    %c0_i32 = arith.constant 0 : i32
    %c0_i32_0 = arith.constant 0 : i32
    return %arg0, %c0_i32 : i32, i32
  }
  func.func @transform_1(%arg0: i32) -> (i32, i32) {
    %c0_i32 = arith.constant 0 : i32
    %c0_i32_0 = arith.constant 0 : i32
    %c0_i32_1 = arith.constant 0 : i32
    return %c0_i32, %c0_i32_0 : i32, i32
  }
  func.func @transform_2(%arg0: i32) -> (i32, i32) {
    %c0_i32 = arith.constant 0 : i32
    %c0_i32_0 = arith.constant 0 : i32
    %c0_i32_1 = arith.constant 0 : i32
    return %c0_i32, %c0_i32_0 : i32, i32
  }
  func.func @transform_3(%arg0: i32) -> (i32, i32) {
    %c0_i32 = arith.constant 0 : i32
    %c0_i32_0 = arith.constant 0 : i32
    %c0_i32_1 = arith.constant 0 : i32
    return %c0_i32, %c0_i32_0 : i32, i32
  }
  func.func @transform_4(%arg0: i32) -> (i32, i32) {
    %c0_i32 = arith.constant 0 : i32
    %c0_i32_0 = arith.constant 0 : i32
    %c0_i32_1 = arith.constant 0 : i32
    return %c0_i32, %c0_i32_0 : i32, i32
  }
  func.func @transform_5(%arg0: i32) -> (i32, i32) {
    %c0_i32 = arith.constant 0 : i32
    %c0_i32_0 = arith.constant 0 : i32
    %c0_i32_1 = arith.constant 0 : i32
    return %c0_i32, %c0_i32_0 : i32, i32
  }
  func.func @transform_6(%arg0: i32) -> (i32, i32) {
    %c0_i32 = arith.constant 0 : i32
    %c0_i32_0 = arith.constant 0 : i32
    %c0_i32_1 = arith.constant 0 : i32
    return %c0_i32, %c0_i32_0 : i32, i32
  }
  func.func @transform_7(%arg0: i32) -> (i32, i32) {
    %c0_i32 = arith.constant 0 : i32
    %c0_i32_0 = arith.constant 0 : i32
    return %arg0, %c0_i32 : i32, i32
  }
  func.func @transform_8(%arg0: i32) -> (i32, i32, i32) {
    %c0_i32 = arith.constant 0 : i32
    %c0_i32_0 = arith.constant 0 : i32
    %c0_i32_1 = arith.constant 0 : i32
    return %arg0, %c0_i32, %c0_i32_0 : i32, i32, i32
  }
}

module attributes {stable_mosaic.version = 14 : i64} {
  func.func @_norm_max_body(%arg0: i32, %arg1: memref<2048x256xf32, #tpu.memory_space<vmem>>, %arg2: memref<1x256xf32, #tpu.memory_space<vmem>>, %arg3: memref<1x256xf32, #tpu.memory_space<vmem>>, %arg4: memref<1x256xf32, #tpu.memory_space<vmem>>, %arg5: memref<1x256xf32, #tpu.memory_space<vmem>>, %arg6: memref<128x256xf32, #tpu.memory_space<vmem>>) attributes {dimension_semantics = [#tpu.dimension_semantics<arbitrary>], iteration_bounds = array<i64: 4>, scalar_prefetch = 0 : i64, scratch_operands = 0 : i64, tpu.core_type = #tpu.core_type<tc>, window_params = [{transform_indices = @transform_0, window_bounds = array<i64: 2048, 256>}, {pipeline_mode = #tpu.pipeline_mode<synchronous>, transform_indices = @transform_1, window_bounds = array<i64: 1, 256>}, {pipeline_mode = #tpu.pipeline_mode<synchronous>, transform_indices = @transform_2, window_bounds = array<i64: 1, 256>}, {pipeline_mode = #tpu.pipeline_mode<synchronous>, transform_indices = @transform_3, window_bounds = array<i64: 1, 256>}, {pipeline_mode = #tpu.pipeline_mode<synchronous>, transform_indices = @transform_4, window_bounds = array<i64: 1, 256>}, {transform_indices = @transform_5, window_bounds = array<i64: 128, 256>}]} {
    %get3A = arith.constant 0 : index
    %get3A_0 = arith.constant 0 : index
    %get3A_1 = vector.load %arg4[%get3A, %get3A_0] : memref<1x256xf32, #tpu.memory_space<vmem>>, vector<1x256xf32>
    %get3A_2 = vector.shape_cast %get3A_1 : vector<1x256xf32> to vector<256xf32>
    %get3A_3 = arith.constant 0 : index
    %get3A_4 = arith.constant 0 : index
    %get3A_5 = vector.load %arg1[%get3A_3, %get3A_4] : memref<2048x256xf32, #tpu.memory_space<vmem>>, vector<2048x256xf32>
    %get3A_6 = arith.constant 0 : index
    %get3A_7 = arith.constant 0 : index
    %get3A_8 = vector.load %arg2[%get3A_6, %get3A_7] : memref<1x256xf32, #tpu.memory_space<vmem>>, vector<1x256xf32>
    %get3A_9 = vector.shape_cast %get3A_8 : vector<1x256xf32> to vector<256xf32>
    %broadcast_in_dim3A = vector.shape_cast %get3A_9 : vector<256xf32> to vector<1x256xf32>
    %sub3A = vector.broadcast %broadcast_in_dim3A : vector<1x256xf32> to vector<2048x256xf32>
    %sub3A_10 = arith.subf %get3A_5, %sub3A : vector<2048x256xf32>
    %get3A_11 = arith.constant 0 : index
    %get3A_12 = arith.constant 0 : index
    %get3A_13 = vector.load %arg3[%get3A_11, %get3A_12] : memref<1x256xf32, #tpu.memory_space<vmem>>, vector<1x256xf32>
    %get3A_14 = vector.shape_cast %get3A_13 : vector<1x256xf32> to vector<256xf32>
    %broadcast_in_dim3A_15 = vector.shape_cast %get3A_14 : vector<256xf32> to vector<1x256xf32>
    %div3A = vector.broadcast %broadcast_in_dim3A_15 : vector<1x256xf32> to vector<2048x256xf32>
    %div3A_16 = arith.divf %sub3A_10, %div3A : vector<2048x256xf32>
    %broadcast_in_dim3A_17 = vector.shape_cast %get3A_2 : vector<256xf32> to vector<1x256xf32>
    %mul3A = vector.broadcast %broadcast_in_dim3A_17 : vector<1x256xf32> to vector<2048x256xf32>
    %mul3A_18 = arith.mulf %mul3A, %div3A_16 : vector<2048x256xf32>
    %get3A_19 = arith.constant 0 : index
    %get3A_20 = arith.constant 0 : index
    %get3A_21 = vector.load %arg5[%get3A_19, %get3A_20] : memref<1x256xf32, #tpu.memory_space<vmem>>, vector<1x256xf32>
    %get3A_22 = vector.shape_cast %get3A_21 : vector<1x256xf32> to vector<256xf32>
    %broadcast_in_dim3A_23 = vector.shape_cast %get3A_22 : vector<256xf32> to vector<1x256xf32>
    %add3A = vector.broadcast %broadcast_in_dim3A_23 : vector<1x256xf32> to vector<2048x256xf32>
    %add3A_24 = arith.addf %mul3A_18, %add3A : vector<2048x256xf32>
    %max3A = arith.constant 0.000000e+00 : f32
    %max3A_25 = vector.broadcast %max3A : f32 to vector<2048x256xf32>
    %max3A_26 = arith.maximumf %add3A_24, %max3A_25 : vector<2048x256xf32>
    %reshape3A = vector.shape_cast %max3A_26 : vector<2048x256xf32> to vector<128x16x256xf32>
    %reduce_max3A = arith.constant dense<0xFF800000> : vector<128x256xf32>
    %reduce_max3A_27 = vector.multi_reduction <maximumf>, %reshape3A, %reduce_max3A [1] : vector<128x16x256xf32> to vector<128x256xf32>
    %swap3A = arith.constant 0 : index
    %swap3A_28 = arith.constant 0 : index
    %swap3A_29 = vector.load %arg6[%swap3A, %swap3A_28] : memref<128x256xf32, #tpu.memory_space<vmem>>, vector<128x256xf32>
    tpu.vector_store %arg6[%swap3A, %swap3A_28], %reduce_max3A_27 {strides = array<i32>} : memref<128x256xf32, #tpu.memory_space<vmem>>, vector<128x256xf32>,
    return
  }
  func.func @transform_0(%arg0: i32) -> (i32, i32) {
    %c0_i32 = arith.constant 0 : i32
    %c0_i32_0 = arith.constant 0 : i32
    return %arg0, %c0_i32 : i32, i32
  }
  func.func @transform_1(%arg0: i32) -> (i32, i32) {
    %c0_i32 = arith.constant 0 : i32
    %c0_i32_0 = arith.constant 0 : i32
    %c0_i32_1 = arith.constant 0 : i32
    return %c0_i32, %c0_i32_0 : i32, i32
  }
  func.func @transform_2(%arg0: i32) -> (i32, i32) {
    %c0_i32 = arith.constant 0 : i32
    %c0_i32_0 = arith.constant 0 : i32
    %c0_i32_1 = arith.constant 0 : i32
    return %c0_i32, %c0_i32_0 : i32, i32
  }
  func.func @transform_3(%arg0: i32) -> (i32, i32) {
    %c0_i32 = arith.constant 0 : i32
    %c0_i32_0 = arith.constant 0 : i32
    %c0_i32_1 = arith.constant 0 : i32
    return %c0_i32, %c0_i32_0 : i32, i32
  }
  func.func @transform_4(%arg0: i32) -> (i32, i32) {
    %c0_i32 = arith.constant 0 : i32
    %c0_i32_0 = arith.constant 0 : i32
    %c0_i32_1 = arith.constant 0 : i32
    return %c0_i32, %c0_i32_0 : i32, i32
  }
  func.func @transform_5(%arg0: i32) -> (i32, i32) {
    %c0_i32 = arith.constant 0 : i32
    %c0_i32_0 = arith.constant 0 : i32
    return %arg0, %c0_i32 : i32, i32
  }
}

module attributes {stable_mosaic.version = 14 : i64} {
  func.func @_conv_body(%arg0: i32, %arg1: memref<2048x196xf32, #tpu.memory_space<vmem>>, %arg2: memref<196x256xf32, #tpu.memory_space<vmem>>, %arg3: memref<1x256xf32, #tpu.memory_space<vmem>>, %arg4: memref<1x196xf32, #tpu.memory_space<vmem>>, %arg5: memref<1x196xf32, #tpu.memory_space<vmem>>, %arg6: memref<1x196xf32, #tpu.memory_space<vmem>>, %arg7: memref<1x196xf32, #tpu.memory_space<vmem>>, %arg8: memref<2048x256xf32, #tpu.memory_space<vmem>>, %arg9: memref<1x1x256xf32, #tpu.memory_space<vmem>>) attributes {dimension_semantics = [#tpu.dimension_semantics<arbitrary>], iteration_bounds = array<i64: 8>, scalar_prefetch = 0 : i64, scratch_operands = 0 : i64, tpu.core_type = #tpu.core_type<tc>, window_params = [{transform_indices = @transform_0, window_bounds = array<i64: 2048, 196>}, {pipeline_mode = #tpu.pipeline_mode<synchronous>, transform_indices = @transform_1, window_bounds = array<i64: 196, 256>}, {pipeline_mode = #tpu.pipeline_mode<synchronous>, transform_indices = @transform_2, window_bounds = array<i64: 1, 256>}, {pipeline_mode = #tpu.pipeline_mode<synchronous>, transform_indices = @transform_3, window_bounds = array<i64: 1, 196>}, {pipeline_mode = #tpu.pipeline_mode<synchronous>, transform_indices = @transform_4, window_bounds = array<i64: 1, 196>}, {pipeline_mode = #tpu.pipeline_mode<synchronous>, transform_indices = @transform_5, window_bounds = array<i64: 1, 196>}, {pipeline_mode = #tpu.pipeline_mode<synchronous>, transform_indices = @transform_6, window_bounds = array<i64: 1, 196>}, {transform_indices = @transform_7, window_bounds = array<i64: 2048, 256>}, {transform_indices = @transform_8, window_bounds = array<i64: 1, 1, 256>}]} {
    %get3A = arith.constant 0 : index
    %get3A_0 = arith.constant 0 : index
    %get3A_1 = vector.load %arg1[%get3A, %get3A_0] : memref<2048x196xf32, #tpu.memory_space<vmem>>, vector<2048x196xf32>
    %get3A_2 = arith.constant 0 : index
    %get3A_3 = arith.constant 0 : index
    %get3A_4 = vector.load %arg6[%get3A_2, %get3A_3] : memref<1x196xf32, #tpu.memory_space<vmem>>, vector<1x196xf32>
    %get3A_5 = vector.shape_cast %get3A_4 : vector<1x196xf32> to vector<196xf32>
    %get3A_6 = arith.constant 0 : index
    %get3A_7 = arith.constant 0 : index
    %get3A_8 = vector.load %arg4[%get3A_6, %get3A_7] : memref<1x196xf32, #tpu.memory_space<vmem>>, vector<1x196xf32>
    %get3A_9 = vector.shape_cast %get3A_8 : vector<1x196xf32> to vector<196xf32>
    %broadcast_in_dim3A = vector.shape_cast %get3A_9 : vector<196xf32> to vector<1x196xf32>
    %sub3A = vector.broadcast %broadcast_in_dim3A : vector<1x196xf32> to vector<2048x196xf32>
    %sub3A_10 = arith.subf %get3A_1, %sub3A : vector<2048x196xf32>
    %get3A_11 = arith.constant 0 : index
    %get3A_12 = arith.constant 0 : index
    %get3A_13 = vector.load %arg5[%get3A_11, %get3A_12] : memref<1x196xf32, #tpu.memory_space<vmem>>, vector<1x196xf32>
    %get3A_14 = vector.shape_cast %get3A_13 : vector<1x196xf32> to vector<196xf32>
    %broadcast_in_dim3A_15 = vector.shape_cast %get3A_14 : vector<196xf32> to vector<1x196xf32>
    %div3A = vector.broadcast %broadcast_in_dim3A_15 : vector<1x196xf32> to vector<2048x196xf32>
    %div3A_16 = arith.divf %sub3A_10, %div3A : vector<2048x196xf32>
    %broadcast_in_dim3A_17 = vector.shape_cast %get3A_5 : vector<196xf32> to vector<1x196xf32>
    %mul3A = vector.broadcast %broadcast_in_dim3A_17 : vector<1x196xf32> to vector<2048x196xf32>
    %mul3A_18 = arith.mulf %mul3A, %div3A_16 : vector<2048x196xf32>
    %get3A_19 = arith.constant 0 : index
    %get3A_20 = arith.constant 0 : index
    %get3A_21 = vector.load %arg7[%get3A_19, %get3A_20] : memref<1x196xf32, #tpu.memory_space<vmem>>, vector<1x196xf32>
    %get3A_22 = vector.shape_cast %get3A_21 : vector<1x196xf32> to vector<196xf32>
    %broadcast_in_dim3A_23 = vector.shape_cast %get3A_22 : vector<196xf32> to vector<1x196xf32>
    %add3A = vector.broadcast %broadcast_in_dim3A_23 : vector<1x196xf32> to vector<2048x196xf32>
    %add3A_24 = arith.addf %mul3A_18, %add3A : vector<2048x196xf32>
    %max3A = arith.constant 0.000000e+00 : f32
    %max3A_25 = vector.broadcast %max3A : f32 to vector<2048x196xf32>
    %max3A_26 = arith.maximumf %add3A_24, %max3A_25 : vector<2048x196xf32>
    %get3A_27 = arith.constant 0 : index
    %get3A_28 = arith.constant 0 : index
    %get3A_29 = vector.load %arg2[%get3A_27, %get3A_28] : memref<196x256xf32, #tpu.memory_space<vmem>>, vector<196x256xf32>
    %dot_general3A = arith.constant dense<0.000000e+00> : vector<2048x256xf32>
    %dot_general3A_30 = tpu.matmul %max3A_26, %get3A_29, %dot_general3A {dimension_numbers = #tpu.dot_dimension_numbers<[1], [0], [0], [1], [0, 0, 1, 1], [], []>, transpose_lhs_hint = false} : vector<2048x196xf32>, vector<196x256xf32>, vector<2048x256xf32> -> vector<2048x256xf32>
    %get3A_31 = arith.constant 0 : index
    %get3A_32 = arith.constant 0 : index
    %get3A_33 = vector.load %arg3[%get3A_31, %get3A_32] : memref<1x256xf32, #tpu.memory_space<vmem>>, vector<1x256xf32>
    %get3A_34 = vector.shape_cast %get3A_33 : vector<1x256xf32> to vector<256xf32>
    %broadcast_in_dim3A_35 = vector.shape_cast %get3A_34 : vector<256xf32> to vector<1x256xf32>
    %add3A_36 = vector.broadcast %broadcast_in_dim3A_35 : vector<1x256xf32> to vector<2048x256xf32>
    %add3A_37 = arith.addf %dot_general3A_30, %add3A_36 : vector<2048x256xf32>
    %reduce_sum3A = arith.constant dense<0.000000e+00> : vector<256xf32>
    %reduce_sum3A_38 = vector.multi_reduction <add>, %add3A_37, %reduce_sum3A [0] : vector<2048x256xf32> to vector<256xf32>
    %swap3A = arith.constant 0 : index
    %swap3A_39 = arith.constant 0 : index
    %swap3A_40 = arith.constant 0 : index
    %swap3A_41 = vector.load %arg9[%swap3A, %swap3A_39, %swap3A_40] : memref<1x1x256xf32, #tpu.memory_space<vmem>>, vector<1x1x256xf32>
    %swap3A_42 = vector.shape_cast %swap3A_41 : vector<1x1x256xf32> to vector<256xf32>
    %swap3A_43 = vector.shape_cast %reduce_sum3A_38 : vector<256xf32> to vector<1x1x256xf32>
    tpu.vector_store %arg9[%swap3A, %swap3A_39, %swap3A_40], %swap3A_43 {strides = array<i32>} : memref<1x1x256xf32, #tpu.memory_space<vmem>>, vector<1x1x256xf32>,
    %swap3A_44 = arith.constant 0 : index
    %swap3A_45 = arith.constant 0 : index
    %swap3A_46 = vector.load %arg8[%swap3A_44, %swap3A_45] : memref<2048x256xf32, #tpu.memory_space<vmem>>, vector<2048x256xf32>
    tpu.vector_store %arg8[%swap3A_44, %swap3A_45], %add3A_37 {strides = array<i32>} : memref<2048x256xf32, #tpu.memory_space<vmem>>, vector<2048x256xf32>,
    return
  }
  func.func @transform_0(%arg0: i32) -> (i32, i32) {
    %c0_i32 = arith.constant 0 : i32
    %c0_i32_0 = arith.constant 0 : i32
    return %arg0, %c0_i32 : i32, i32
  }
  func.func @transform_1(%arg0: i32) -> (i32, i32) {
    %c0_i32 = arith.constant 0 : i32
    %c0_i32_0 = arith.constant 0 : i32
    %c0_i32_1 = arith.constant 0 : i32
    return %c0_i32, %c0_i32_0 : i32, i32
  }
  func.func @transform_2(%arg0: i32) -> (i32, i32) {
    %c0_i32 = arith.constant 0 : i32
    %c0_i32_0 = arith.constant 0 : i32
    %c0_i32_1 = arith.constant 0 : i32
    return %c0_i32, %c0_i32_0 : i32, i32
  }
  func.func @transform_3(%arg0: i32) -> (i32, i32) {
    %c0_i32 = arith.constant 0 : i32
    %c0_i32_0 = arith.constant 0 : i32
    %c0_i32_1 = arith.constant 0 : i32
    return %c0_i32, %c0_i32_0 : i32, i32
  }
  func.func @transform_4(%arg0: i32) -> (i32, i32) {
    %c0_i32 = arith.constant 0 : i32
    %c0_i32_0 = arith.constant 0 : i32
    %c0_i32_1 = arith.constant 0 : i32
    return %c0_i32, %c0_i32_0 : i32, i32
  }
  func.func @transform_5(%arg0: i32) -> (i32, i32) {
    %c0_i32 = arith.constant 0 : i32
    %c0_i32_0 = arith.constant 0 : i32
    %c0_i32_1 = arith.constant 0 : i32
    return %c0_i32, %c0_i32_0 : i32, i32
  }
  func.func @transform_6(%arg0: i32) -> (i32, i32) {
    %c0_i32 = arith.constant 0 : i32
    %c0_i32_0 = arith.constant 0 : i32
    %c0_i32_1 = arith.constant 0 : i32
    return %c0_i32, %c0_i32_0 : i32, i32
  }
  func.func @transform_7(%arg0: i32) -> (i32, i32) {
    %c0_i32 = arith.constant 0 : i32
    %c0_i32_0 = arith.constant 0 : i32
    return %arg0, %c0_i32 : i32, i32
  }
  func.func @transform_8(%arg0: i32) -> (i32, i32, i32) {
    %c0_i32 = arith.constant 0 : i32
    %c0_i32_0 = arith.constant 0 : i32
    %c0_i32_1 = arith.constant 0 : i32
    return %arg0, %c0_i32, %c0_i32_0 : i32, i32, i32
  }
}

module attributes {stable_mosaic.version = 14 : i64} {
  func.func @_norm_max_body(%arg0: i32, %arg1: memref<2048x256xf32, #tpu.memory_space<vmem>>, %arg2: memref<1x256xf32, #tpu.memory_space<vmem>>, %arg3: memref<1x256xf32, #tpu.memory_space<vmem>>, %arg4: memref<1x256xf32, #tpu.memory_space<vmem>>, %arg5: memref<1x256xf32, #tpu.memory_space<vmem>>, %arg6: memref<64x256xf32, #tpu.memory_space<vmem>>) attributes {dimension_semantics = [#tpu.dimension_semantics<arbitrary>], iteration_bounds = array<i64: 8>, scalar_prefetch = 0 : i64, scratch_operands = 0 : i64, tpu.core_type = #tpu.core_type<tc>, window_params = [{transform_indices = @transform_0, window_bounds = array<i64: 2048, 256>}, {pipeline_mode = #tpu.pipeline_mode<synchronous>, transform_indices = @transform_1, window_bounds = array<i64: 1, 256>}, {pipeline_mode = #tpu.pipeline_mode<synchronous>, transform_indices = @transform_2, window_bounds = array<i64: 1, 256>}, {pipeline_mode = #tpu.pipeline_mode<synchronous>, transform_indices = @transform_3, window_bounds = array<i64: 1, 256>}, {pipeline_mode = #tpu.pipeline_mode<synchronous>, transform_indices = @transform_4, window_bounds = array<i64: 1, 256>}, {transform_indices = @transform_5, window_bounds = array<i64: 64, 256>}]} {
    %get3A = arith.constant 0 : index
    %get3A_0 = arith.constant 0 : index
    %get3A_1 = vector.load %arg4[%get3A, %get3A_0] : memref<1x256xf32, #tpu.memory_space<vmem>>, vector<1x256xf32>
    %get3A_2 = vector.shape_cast %get3A_1 : vector<1x256xf32> to vector<256xf32>
    %get3A_3 = arith.constant 0 : index
    %get3A_4 = arith.constant 0 : index
    %get3A_5 = vector.load %arg1[%get3A_3, %get3A_4] : memref<2048x256xf32, #tpu.memory_space<vmem>>, vector<2048x256xf32>
    %get3A_6 = arith.constant 0 : index
    %get3A_7 = arith.constant 0 : index
    %get3A_8 = vector.load %arg2[%get3A_6, %get3A_7] : memref<1x256xf32, #tpu.memory_space<vmem>>, vector<1x256xf32>
    %get3A_9 = vector.shape_cast %get3A_8 : vector<1x256xf32> to vector<256xf32>
    %broadcast_in_dim3A = vector.shape_cast %get3A_9 : vector<256xf32> to vector<1x256xf32>
    %sub3A = vector.broadcast %broadcast_in_dim3A : vector<1x256xf32> to vector<2048x256xf32>
    %sub3A_10 = arith.subf %get3A_5, %sub3A : vector<2048x256xf32>
    %get3A_11 = arith.constant 0 : index
    %get3A_12 = arith.constant 0 : index
    %get3A_13 = vector.load %arg3[%get3A_11, %get3A_12] : memref<1x256xf32, #tpu.memory_space<vmem>>, vector<1x256xf32>
    %get3A_14 = vector.shape_cast %get3A_13 : vector<1x256xf32> to vector<256xf32>
    %broadcast_in_dim3A_15 = vector.shape_cast %get3A_14 : vector<256xf32> to vector<1x256xf32>
    %div3A = vector.broadcast %broadcast_in_dim3A_15 : vector<1x256xf32> to vector<2048x256xf32>
    %div3A_16 = arith.divf %sub3A_10, %div3A : vector<2048x256xf32>
    %broadcast_in_dim3A_17 = vector.shape_cast %get3A_2 : vector<256xf32> to vector<1x256xf32>
    %mul3A = vector.broadcast %broadcast_in_dim3A_17 : vector<1x256xf32> to vector<2048x256xf32>
    %mul3A_18 = arith.mulf %mul3A, %div3A_16 : vector<2048x256xf32>
    %get3A_19 = arith.constant 0 : index
    %get3A_20 = arith.constant 0 : index
    %get3A_21 = vector.load %arg5[%get3A_19, %get3A_20] : memref<1x256xf32, #tpu.memory_space<vmem>>, vector<1x256xf32>
    %get3A_22 = vector.shape_cast %get3A_21 : vector<1x256xf32> to vector<256xf32>
    %broadcast_in_dim3A_23 = vector.shape_cast %get3A_22 : vector<256xf32> to vector<1x256xf32>
    %add3A = vector.broadcast %broadcast_in_dim3A_23 : vector<1x256xf32> to vector<2048x256xf32>
    %add3A_24 = arith.addf %mul3A_18, %add3A : vector<2048x256xf32>
    %max3A = arith.constant 0.000000e+00 : f32
    %max3A_25 = vector.broadcast %max3A : f32 to vector<2048x256xf32>
    %max3A_26 = arith.maximumf %add3A_24, %max3A_25 : vector<2048x256xf32>
    %reshape3A = vector.shape_cast %max3A_26 : vector<2048x256xf32> to vector<64x32x256xf32>
    %reduce_max3A = arith.constant dense<0xFF800000> : vector<64x256xf32>
    %reduce_max3A_27 = vector.multi_reduction <maximumf>, %reshape3A, %reduce_max3A [1] : vector<64x32x256xf32> to vector<64x256xf32>
    %swap3A = arith.constant 0 : index
    %swap3A_28 = arith.constant 0 : index
    %swap3A_29 = vector.load %arg6[%swap3A, %swap3A_28] : memref<64x256xf32, #tpu.memory_space<vmem>>, vector<64x256xf32>
    tpu.vector_store %arg6[%swap3A, %swap3A_28], %reduce_max3A_27 {strides = array<i32>} : memref<64x256xf32, #tpu.memory_space<vmem>>, vector<64x256xf32>,
    return
  }
  func.func @transform_0(%arg0: i32) -> (i32, i32) {
    %c0_i32 = arith.constant 0 : i32
    %c0_i32_0 = arith.constant 0 : i32
    return %arg0, %c0_i32 : i32, i32
  }
  func.func @transform_1(%arg0: i32) -> (i32, i32) {
    %c0_i32 = arith.constant 0 : i32
    %c0_i32_0 = arith.constant 0 : i32
    %c0_i32_1 = arith.constant 0 : i32
    return %c0_i32, %c0_i32_0 : i32, i32
  }
  func.func @transform_2(%arg0: i32) -> (i32, i32) {
    %c0_i32 = arith.constant 0 : i32
    %c0_i32_0 = arith.constant 0 : i32
    %c0_i32_1 = arith.constant 0 : i32
    return %c0_i32, %c0_i32_0 : i32, i32
  }
  func.func @transform_3(%arg0: i32) -> (i32, i32) {
    %c0_i32 = arith.constant 0 : i32
    %c0_i32_0 = arith.constant 0 : i32
    %c0_i32_1 = arith.constant 0 : i32
    return %c0_i32, %c0_i32_0 : i32, i32
  }
  func.func @transform_4(%arg0: i32) -> (i32, i32) {
    %c0_i32 = arith.constant 0 : i32
    %c0_i32_0 = arith.constant 0 : i32
    %c0_i32_1 = arith.constant 0 : i32
    return %c0_i32, %c0_i32_0 : i32, i32
  }
  func.func @transform_5(%arg0: i32) -> (i32, i32) {
    %c0_i32 = arith.constant 0 : i32
    %c0_i32_0 = arith.constant 0 : i32
    return %arg0, %c0_i32 : i32, i32
  }
}

module attributes {stable_mosaic.version = 14 : i64} {
  func.func @_conv_body(%arg0: i32, %arg1: memref<2048x515xf32, #tpu.memory_space<vmem>>, %arg2: memref<515x256xf32, #tpu.memory_space<vmem>>, %arg3: memref<1x256xf32, #tpu.memory_space<vmem>>, %arg4: memref<1x515xf32, #tpu.memory_space<vmem>>, %arg5: memref<1x515xf32, #tpu.memory_space<vmem>>, %arg6: memref<1x515xf32, #tpu.memory_space<vmem>>, %arg7: memref<1x515xf32, #tpu.memory_space<vmem>>, %arg8: memref<2048x256xf32, #tpu.memory_space<vmem>>, %arg9: memref<1x1x256xf32, #tpu.memory_space<vmem>>) attributes {dimension_semantics = [#tpu.dimension_semantics<arbitrary>], iteration_bounds = array<i64: 2>, scalar_prefetch = 0 : i64, scratch_operands = 0 : i64, tpu.core_type = #tpu.core_type<tc>, window_params = [{transform_indices = @transform_0, window_bounds = array<i64: 2048, 515>}, {pipeline_mode = #tpu.pipeline_mode<synchronous>, transform_indices = @transform_1, window_bounds = array<i64: 515, 256>}, {pipeline_mode = #tpu.pipeline_mode<synchronous>, transform_indices = @transform_2, window_bounds = array<i64: 1, 256>}, {pipeline_mode = #tpu.pipeline_mode<synchronous>, transform_indices = @transform_3, window_bounds = array<i64: 1, 515>}, {pipeline_mode = #tpu.pipeline_mode<synchronous>, transform_indices = @transform_4, window_bounds = array<i64: 1, 515>}, {pipeline_mode = #tpu.pipeline_mode<synchronous>, transform_indices = @transform_5, window_bounds = array<i64: 1, 515>}, {pipeline_mode = #tpu.pipeline_mode<synchronous>, transform_indices = @transform_6, window_bounds = array<i64: 1, 515>}, {transform_indices = @transform_7, window_bounds = array<i64: 2048, 256>}, {transform_indices = @transform_8, window_bounds = array<i64: 1, 1, 256>}]} {
    %get3A = arith.constant 0 : index
    %get3A_0 = arith.constant 0 : index
    %get3A_1 = vector.load %arg1[%get3A, %get3A_0] : memref<2048x515xf32, #tpu.memory_space<vmem>>, vector<2048x515xf32>
    %get3A_2 = arith.constant 0 : index
    %get3A_3 = arith.constant 0 : index
    %get3A_4 = vector.load %arg2[%get3A_2, %get3A_3] : memref<515x256xf32, #tpu.memory_space<vmem>>, vector<515x256xf32>
    %dot_general3A = arith.constant dense<0.000000e+00> : vector<2048x256xf32>
    %dot_general3A_5 = tpu.matmul %get3A_1, %get3A_4, %dot_general3A {dimension_numbers = #tpu.dot_dimension_numbers<[1], [0], [0], [1], [0, 0, 1, 1], [], []>, transpose_lhs_hint = false} : vector<2048x515xf32>, vector<515x256xf32>, vector<2048x256xf32> -> vector<2048x256xf32>
    %get3A_6 = arith.constant 0 : index
    %get3A_7 = arith.constant 0 : index
    %get3A_8 = vector.load %arg3[%get3A_6, %get3A_7] : memref<1x256xf32, #tpu.memory_space<vmem>>, vector<1x256xf32>
    %get3A_9 = vector.shape_cast %get3A_8 : vector<1x256xf32> to vector<256xf32>
    %broadcast_in_dim3A = vector.shape_cast %get3A_9 : vector<256xf32> to vector<1x256xf32>
    %add3A = vector.broadcast %broadcast_in_dim3A : vector<1x256xf32> to vector<2048x256xf32>
    %add3A_10 = arith.addf %dot_general3A_5, %add3A : vector<2048x256xf32>
    %reduce_sum3A = arith.constant dense<0.000000e+00> : vector<256xf32>
    %reduce_sum3A_11 = vector.multi_reduction <add>, %add3A_10, %reduce_sum3A [0] : vector<2048x256xf32> to vector<256xf32>
    %swap3A = arith.constant 0 : index
    %swap3A_12 = arith.constant 0 : index
    %swap3A_13 = arith.constant 0 : index
    %swap3A_14 = vector.load %arg9[%swap3A, %swap3A_12, %swap3A_13] : memref<1x1x256xf32, #tpu.memory_space<vmem>>, vector<1x1x256xf32>
    %swap3A_15 = vector.shape_cast %swap3A_14 : vector<1x1x256xf32> to vector<256xf32>
    %swap3A_16 = vector.shape_cast %reduce_sum3A_11 : vector<256xf32> to vector<1x1x256xf32>
    tpu.vector_store %arg9[%swap3A, %swap3A_12, %swap3A_13], %swap3A_16 {strides = array<i32>} : memref<1x1x256xf32, #tpu.memory_space<vmem>>, vector<1x1x256xf32>,
    %swap3A_17 = arith.constant 0 : index
    %swap3A_18 = arith.constant 0 : index
    %swap3A_19 = vector.load %arg8[%swap3A_17, %swap3A_18] : memref<2048x256xf32, #tpu.memory_space<vmem>>, vector<2048x256xf32>
    tpu.vector_store %arg8[%swap3A_17, %swap3A_18], %add3A_10 {strides = array<i32>} : memref<2048x256xf32, #tpu.memory_space<vmem>>, vector<2048x256xf32>,
    return
  }
  func.func @transform_0(%arg0: i32) -> (i32, i32) {
    %c0_i32 = arith.constant 0 : i32
    %c0_i32_0 = arith.constant 0 : i32
    return %arg0, %c0_i32 : i32, i32
  }
  func.func @transform_1(%arg0: i32) -> (i32, i32) {
    %c0_i32 = arith.constant 0 : i32
    %c0_i32_0 = arith.constant 0 : i32
    %c0_i32_1 = arith.constant 0 : i32
    return %c0_i32, %c0_i32_0 : i32, i32
  }
  func.func @transform_2(%arg0: i32) -> (i32, i32) {
    %c0_i32 = arith.constant 0 : i32
    %c0_i32_0 = arith.constant 0 : i32
    %c0_i32_1 = arith.constant 0 : i32
    return %c0_i32, %c0_i32_0 : i32, i32
  }
  func.func @transform_3(%arg0: i32) -> (i32, i32) {
    %c0_i32 = arith.constant 0 : i32
    %c0_i32_0 = arith.constant 0 : i32
    %c0_i32_1 = arith.constant 0 : i32
    return %c0_i32, %c0_i32_0 : i32, i32
  }
  func.func @transform_4(%arg0: i32) -> (i32, i32) {
    %c0_i32 = arith.constant 0 : i32
    %c0_i32_0 = arith.constant 0 : i32
    %c0_i32_1 = arith.constant 0 : i32
    return %c0_i32, %c0_i32_0 : i32, i32
  }
  func.func @transform_5(%arg0: i32) -> (i32, i32) {
    %c0_i32 = arith.constant 0 : i32
    %c0_i32_0 = arith.constant 0 : i32
    %c0_i32_1 = arith.constant 0 : i32
    return %c0_i32, %c0_i32_0 : i32, i32
  }
  func.func @transform_6(%arg0: i32) -> (i32, i32) {
    %c0_i32 = arith.constant 0 : i32
    %c0_i32_0 = arith.constant 0 : i32
    %c0_i32_1 = arith.constant 0 : i32
    return %c0_i32, %c0_i32_0 : i32, i32
  }
  func.func @transform_7(%arg0: i32) -> (i32, i32) {
    %c0_i32 = arith.constant 0 : i32
    %c0_i32_0 = arith.constant 0 : i32
    return %arg0, %c0_i32 : i32, i32
  }
  func.func @transform_8(%arg0: i32) -> (i32, i32, i32) {
    %c0_i32 = arith.constant 0 : i32
    %c0_i32_0 = arith.constant 0 : i32
    %c0_i32_1 = arith.constant 0 : i32
    return %arg0, %c0_i32, %c0_i32_0 : i32, i32, i32
  }
}

module attributes {stable_mosaic.version = 14 : i64} {
  func.func @_conv_body(%arg0: i32, %arg1: memref<2048x256xf32, #tpu.memory_space<vmem>>, %arg2: memref<256x256xf32, #tpu.memory_space<vmem>>, %arg3: memref<1x256xf32, #tpu.memory_space<vmem>>, %arg4: memref<1x256xf32, #tpu.memory_space<vmem>>, %arg5: memref<1x256xf32, #tpu.memory_space<vmem>>, %arg6: memref<1x256xf32, #tpu.memory_space<vmem>>, %arg7: memref<1x256xf32, #tpu.memory_space<vmem>>, %arg8: memref<2048x256xf32, #tpu.memory_space<vmem>>, %arg9: memref<1x1x256xf32, #tpu.memory_space<vmem>>) attributes {dimension_semantics = [#tpu.dimension_semantics<arbitrary>], iteration_bounds = array<i64: 2>, scalar_prefetch = 0 : i64, scratch_operands = 0 : i64, tpu.core_type = #tpu.core_type<tc>, window_params = [{transform_indices = @transform_0, window_bounds = array<i64: 2048, 256>}, {pipeline_mode = #tpu.pipeline_mode<synchronous>, transform_indices = @transform_1, window_bounds = array<i64: 256, 256>}, {pipeline_mode = #tpu.pipeline_mode<synchronous>, transform_indices = @transform_2, window_bounds = array<i64: 1, 256>}, {pipeline_mode = #tpu.pipeline_mode<synchronous>, transform_indices = @transform_3, window_bounds = array<i64: 1, 256>}, {pipeline_mode = #tpu.pipeline_mode<synchronous>, transform_indices = @transform_4, window_bounds = array<i64: 1, 256>}, {pipeline_mode = #tpu.pipeline_mode<synchronous>, transform_indices = @transform_5, window_bounds = array<i64: 1, 256>}, {pipeline_mode = #tpu.pipeline_mode<synchronous>, transform_indices = @transform_6, window_bounds = array<i64: 1, 256>}, {transform_indices = @transform_7, window_bounds = array<i64: 2048, 256>}, {transform_indices = @transform_8, window_bounds = array<i64: 1, 1, 256>}]} {
    %get3A = arith.constant 0 : index
    %get3A_0 = arith.constant 0 : index
    %get3A_1 = vector.load %arg1[%get3A, %get3A_0] : memref<2048x256xf32, #tpu.memory_space<vmem>>, vector<2048x256xf32>
    %get3A_2 = arith.constant 0 : index
    %get3A_3 = arith.constant 0 : index
    %get3A_4 = vector.load %arg6[%get3A_2, %get3A_3] : memref<1x256xf32, #tpu.memory_space<vmem>>, vector<1x256xf32>
    %get3A_5 = vector.shape_cast %get3A_4 : vector<1x256xf32> to vector<256xf32>
    %get3A_6 = arith.constant 0 : index
    %get3A_7 = arith.constant 0 : index
    %get3A_8 = vector.load %arg4[%get3A_6, %get3A_7] : memref<1x256xf32, #tpu.memory_space<vmem>>, vector<1x256xf32>
    %get3A_9 = vector.shape_cast %get3A_8 : vector<1x256xf32> to vector<256xf32>
    %broadcast_in_dim3A = vector.shape_cast %get3A_9 : vector<256xf32> to vector<1x256xf32>
    %sub3A = vector.broadcast %broadcast_in_dim3A : vector<1x256xf32> to vector<2048x256xf32>
    %sub3A_10 = arith.subf %get3A_1, %sub3A : vector<2048x256xf32>
    %get3A_11 = arith.constant 0 : index
    %get3A_12 = arith.constant 0 : index
    %get3A_13 = vector.load %arg5[%get3A_11, %get3A_12] : memref<1x256xf32, #tpu.memory_space<vmem>>, vector<1x256xf32>
    %get3A_14 = vector.shape_cast %get3A_13 : vector<1x256xf32> to vector<256xf32>
    %broadcast_in_dim3A_15 = vector.shape_cast %get3A_14 : vector<256xf32> to vector<1x256xf32>
    %div3A = vector.broadcast %broadcast_in_dim3A_15 : vector<1x256xf32> to vector<2048x256xf32>
    %div3A_16 = arith.divf %sub3A_10, %div3A : vector<2048x256xf32>
    %broadcast_in_dim3A_17 = vector.shape_cast %get3A_5 : vector<256xf32> to vector<1x256xf32>
    %mul3A = vector.broadcast %broadcast_in_dim3A_17 : vector<1x256xf32> to vector<2048x256xf32>
    %mul3A_18 = arith.mulf %mul3A, %div3A_16 : vector<2048x256xf32>
    %get3A_19 = arith.constant 0 : index
    %get3A_20 = arith.constant 0 : index
    %get3A_21 = vector.load %arg7[%get3A_19, %get3A_20] : memref<1x256xf32, #tpu.memory_space<vmem>>, vector<1x256xf32>
    %get3A_22 = vector.shape_cast %get3A_21 : vector<1x256xf32> to vector<256xf32>
    %broadcast_in_dim3A_23 = vector.shape_cast %get3A_22 : vector<256xf32> to vector<1x256xf32>
    %add3A = vector.broadcast %broadcast_in_dim3A_23 : vector<1x256xf32> to vector<2048x256xf32>
    %add3A_24 = arith.addf %mul3A_18, %add3A : vector<2048x256xf32>
    %max3A = arith.constant 0.000000e+00 : f32
    %max3A_25 = vector.broadcast %max3A : f32 to vector<2048x256xf32>
    %max3A_26 = arith.maximumf %add3A_24, %max3A_25 : vector<2048x256xf32>
    %get3A_27 = arith.constant 0 : index
    %get3A_28 = arith.constant 0 : index
    %get3A_29 = vector.load %arg2[%get3A_27, %get3A_28] : memref<256x256xf32, #tpu.memory_space<vmem>>, vector<256x256xf32>
    %dot_general3A = arith.constant dense<0.000000e+00> : vector<2048x256xf32>
    %dot_general3A_30 = tpu.matmul %max3A_26, %get3A_29, %dot_general3A {dimension_numbers = #tpu.dot_dimension_numbers<[1], [0], [0], [1], [0, 0, 1, 1], [], []>, transpose_lhs_hint = false} : vector<2048x256xf32>, vector<256x256xf32>, vector<2048x256xf32> -> vector<2048x256xf32>
    %get3A_31 = arith.constant 0 : index
    %get3A_32 = arith.constant 0 : index
    %get3A_33 = vector.load %arg3[%get3A_31, %get3A_32] : memref<1x256xf32, #tpu.memory_space<vmem>>, vector<1x256xf32>
    %get3A_34 = vector.shape_cast %get3A_33 : vector<1x256xf32> to vector<256xf32>
    %broadcast_in_dim3A_35 = vector.shape_cast %get3A_34 : vector<256xf32> to vector<1x256xf32>
    %add3A_36 = vector.broadcast %broadcast_in_dim3A_35 : vector<1x256xf32> to vector<2048x256xf32>
    %add3A_37 = arith.addf %dot_general3A_30, %add3A_36 : vector<2048x256xf32>
    %reduce_sum3A = arith.constant dense<0.000000e+00> : vector<256xf32>
    %reduce_sum3A_38 = vector.multi_reduction <add>, %add3A_37, %reduce_sum3A [0] : vector<2048x256xf32> to vector<256xf32>
    %swap3A = arith.constant 0 : index
    %swap3A_39 = arith.constant 0 : index
    %swap3A_40 = arith.constant 0 : index
    %swap3A_41 = vector.load %arg9[%swap3A, %swap3A_39, %swap3A_40] : memref<1x1x256xf32, #tpu.memory_space<vmem>>, vector<1x1x256xf32>
    %swap3A_42 = vector.shape_cast %swap3A_41 : vector<1x1x256xf32> to vector<256xf32>
    %swap3A_43 = vector.shape_cast %reduce_sum3A_38 : vector<256xf32> to vector<1x1x256xf32>
    tpu.vector_store %arg9[%swap3A, %swap3A_39, %swap3A_40], %swap3A_43 {strides = array<i32>} : memref<1x1x256xf32, #tpu.memory_space<vmem>>, vector<1x1x256xf32>,
    %swap3A_44 = arith.constant 0 : index
    %swap3A_45 = arith.constant 0 : index
    %swap3A_46 = vector.load %arg8[%swap3A_44, %swap3A_45] : memref<2048x256xf32, #tpu.memory_space<vmem>>, vector<2048x256xf32>
    tpu.vector_store %arg8[%swap3A_44, %swap3A_45], %add3A_37 {strides = array<i32>} : memref<2048x256xf32, #tpu.memory_space<vmem>>, vector<2048x256xf32>,
    return
  }
  func.func @transform_0(%arg0: i32) -> (i32, i32) {
    %c0_i32 = arith.constant 0 : i32
    %c0_i32_0 = arith.constant 0 : i32
    return %arg0, %c0_i32 : i32, i32
  }
  func.func @transform_1(%arg0: i32) -> (i32, i32) {
    %c0_i32 = arith.constant 0 : i32
    %c0_i32_0 = arith.constant 0 : i32
    %c0_i32_1 = arith.constant 0 : i32
    return %c0_i32, %c0_i32_0 : i32, i32
  }
  func.func @transform_2(%arg0: i32) -> (i32, i32) {
    %c0_i32 = arith.constant 0 : i32
    %c0_i32_0 = arith.constant 0 : i32
    %c0_i32_1 = arith.constant 0 : i32
    return %c0_i32, %c0_i32_0 : i32, i32
  }
  func.func @transform_3(%arg0: i32) -> (i32, i32) {
    %c0_i32 = arith.constant 0 : i32
    %c0_i32_0 = arith.constant 0 : i32
    %c0_i32_1 = arith.constant 0 : i32
    return %c0_i32, %c0_i32_0 : i32, i32
  }
  func.func @transform_4(%arg0: i32) -> (i32, i32) {
    %c0_i32 = arith.constant 0 : i32
    %c0_i32_0 = arith.constant 0 : i32
    %c0_i32_1 = arith.constant 0 : i32
    return %c0_i32, %c0_i32_0 : i32, i32
  }
  func.func @transform_5(%arg0: i32) -> (i32, i32) {
    %c0_i32 = arith.constant 0 : i32
    %c0_i32_0 = arith.constant 0 : i32
    %c0_i32_1 = arith.constant 0 : i32
    return %c0_i32, %c0_i32_0 : i32, i32
  }
  func.func @transform_6(%arg0: i32) -> (i32, i32) {
    %c0_i32 = arith.constant 0 : i32
    %c0_i32_0 = arith.constant 0 : i32
    %c0_i32_1 = arith.constant 0 : i32
    return %c0_i32, %c0_i32_0 : i32, i32
  }
  func.func @transform_7(%arg0: i32) -> (i32, i32) {
    %c0_i32 = arith.constant 0 : i32
    %c0_i32_0 = arith.constant 0 : i32
    return %arg0, %c0_i32 : i32, i32
  }
  func.func @transform_8(%arg0: i32) -> (i32, i32, i32) {
    %c0_i32 = arith.constant 0 : i32
    %c0_i32_0 = arith.constant 0 : i32
    %c0_i32_1 = arith.constant 0 : i32
    return %arg0, %c0_i32, %c0_i32_0 : i32, i32, i32
  }
}

module attributes {stable_mosaic.version = 14 : i64} {
  func.func @_conv_body(%arg0: i32, %arg1: memref<2048x515xf32, #tpu.memory_space<vmem>>, %arg2: memref<515x256xf32, #tpu.memory_space<vmem>>, %arg3: memref<1x256xf32, #tpu.memory_space<vmem>>, %arg4: memref<1x515xf32, #tpu.memory_space<vmem>>, %arg5: memref<1x515xf32, #tpu.memory_space<vmem>>, %arg6: memref<1x515xf32, #tpu.memory_space<vmem>>, %arg7: memref<1x515xf32, #tpu.memory_space<vmem>>, %arg8: memref<2048x256xf32, #tpu.memory_space<vmem>>, %arg9: memref<1x1x256xf32, #tpu.memory_space<vmem>>) attributes {dimension_semantics = [#tpu.dimension_semantics<arbitrary>], iteration_bounds = array<i64: 4>, scalar_prefetch = 0 : i64, scratch_operands = 0 : i64, tpu.core_type = #tpu.core_type<tc>, window_params = [{transform_indices = @transform_0, window_bounds = array<i64: 2048, 515>}, {pipeline_mode = #tpu.pipeline_mode<synchronous>, transform_indices = @transform_1, window_bounds = array<i64: 515, 256>}, {pipeline_mode = #tpu.pipeline_mode<synchronous>, transform_indices = @transform_2, window_bounds = array<i64: 1, 256>}, {pipeline_mode = #tpu.pipeline_mode<synchronous>, transform_indices = @transform_3, window_bounds = array<i64: 1, 515>}, {pipeline_mode = #tpu.pipeline_mode<synchronous>, transform_indices = @transform_4, window_bounds = array<i64: 1, 515>}, {pipeline_mode = #tpu.pipeline_mode<synchronous>, transform_indices = @transform_5, window_bounds = array<i64: 1, 515>}, {pipeline_mode = #tpu.pipeline_mode<synchronous>, transform_indices = @transform_6, window_bounds = array<i64: 1, 515>}, {transform_indices = @transform_7, window_bounds = array<i64: 2048, 256>}, {transform_indices = @transform_8, window_bounds = array<i64: 1, 1, 256>}]} {
    %get3A = arith.constant 0 : index
    %get3A_0 = arith.constant 0 : index
    %get3A_1 = vector.load %arg1[%get3A, %get3A_0] : memref<2048x515xf32, #tpu.memory_space<vmem>>, vector<2048x515xf32>
    %get3A_2 = arith.constant 0 : index
    %get3A_3 = arith.constant 0 : index
    %get3A_4 = vector.load %arg2[%get3A_2, %get3A_3] : memref<515x256xf32, #tpu.memory_space<vmem>>, vector<515x256xf32>
    %dot_general3A = arith.constant dense<0.000000e+00> : vector<2048x256xf32>
    %dot_general3A_5 = tpu.matmul %get3A_1, %get3A_4, %dot_general3A {dimension_numbers = #tpu.dot_dimension_numbers<[1], [0], [0], [1], [0, 0, 1, 1], [], []>, transpose_lhs_hint = false} : vector<2048x515xf32>, vector<515x256xf32>, vector<2048x256xf32> -> vector<2048x256xf32>
    %get3A_6 = arith.constant 0 : index
    %get3A_7 = arith.constant 0 : index
    %get3A_8 = vector.load %arg3[%get3A_6, %get3A_7] : memref<1x256xf32, #tpu.memory_space<vmem>>, vector<1x256xf32>
    %get3A_9 = vector.shape_cast %get3A_8 : vector<1x256xf32> to vector<256xf32>
    %broadcast_in_dim3A = vector.shape_cast %get3A_9 : vector<256xf32> to vector<1x256xf32>
    %add3A = vector.broadcast %broadcast_in_dim3A : vector<1x256xf32> to vector<2048x256xf32>
    %add3A_10 = arith.addf %dot_general3A_5, %add3A : vector<2048x256xf32>
    %reduce_sum3A = arith.constant dense<0.000000e+00> : vector<256xf32>
    %reduce_sum3A_11 = vector.multi_reduction <add>, %add3A_10, %reduce_sum3A [0] : vector<2048x256xf32> to vector<256xf32>
    %swap3A = arith.constant 0 : index
    %swap3A_12 = arith.constant 0 : index
    %swap3A_13 = arith.constant 0 : index
    %swap3A_14 = vector.load %arg9[%swap3A, %swap3A_12, %swap3A_13] : memref<1x1x256xf32, #tpu.memory_space<vmem>>, vector<1x1x256xf32>
    %swap3A_15 = vector.shape_cast %swap3A_14 : vector<1x1x256xf32> to vector<256xf32>
    %swap3A_16 = vector.shape_cast %reduce_sum3A_11 : vector<256xf32> to vector<1x1x256xf32>
    tpu.vector_store %arg9[%swap3A, %swap3A_12, %swap3A_13], %swap3A_16 {strides = array<i32>} : memref<1x1x256xf32, #tpu.memory_space<vmem>>, vector<1x1x256xf32>,
    %swap3A_17 = arith.constant 0 : index
    %swap3A_18 = arith.constant 0 : index
    %swap3A_19 = vector.load %arg8[%swap3A_17, %swap3A_18] : memref<2048x256xf32, #tpu.memory_space<vmem>>, vector<2048x256xf32>
    tpu.vector_store %arg8[%swap3A_17, %swap3A_18], %add3A_10 {strides = array<i32>} : memref<2048x256xf32, #tpu.memory_space<vmem>>, vector<2048x256xf32>,
    return
  }
  func.func @transform_0(%arg0: i32) -> (i32, i32) {
    %c0_i32 = arith.constant 0 : i32
    %c0_i32_0 = arith.constant 0 : i32
    return %arg0, %c0_i32 : i32, i32
  }
  func.func @transform_1(%arg0: i32) -> (i32, i32) {
    %c0_i32 = arith.constant 0 : i32
    %c0_i32_0 = arith.constant 0 : i32
    %c0_i32_1 = arith.constant 0 : i32
    return %c0_i32, %c0_i32_0 : i32, i32
  }
  func.func @transform_2(%arg0: i32) -> (i32, i32) {
    %c0_i32 = arith.constant 0 : i32
    %c0_i32_0 = arith.constant 0 : i32
    %c0_i32_1 = arith.constant 0 : i32
    return %c0_i32, %c0_i32_0 : i32, i32
  }
  func.func @transform_3(%arg0: i32) -> (i32, i32) {
    %c0_i32 = arith.constant 0 : i32
    %c0_i32_0 = arith.constant 0 : i32
    %c0_i32_1 = arith.constant 0 : i32
    return %c0_i32, %c0_i32_0 : i32, i32
  }
  func.func @transform_4(%arg0: i32) -> (i32, i32) {
    %c0_i32 = arith.constant 0 : i32
    %c0_i32_0 = arith.constant 0 : i32
    %c0_i32_1 = arith.constant 0 : i32
    return %c0_i32, %c0_i32_0 : i32, i32
  }
  func.func @transform_5(%arg0: i32) -> (i32, i32) {
    %c0_i32 = arith.constant 0 : i32
    %c0_i32_0 = arith.constant 0 : i32
    %c0_i32_1 = arith.constant 0 : i32
    return %c0_i32, %c0_i32_0 : i32, i32
  }
  func.func @transform_6(%arg0: i32) -> (i32, i32) {
    %c0_i32 = arith.constant 0 : i32
    %c0_i32_0 = arith.constant 0 : i32
    %c0_i32_1 = arith.constant 0 : i32
    return %c0_i32, %c0_i32_0 : i32, i32
  }
  func.func @transform_7(%arg0: i32) -> (i32, i32) {
    %c0_i32 = arith.constant 0 : i32
    %c0_i32_0 = arith.constant 0 : i32
    return %arg0, %c0_i32 : i32, i32
  }
  func.func @transform_8(%arg0: i32) -> (i32, i32, i32) {
    %c0_i32 = arith.constant 0 : i32
    %c0_i32_0 = arith.constant 0 : i32
    %c0_i32_1 = arith.constant 0 : i32
    return %arg0, %c0_i32, %c0_i32_0 : i32, i32, i32
  }
}

module attributes {stable_mosaic.version = 14 : i64} {
  func.func @_conv_body(%arg0: i32, %arg1: memref<2048x256xf32, #tpu.memory_space<vmem>>, %arg2: memref<256x256xf32, #tpu.memory_space<vmem>>, %arg3: memref<1x256xf32, #tpu.memory_space<vmem>>, %arg4: memref<1x256xf32, #tpu.memory_space<vmem>>, %arg5: memref<1x256xf32, #tpu.memory_space<vmem>>, %arg6: memref<1x256xf32, #tpu.memory_space<vmem>>, %arg7: memref<1x256xf32, #tpu.memory_space<vmem>>, %arg8: memref<2048x256xf32, #tpu.memory_space<vmem>>, %arg9: memref<1x1x256xf32, #tpu.memory_space<vmem>>) attributes {dimension_semantics = [#tpu.dimension_semantics<arbitrary>], iteration_bounds = array<i64: 4>, scalar_prefetch = 0 : i64, scratch_operands = 0 : i64, tpu.core_type = #tpu.core_type<tc>, window_params = [{transform_indices = @transform_0, window_bounds = array<i64: 2048, 256>}, {pipeline_mode = #tpu.pipeline_mode<synchronous>, transform_indices = @transform_1, window_bounds = array<i64: 256, 256>}, {pipeline_mode = #tpu.pipeline_mode<synchronous>, transform_indices = @transform_2, window_bounds = array<i64: 1, 256>}, {pipeline_mode = #tpu.pipeline_mode<synchronous>, transform_indices = @transform_3, window_bounds = array<i64: 1, 256>}, {pipeline_mode = #tpu.pipeline_mode<synchronous>, transform_indices = @transform_4, window_bounds = array<i64: 1, 256>}, {pipeline_mode = #tpu.pipeline_mode<synchronous>, transform_indices = @transform_5, window_bounds = array<i64: 1, 256>}, {pipeline_mode = #tpu.pipeline_mode<synchronous>, transform_indices = @transform_6, window_bounds = array<i64: 1, 256>}, {transform_indices = @transform_7, window_bounds = array<i64: 2048, 256>}, {transform_indices = @transform_8, window_bounds = array<i64: 1, 1, 256>}]} {
    %get3A = arith.constant 0 : index
    %get3A_0 = arith.constant 0 : index
    %get3A_1 = vector.load %arg1[%get3A, %get3A_0] : memref<2048x256xf32, #tpu.memory_space<vmem>>, vector<2048x256xf32>
    %get3A_2 = arith.constant 0 : index
    %get3A_3 = arith.constant 0 : index
    %get3A_4 = vector.load %arg6[%get3A_2, %get3A_3] : memref<1x256xf32, #tpu.memory_space<vmem>>, vector<1x256xf32>
    %get3A_5 = vector.shape_cast %get3A_4 : vector<1x256xf32> to vector<256xf32>
    %get3A_6 = arith.constant 0 : index
    %get3A_7 = arith.constant 0 : index
    %get3A_8 = vector.load %arg4[%get3A_6, %get3A_7] : memref<1x256xf32, #tpu.memory_space<vmem>>, vector<1x256xf32>
    %get3A_9 = vector.shape_cast %get3A_8 : vector<1x256xf32> to vector<256xf32>
    %broadcast_in_dim3A = vector.shape_cast %get3A_9 : vector<256xf32> to vector<1x256xf32>
    %sub3A = vector.broadcast %broadcast_in_dim3A : vector<1x256xf32> to vector<2048x256xf32>
    %sub3A_10 = arith.subf %get3A_1, %sub3A : vector<2048x256xf32>
    %get3A_11 = arith.constant 0 : index
    %get3A_12 = arith.constant 0 : index
    %get3A_13 = vector.load %arg5[%get3A_11, %get3A_12] : memref<1x256xf32, #tpu.memory_space<vmem>>, vector<1x256xf32>
    %get3A_14 = vector.shape_cast %get3A_13 : vector<1x256xf32> to vector<256xf32>
    %broadcast_in_dim3A_15 = vector.shape_cast %get3A_14 : vector<256xf32> to vector<1x256xf32>
    %div3A = vector.broadcast %broadcast_in_dim3A_15 : vector<1x256xf32> to vector<2048x256xf32>
    %div3A_16 = arith.divf %sub3A_10, %div3A : vector<2048x256xf32>
    %broadcast_in_dim3A_17 = vector.shape_cast %get3A_5 : vector<256xf32> to vector<1x256xf32>
    %mul3A = vector.broadcast %broadcast_in_dim3A_17 : vector<1x256xf32> to vector<2048x256xf32>
    %mul3A_18 = arith.mulf %mul3A, %div3A_16 : vector<2048x256xf32>
    %get3A_19 = arith.constant 0 : index
    %get3A_20 = arith.constant 0 : index
    %get3A_21 = vector.load %arg7[%get3A_19, %get3A_20] : memref<1x256xf32, #tpu.memory_space<vmem>>, vector<1x256xf32>
    %get3A_22 = vector.shape_cast %get3A_21 : vector<1x256xf32> to vector<256xf32>
    %broadcast_in_dim3A_23 = vector.shape_cast %get3A_22 : vector<256xf32> to vector<1x256xf32>
    %add3A = vector.broadcast %broadcast_in_dim3A_23 : vector<1x256xf32> to vector<2048x256xf32>
    %add3A_24 = arith.addf %mul3A_18, %add3A : vector<2048x256xf32>
    %max3A = arith.constant 0.000000e+00 : f32
    %max3A_25 = vector.broadcast %max3A : f32 to vector<2048x256xf32>
    %max3A_26 = arith.maximumf %add3A_24, %max3A_25 : vector<2048x256xf32>
    %get3A_27 = arith.constant 0 : index
    %get3A_28 = arith.constant 0 : index
    %get3A_29 = vector.load %arg2[%get3A_27, %get3A_28] : memref<256x256xf32, #tpu.memory_space<vmem>>, vector<256x256xf32>
    %dot_general3A = arith.constant dense<0.000000e+00> : vector<2048x256xf32>
    %dot_general3A_30 = tpu.matmul %max3A_26, %get3A_29, %dot_general3A {dimension_numbers = #tpu.dot_dimension_numbers<[1], [0], [0], [1], [0, 0, 1, 1], [], []>, transpose_lhs_hint = false} : vector<2048x256xf32>, vector<256x256xf32>, vector<2048x256xf32> -> vector<2048x256xf32>
    %get3A_31 = arith.constant 0 : index
    %get3A_32 = arith.constant 0 : index
    %get3A_33 = vector.load %arg3[%get3A_31, %get3A_32] : memref<1x256xf32, #tpu.memory_space<vmem>>, vector<1x256xf32>
    %get3A_34 = vector.shape_cast %get3A_33 : vector<1x256xf32> to vector<256xf32>
    %broadcast_in_dim3A_35 = vector.shape_cast %get3A_34 : vector<256xf32> to vector<1x256xf32>
    %add3A_36 = vector.broadcast %broadcast_in_dim3A_35 : vector<1x256xf32> to vector<2048x256xf32>
    %add3A_37 = arith.addf %dot_general3A_30, %add3A_36 : vector<2048x256xf32>
    %reduce_sum3A = arith.constant dense<0.000000e+00> : vector<256xf32>
    %reduce_sum3A_38 = vector.multi_reduction <add>, %add3A_37, %reduce_sum3A [0] : vector<2048x256xf32> to vector<256xf32>
    %swap3A = arith.constant 0 : index
    %swap3A_39 = arith.constant 0 : index
    %swap3A_40 = arith.constant 0 : index
    %swap3A_41 = vector.load %arg9[%swap3A, %swap3A_39, %swap3A_40] : memref<1x1x256xf32, #tpu.memory_space<vmem>>, vector<1x1x256xf32>
    %swap3A_42 = vector.shape_cast %swap3A_41 : vector<1x1x256xf32> to vector<256xf32>
    %swap3A_43 = vector.shape_cast %reduce_sum3A_38 : vector<256xf32> to vector<1x1x256xf32>
    tpu.vector_store %arg9[%swap3A, %swap3A_39, %swap3A_40], %swap3A_43 {strides = array<i32>} : memref<1x1x256xf32, #tpu.memory_space<vmem>>, vector<1x1x256xf32>,
    %swap3A_44 = arith.constant 0 : index
    %swap3A_45 = arith.constant 0 : index
    %swap3A_46 = vector.load %arg8[%swap3A_44, %swap3A_45] : memref<2048x256xf32, #tpu.memory_space<vmem>>, vector<2048x256xf32>
    tpu.vector_store %arg8[%swap3A_44, %swap3A_45], %add3A_37 {strides = array<i32>} : memref<2048x256xf32, #tpu.memory_space<vmem>>, vector<2048x256xf32>,
    return
  }
  func.func @transform_0(%arg0: i32) -> (i32, i32) {
    %c0_i32 = arith.constant 0 : i32
    %c0_i32_0 = arith.constant 0 : i32
    return %arg0, %c0_i32 : i32, i32
  }
  func.func @transform_1(%arg0: i32) -> (i32, i32) {
    %c0_i32 = arith.constant 0 : i32
    %c0_i32_0 = arith.constant 0 : i32
    %c0_i32_1 = arith.constant 0 : i32
    return %c0_i32, %c0_i32_0 : i32, i32
  }
  func.func @transform_2(%arg0: i32) -> (i32, i32) {
    %c0_i32 = arith.constant 0 : i32
    %c0_i32_0 = arith.constant 0 : i32
    %c0_i32_1 = arith.constant 0 : i32
    return %c0_i32, %c0_i32_0 : i32, i32
  }
  func.func @transform_3(%arg0: i32) -> (i32, i32) {
    %c0_i32 = arith.constant 0 : i32
    %c0_i32_0 = arith.constant 0 : i32
    %c0_i32_1 = arith.constant 0 : i32
    return %c0_i32, %c0_i32_0 : i32, i32
  }
  func.func @transform_4(%arg0: i32) -> (i32, i32) {
    %c0_i32 = arith.constant 0 : i32
    %c0_i32_0 = arith.constant 0 : i32
    %c0_i32_1 = arith.constant 0 : i32
    return %c0_i32, %c0_i32_0 : i32, i32
  }
  func.func @transform_5(%arg0: i32) -> (i32, i32) {
    %c0_i32 = arith.constant 0 : i32
    %c0_i32_0 = arith.constant 0 : i32
    %c0_i32_1 = arith.constant 0 : i32
    return %c0_i32, %c0_i32_0 : i32, i32
  }
  func.func @transform_6(%arg0: i32) -> (i32, i32) {
    %c0_i32 = arith.constant 0 : i32
    %c0_i32_0 = arith.constant 0 : i32
    %c0_i32_1 = arith.constant 0 : i32
    return %c0_i32, %c0_i32_0 : i32, i32
  }
  func.func @transform_7(%arg0: i32) -> (i32, i32) {
    %c0_i32 = arith.constant 0 : i32
    %c0_i32_0 = arith.constant 0 : i32
    return %arg0, %c0_i32 : i32, i32
  }
  func.func @transform_8(%arg0: i32) -> (i32, i32, i32) {
    %c0_i32 = arith.constant 0 : i32
    %c0_i32_0 = arith.constant 0 : i32
    %c0_i32_1 = arith.constant 0 : i32
    return %arg0, %c0_i32, %c0_i32_0 : i32, i32, i32
  }
}

module attributes {stable_mosaic.version = 14 : i64} {
  func.func @_norm_max_body(%arg0: i32, %arg1: memref<2048x256xf32, #tpu.memory_space<vmem>>, %arg2: memref<1x256xf32, #tpu.memory_space<vmem>>, %arg3: memref<1x256xf32, #tpu.memory_space<vmem>>, %arg4: memref<1x256xf32, #tpu.memory_space<vmem>>, %arg5: memref<1x256xf32, #tpu.memory_space<vmem>>, %arg6: memref<128x256xf32, #tpu.memory_space<vmem>>) attributes {dimension_semantics = [#tpu.dimension_semantics<arbitrary>], iteration_bounds = array<i64: 2>, scalar_prefetch = 0 : i64, scratch_operands = 0 : i64, tpu.core_type = #tpu.core_type<tc>, window_params = [{transform_indices = @transform_0, window_bounds = array<i64: 2048, 256>}, {pipeline_mode = #tpu.pipeline_mode<synchronous>, transform_indices = @transform_1, window_bounds = array<i64: 1, 256>}, {pipeline_mode = #tpu.pipeline_mode<synchronous>, transform_indices = @transform_2, window_bounds = array<i64: 1, 256>}, {pipeline_mode = #tpu.pipeline_mode<synchronous>, transform_indices = @transform_3, window_bounds = array<i64: 1, 256>}, {pipeline_mode = #tpu.pipeline_mode<synchronous>, transform_indices = @transform_4, window_bounds = array<i64: 1, 256>}, {transform_indices = @transform_5, window_bounds = array<i64: 128, 256>}]} {
    %get3A = arith.constant 0 : index
    %get3A_0 = arith.constant 0 : index
    %get3A_1 = vector.load %arg4[%get3A, %get3A_0] : memref<1x256xf32, #tpu.memory_space<vmem>>, vector<1x256xf32>
    %get3A_2 = vector.shape_cast %get3A_1 : vector<1x256xf32> to vector<256xf32>
    %get3A_3 = arith.constant 0 : index
    %get3A_4 = arith.constant 0 : index
    %get3A_5 = vector.load %arg1[%get3A_3, %get3A_4] : memref<2048x256xf32, #tpu.memory_space<vmem>>, vector<2048x256xf32>
    %get3A_6 = arith.constant 0 : index
    %get3A_7 = arith.constant 0 : index
    %get3A_8 = vector.load %arg2[%get3A_6, %get3A_7] : memref<1x256xf32, #tpu.memory_space<vmem>>, vector<1x256xf32>
    %get3A_9 = vector.shape_cast %get3A_8 : vector<1x256xf32> to vector<256xf32>
    %broadcast_in_dim3A = vector.shape_cast %get3A_9 : vector<256xf32> to vector<1x256xf32>
    %sub3A = vector.broadcast %broadcast_in_dim3A : vector<1x256xf32> to vector<2048x256xf32>
    %sub3A_10 = arith.subf %get3A_5, %sub3A : vector<2048x256xf32>
    %get3A_11 = arith.constant 0 : index
    %get3A_12 = arith.constant 0 : index
    %get3A_13 = vector.load %arg3[%get3A_11, %get3A_12] : memref<1x256xf32, #tpu.memory_space<vmem>>, vector<1x256xf32>
    %get3A_14 = vector.shape_cast %get3A_13 : vector<1x256xf32> to vector<256xf32>
    %broadcast_in_dim3A_15 = vector.shape_cast %get3A_14 : vector<256xf32> to vector<1x256xf32>
    %div3A = vector.broadcast %broadcast_in_dim3A_15 : vector<1x256xf32> to vector<2048x256xf32>
    %div3A_16 = arith.divf %sub3A_10, %div3A : vector<2048x256xf32>
    %broadcast_in_dim3A_17 = vector.shape_cast %get3A_2 : vector<256xf32> to vector<1x256xf32>
    %mul3A = vector.broadcast %broadcast_in_dim3A_17 : vector<1x256xf32> to vector<2048x256xf32>
    %mul3A_18 = arith.mulf %mul3A, %div3A_16 : vector<2048x256xf32>
    %get3A_19 = arith.constant 0 : index
    %get3A_20 = arith.constant 0 : index
    %get3A_21 = vector.load %arg5[%get3A_19, %get3A_20] : memref<1x256xf32, #tpu.memory_space<vmem>>, vector<1x256xf32>
    %get3A_22 = vector.shape_cast %get3A_21 : vector<1x256xf32> to vector<256xf32>
    %broadcast_in_dim3A_23 = vector.shape_cast %get3A_22 : vector<256xf32> to vector<1x256xf32>
    %add3A = vector.broadcast %broadcast_in_dim3A_23 : vector<1x256xf32> to vector<2048x256xf32>
    %add3A_24 = arith.addf %mul3A_18, %add3A : vector<2048x256xf32>
    %max3A = arith.constant 0.000000e+00 : f32
    %max3A_25 = vector.broadcast %max3A : f32 to vector<2048x256xf32>
    %max3A_26 = arith.maximumf %add3A_24, %max3A_25 : vector<2048x256xf32>
    %reshape3A = vector.shape_cast %max3A_26 : vector<2048x256xf32> to vector<128x16x256xf32>
    %reduce_max3A = arith.constant dense<0xFF800000> : vector<128x256xf32>
    %reduce_max3A_27 = vector.multi_reduction <maximumf>, %reshape3A, %reduce_max3A [1] : vector<128x16x256xf32> to vector<128x256xf32>
    %swap3A = arith.constant 0 : index
    %swap3A_28 = arith.constant 0 : index
    %swap3A_29 = vector.load %arg6[%swap3A, %swap3A_28] : memref<128x256xf32, #tpu.memory_space<vmem>>, vector<128x256xf32>
    tpu.vector_store %arg6[%swap3A, %swap3A_28], %reduce_max3A_27 {strides = array<i32>} : memref<128x256xf32, #tpu.memory_space<vmem>>, vector<128x256xf32>,
    return
  }
  func.func @transform_0(%arg0: i32) -> (i32, i32) {
    %c0_i32 = arith.constant 0 : i32
    %c0_i32_0 = arith.constant 0 : i32
    return %arg0, %c0_i32 : i32, i32
  }
  func.func @transform_1(%arg0: i32) -> (i32, i32) {
    %c0_i32 = arith.constant 0 : i32
    %c0_i32_0 = arith.constant 0 : i32
    %c0_i32_1 = arith.constant 0 : i32
    return %c0_i32, %c0_i32_0 : i32, i32
  }
  func.func @transform_2(%arg0: i32) -> (i32, i32) {
    %c0_i32 = arith.constant 0 : i32
    %c0_i32_0 = arith.constant 0 : i32
    %c0_i32_1 = arith.constant 0 : i32
    return %c0_i32, %c0_i32_0 : i32, i32
  }
  func.func @transform_3(%arg0: i32) -> (i32, i32) {
    %c0_i32 = arith.constant 0 : i32
    %c0_i32_0 = arith.constant 0 : i32
    %c0_i32_1 = arith.constant 0 : i32
    return %c0_i32, %c0_i32_0 : i32, i32
  }
  func.func @transform_4(%arg0: i32) -> (i32, i32) {
    %c0_i32 = arith.constant 0 : i32
    %c0_i32_0 = arith.constant 0 : i32
    %c0_i32_1 = arith.constant 0 : i32
    return %c0_i32, %c0_i32_0 : i32, i32
  }
  func.func @transform_5(%arg0: i32) -> (i32, i32) {
    %c0_i32 = arith.constant 0 : i32
    %c0_i32_0 = arith.constant 0 : i32
    return %arg0, %c0_i32 : i32, i32
  }
}

module attributes {stable_mosaic.version = 14 : i64} {
  func.func @_norm_max_body(%arg0: i32, %arg1: memref<2048x256xf32, #tpu.memory_space<vmem>>, %arg2: memref<1x256xf32, #tpu.memory_space<vmem>>, %arg3: memref<1x256xf32, #tpu.memory_space<vmem>>, %arg4: memref<1x256xf32, #tpu.memory_space<vmem>>, %arg5: memref<1x256xf32, #tpu.memory_space<vmem>>, %arg6: memref<64x256xf32, #tpu.memory_space<vmem>>) attributes {dimension_semantics = [#tpu.dimension_semantics<arbitrary>], iteration_bounds = array<i64: 4>, scalar_prefetch = 0 : i64, scratch_operands = 0 : i64, tpu.core_type = #tpu.core_type<tc>, window_params = [{transform_indices = @transform_0, window_bounds = array<i64: 2048, 256>}, {pipeline_mode = #tpu.pipeline_mode<synchronous>, transform_indices = @transform_1, window_bounds = array<i64: 1, 256>}, {pipeline_mode = #tpu.pipeline_mode<synchronous>, transform_indices = @transform_2, window_bounds = array<i64: 1, 256>}, {pipeline_mode = #tpu.pipeline_mode<synchronous>, transform_indices = @transform_3, window_bounds = array<i64: 1, 256>}, {pipeline_mode = #tpu.pipeline_mode<synchronous>, transform_indices = @transform_4, window_bounds = array<i64: 1, 256>}, {transform_indices = @transform_5, window_bounds = array<i64: 64, 256>}]} {
    %get3A = arith.constant 0 : index
    %get3A_0 = arith.constant 0 : index
    %get3A_1 = vector.load %arg4[%get3A, %get3A_0] : memref<1x256xf32, #tpu.memory_space<vmem>>, vector<1x256xf32>
    %get3A_2 = vector.shape_cast %get3A_1 : vector<1x256xf32> to vector<256xf32>
    %get3A_3 = arith.constant 0 : index
    %get3A_4 = arith.constant 0 : index
    %get3A_5 = vector.load %arg1[%get3A_3, %get3A_4] : memref<2048x256xf32, #tpu.memory_space<vmem>>, vector<2048x256xf32>
    %get3A_6 = arith.constant 0 : index
    %get3A_7 = arith.constant 0 : index
    %get3A_8 = vector.load %arg2[%get3A_6, %get3A_7] : memref<1x256xf32, #tpu.memory_space<vmem>>, vector<1x256xf32>
    %get3A_9 = vector.shape_cast %get3A_8 : vector<1x256xf32> to vector<256xf32>
    %broadcast_in_dim3A = vector.shape_cast %get3A_9 : vector<256xf32> to vector<1x256xf32>
    %sub3A = vector.broadcast %broadcast_in_dim3A : vector<1x256xf32> to vector<2048x256xf32>
    %sub3A_10 = arith.subf %get3A_5, %sub3A : vector<2048x256xf32>
    %get3A_11 = arith.constant 0 : index
    %get3A_12 = arith.constant 0 : index
    %get3A_13 = vector.load %arg3[%get3A_11, %get3A_12] : memref<1x256xf32, #tpu.memory_space<vmem>>, vector<1x256xf32>
    %get3A_14 = vector.shape_cast %get3A_13 : vector<1x256xf32> to vector<256xf32>
    %broadcast_in_dim3A_15 = vector.shape_cast %get3A_14 : vector<256xf32> to vector<1x256xf32>
    %div3A = vector.broadcast %broadcast_in_dim3A_15 : vector<1x256xf32> to vector<2048x256xf32>
    %div3A_16 = arith.divf %sub3A_10, %div3A : vector<2048x256xf32>
    %broadcast_in_dim3A_17 = vector.shape_cast %get3A_2 : vector<256xf32> to vector<1x256xf32>
    %mul3A = vector.broadcast %broadcast_in_dim3A_17 : vector<1x256xf32> to vector<2048x256xf32>
    %mul3A_18 = arith.mulf %mul3A, %div3A_16 : vector<2048x256xf32>
    %get3A_19 = arith.constant 0 : index
    %get3A_20 = arith.constant 0 : index
    %get3A_21 = vector.load %arg5[%get3A_19, %get3A_20] : memref<1x256xf32, #tpu.memory_space<vmem>>, vector<1x256xf32>
    %get3A_22 = vector.shape_cast %get3A_21 : vector<1x256xf32> to vector<256xf32>
    %broadcast_in_dim3A_23 = vector.shape_cast %get3A_22 : vector<256xf32> to vector<1x256xf32>
    %add3A = vector.broadcast %broadcast_in_dim3A_23 : vector<1x256xf32> to vector<2048x256xf32>
    %add3A_24 = arith.addf %mul3A_18, %add3A : vector<2048x256xf32>
    %max3A = arith.constant 0.000000e+00 : f32
    %max3A_25 = vector.broadcast %max3A : f32 to vector<2048x256xf32>
    %max3A_26 = arith.maximumf %add3A_24, %max3A_25 : vector<2048x256xf32>
    %reshape3A = vector.shape_cast %max3A_26 : vector<2048x256xf32> to vector<64x32x256xf32>
    %reduce_max3A = arith.constant dense<0xFF800000> : vector<64x256xf32>
    %reduce_max3A_27 = vector.multi_reduction <maximumf>, %reshape3A, %reduce_max3A [1] : vector<64x32x256xf32> to vector<64x256xf32>
    %swap3A = arith.constant 0 : index
    %swap3A_28 = arith.constant 0 : index
    %swap3A_29 = vector.load %arg6[%swap3A, %swap3A_28] : memref<64x256xf32, #tpu.memory_space<vmem>>, vector<64x256xf32>
    tpu.vector_store %arg6[%swap3A, %swap3A_28], %reduce_max3A_27 {strides = array<i32>} : memref<64x256xf32, #tpu.memory_space<vmem>>, vector<64x256xf32>,
    return
  }
  func.func @transform_0(%arg0: i32) -> (i32, i32) {
    %c0_i32 = arith.constant 0 : i32
    %c0_i32_0 = arith.constant 0 : i32
    return %arg0, %c0_i32 : i32, i32
  }
  func.func @transform_1(%arg0: i32) -> (i32, i32) {
    %c0_i32 = arith.constant 0 : i32
    %c0_i32_0 = arith.constant 0 : i32
    %c0_i32_1 = arith.constant 0 : i32
    return %c0_i32, %c0_i32_0 : i32, i32
  }
  func.func @transform_2(%arg0: i32) -> (i32, i32) {
    %c0_i32 = arith.constant 0 : i32
    %c0_i32_0 = arith.constant 0 : i32
    %c0_i32_1 = arith.constant 0 : i32
    return %c0_i32, %c0_i32_0 : i32, i32
  }
  func.func @transform_3(%arg0: i32) -> (i32, i32) {
    %c0_i32 = arith.constant 0 : i32
    %c0_i32_0 = arith.constant 0 : i32
    %c0_i32_1 = arith.constant 0 : i32
    return %c0_i32, %c0_i32_0 : i32, i32
  }
  func.func @transform_4(%arg0: i32) -> (i32, i32) {
    %c0_i32 = arith.constant 0 : i32
    %c0_i32_0 = arith.constant 0 : i32
    %c0_i32_1 = arith.constant 0 : i32
    return %c0_i32, %c0_i32_0 : i32, i32
  }
  func.func @transform_5(%arg0: i32) -> (i32, i32) {
    %c0_i32 = arith.constant 0 : i32
    %c0_i32_0 = arith.constant 0 : i32
    return %arg0, %c0_i32 : i32, i32
  }
}

</mosaic_0001>

<sc_bundles>
// kernel: gather_offload_async_start.1
scs
__scs_entry_jumppad:
0x0: {  	(pc) =	sbr.rel $0x88, $3  }
0x1: {  	(tag) =	ssettag $0x0;
	lr =	simm.s32 $0x1  }
0x2: {  	[smem:$0x3F40] =	sst lr;
	_ =	strace $0xD0000000  }
0x3: {  	_ = 	snop  }
0x4: {  	_ = 	snop  }
0x5: {  	_ = 	snop  }
0x6: {  	_ = 	snop  }
0x7: {  	_ = 	snop  }
__scs_overlays_trampoline_lowered:
0x8: {  	[smem:$0x3F4F] =	sst s0  }
0x9: {  	[smem:$0x3F50] =	sst s1  }
0xa: {  	[smem:$0x3F51] =	sst s2  }
0xb: {  	[smem:$0x3F52] =	sst s3  }
0xc: {  	[smem:$0x3F53] =	sst s4  }
0xd: {  	[smem:$0x3F54] =	sst s5  }
0xe: {  	[smem:$0x3F55] =	sst s6  }
0xf: {  	[smem:$0x3F56] =	sst s7  }
0x10: {  	[smem:$0x3F57] =	sst s8  }
0x11: {  	[smem:$0x3F58] =	sst s9;
	s0 =	simm.s32 @!p0 $0x0  }
0x12: {  	s1 =	sld [smem:$0x3F3E];
	s0 =	simm.s32 @p0 $0x1  }
0x13: {  	[smem:$0x3F59] =	sst s0;
	s0 =	simm.s32 @!p1 $0x0  }
0x14: {  	s2 =	sld [smem:$0x3F3D];
	s0 =	simm.s32 @p1 $0x1  }
0x15: {  	[smem:$0x3F5A] =	sst s0;
	s0 =	simm.s32 @!p2 $0x0  }
0x16: {  	s3 =	sld [smem:$0x3FDB];
	s0 =	simm.s32 @p2 $0x1  }
0x17: {  	s4 =	simm.s32 $0x1BF5;
	[smem:$0x3F5C] =	sst s0  }
0x18: {  	s0 =	sld [smem:$0x3F3F];
	_ =	swait.ge [sflag:s4], $0x0  }
0x19: {  	s7 =	sld [smem:$0x3F40]  }
0x1a: {  	s8 =	sadd.s32 $0xFFFFE003, lr  }
0x1b: {  	s9 =	sadd.s32 $0xFFFFFEF7, lr;
	s5 =	simm.s32 $0xFFFFFFFF;
	p2 =	slt.u32 s8, $0xFFFFF086  }
0x1c: {  	p1 =	slt.u32 s9, $0xF7A;
	s5 =	simm.s32 @!p2 $0x0  }
0x1d: {  	s5 =	simm.s32 @p1 $0x1;
	p0 =	seq.s32 s7, s2  }
0x1e: {  	s7 =	smul.u32 @!p0 $0xF7A, s2;
	p2 =	seq.s32 @!p0 s5, $0x0  }
0x1f: {  	s9 =	smul.u32 $0xF7A, s1;
	s8 =	simm.s32 @!p0 $0x1BF5;
	p2 =	por !p2, p0  }
0x20: {  	[sflag:s8] =	ssyncset.s32 @!p0 $0xFFFFF086;
	s6 =	sadd.s32 @!p0 s3, s7;
	s7 =	simm.s32 @!p0 $0x108  }
0x21: {  	s3 =	sadd.s32 s3, s9;
	s6 =	sadd.s32 @!p0 $0x88, s6;
	s7 =	simm.s32 @p2 $0x1082  }
0x22: {  	[simem:s7], [sflag:s8] =	dma.local @!p0 [hbm:s6], $0xF7A  }
0x23: {  	s9 =	sor.u32 $0xD0000000, s2;
	s6 =	simm.s32 $0x108;
	_ =	swait.ge @!p0 [sflag:s8], $0x0  }
0x24: {  	s3 =	sadd.s32 $0x88, s3;
	s6 =	simm.s32 @!p1 $0x1082;
	[sflag:s4] =	ssyncset.s32 $0xFFFFF086  }
0x25: {  	[simem:s6], [sflag:s4] =	dma.local [hbm:s3], $0xF7A  }
0x26: {  	[smem:$0x3F40] =	sst s1;
	(tag) =	ssettag s2;
	_ =	strace s9  }
0x27: {  	s1 =	sld [smem:$0x3F50]  }
0x28: {  	s2 =	sld [smem:$0x3F51]  }
0x29: {  	s4 =	sld [smem:$0x3F53]  }
0x2a: {  	p0 =	seq.s32 s5, $0x0;
	s5 =	sld [smem:$0x3F54]  }
0x2b: {  	s6 =	sld [smem:$0x3F55]  }
0x2c: {  	s7 =	sld [smem:$0x3F56]  }
0x2d: {  	s3 =	simm.s32 $0x108;
	s8 =	sld [smem:$0x3F57]  }
0x2e: {  	s3 =	simm.s32 @!p0 $0x1082;
	s9 =	sld [smem:$0x3F58]  }
0x2f: {  	lr =	sadd.s32 s0, s3;
	s0 =	sld [smem:$0x3F4F]  }
0x30: {  	s3 =	sld [smem:$0x3F52]  }
0x31: {  	[smem:$0x3F5B] =	sst s10  }
0x32: {  	s10 =	sld [smem:$0x3F59];
	_ =	sdelay $0x3  }
0x33: {  	p0 =	seq.s32 s10, $0x1;
	s10 =	sld [smem:$0x3F5B];
	_ =	sdelay $0x3  }
0x34: {  	[smem:$0x3F5B] =	sst s10  }
0x35: {  	s10 =	sld [smem:$0x3F5A];
	_ =	sdelay $0x3  }
0x36: {  	p1 =	seq.s32 s10, $0x1;
	s10 =	sld [smem:$0x3F5B];
	_ =	sdelay $0x3  }
0x37: {  	[smem:$0x3F5B] =	sst s10  }
0x38: {  	s10 =	sld [smem:$0x3F5C]  }
0x39: {  	_ = 	snop;
	(pc) =	sbr.ind lr, $3  }
0x3a: {  	_ = 	snop  }
0x3b: {  	_ = 	snop  }
0x3c: {  	p2 =	seq.s32 s10, $0x1;
	s10 =	sld [smem:$0x3F5B]  }
0x3d: {  	_ =	shalt  }
0x3e: {  	_ =	shalt  }
0x3f: {  	_ =	shalt  }
0x40: {  	_ =	shalt  }
0x41: {  	_ =	shalt  }
0x42: {  	_ =	shalt  }
0x43: {  	_ =	shalt  }
0x44: {  	_ =	shalt  }
0x45: {  	_ =	shalt  }
0x46: {  	_ =	shalt  }
0x47: {  	_ =	shalt  }
0x48: {  	_ =	shalt  }
0x49: {  	_ =	shalt  }
0x4a: {  	_ =	shalt  }
0x4b: {  	_ =	shalt  }
0x4c: {  	_ =	shalt  }
0x4d: {  	_ =	shalt  }
0x4e: {  	_ =	shalt  }
0x4f: {  	_ =	shalt  }
0x50: {  	_ =	shalt  }
0x51: {  	_ =	shalt  }
0x52: {  	_ =	shalt  }
0x53: {  	_ =	shalt  }
0x54: {  	_ =	shalt  }
0x55: {  	_ =	shalt  }
0x56: {  	_ =	shalt  }
0x57: {  	_ =	shalt  }
0x58: {  	_ =	shalt  }
0x59: {  	_ =	shalt  }
0x5a: {  	_ =	shalt  }
0x5b: {  	_ =	shalt  }
0x5c: {  	_ =	shalt  }
0x5d: {  	_ =	shalt  }
0x5e: {  	_ =	shalt  }
0x5f: {  	_ =	shalt  }
0x60: {  	_ =	shalt  }
0x61: {  	_ =	shalt  }
0x62: {  	_ =	shalt  }
0x63: {  	_ =	shalt  }
0x64: {  	_ =	shalt  }
0x65: {  	_ =	shalt  }
0x66: {  	_ =	shalt  }
0x67: {  	_ =	shalt  }
0x68: {  	_ =	shalt  }
0x69: {  	_ =	shalt  }
0x6a: {  	_ =	shalt  }
0x6b: {  	_ =	shalt  }
0x6c: {  	_ =	shalt  }
0x6d: {  	_ =	shalt  }
0x6e: {  	_ =	shalt  }
0x6f: {  	_ =	shalt  }
0x70: {  	_ =	shalt  }
0x71: {  	_ =	shalt  }
0x72: {  	_ =	shalt  }
0x73: {  	_ =	shalt  }
0x74: {  	_ =	shalt  }
0x75: {  	_ =	shalt  }
0x76: {  	_ =	shalt  }
0x77: {  	_ =	shalt  }
0x78: {  	_ =	shalt  }
0x79: {  	_ =	shalt  }
0x7a: {  	_ =	shalt  }
0x7b: {  	_ =	shalt  }
0x7c: {  	_ =	shalt  }
0x7d: {  	_ =	shalt  }
0x7e: {  	_ =	shalt  }
0x7f: {  	_ =	shalt  }
0x80: {  	_ =	shalt  }
0x81: {  	_ =	shalt  }
0x82: {  	_ =	shalt  }
0x83: {  	_ =	shalt  }
0x84: {  	_ =	shalt  }
0x85: {  	_ =	shalt  }
0x86: {  	_ =	shalt  }
0x87: {  	_ =	shalt  }
.Lfunc_end0:
.L_simem_size_0:
called_computation.3_lowered:
.L_overlay_start_0:
0x88: {  	s2 =	sld [smem:$0x3FD9]  }
0x89: {  	s3 =	sld [smem:$0x3FFE];
	_ =	sdelay $0x1  }
0x8a: {  	s1 =	srdreg.scid  }
0x8b: {  	s0 =	sand.u32 $0x1, s1  }
0x8c: {  	s14 =	sshll.u32 s0, $0xA;
	s2 =	sadd.s32 s3, s2  }
0x8d: {  	s2 =	sadd.s32 s2, s14  }
0x8e: {  	[smem:$0x3F67] =	sst s2  }
0x8f: {  	_ = 	snop  }
0x90: {  	s2 =	sld [smem:$0x3FD0];
	_ =	sdelay $0x2  }
0x91: {  	s15 =	simm.s32 $0xC;
	s4 =	simm.s32 $0x10  }
0x92: {  	[smem:s4], [sflag:s15] =	dma.local [hbm:s2], $0x1  }
0x93: {  	_ =	swait.eq [sflag:s15], $0x1  }
0x94: {  	[sflag:s15] =	ssyncset.done $0x0  }
0x95: {  	s16 =	sld [smem:$0x11];
	[sflag:s15] =	ssyncadd.s32 $0xFFFFFFFF  }
0x96: {  	s17 =	sld [smem:$0x12];
	(tm) =	ssettm $0x1  }
0x97: {  	s18 =	sld [smem:$0x3FFB];
	_ =	sdelay $0x3  }
0x98: {  	_ =	strace s18  }
0x99: {  	s4 =	sld [smem:$0x3FFC];
	_ =	sdelay $0x3  }
0x9a: {  	_ =	strace s4  }
0x9b: {  	s4 =	sld [smem:$0x3FFD];
	_ =	sdelay $0x3  }
0x9c: {  	_ =	strace s4  }
0x9d: {  	_ =	strace $0x8FFFFFFF  }
0x9e: {  	s19 =	sld [smem:$0x3FDB];
	_ =	sdelay $0x1  }
0x9f: {  	s5 =	simm.s32 $_scs_section_size  }
0xa0: {  	s6 =	simm.s32 $_size__tile_overlayer_lowered;
	s7 =	simm.s32 $_tile_overlayer_lowered  }
0xa1: {  	s22 =	simm.s32 $0x1BFF;
	s21 =	sshll.u32 s7, $0x1;
	s4 =	sadd.s32 s5, s19  }
0xa2: {  	s8 =	simm.s32 $0x0;
	s20 =	sshll.u32 s6, $0x1;
	s6 =	sadd.s32 s21, s4  }
0xa3: {  	[timem:s8], [sflag:s22] =	dma.local [hbm:s6], s20  }
0xa4: {  	_ =	swait.ge [sflag:s22], s20  }
0xa5: {  	s5 =	ssub.s32 $0x0, s20;
	[sflag:s22] =	ssyncset.done $0x0  }
0xa6: {  	[sflag:s22] =	ssyncadd.s32 s5;
	_ =	sdelay $0x1  }
0xa7: {  	s23 =	simm.s32 $0x1B8B  }
0xa8: {  	_ =	swait.ge [sflag:s23], $0x1  }
0xa9: {  	[sflag:s23] =	ssyncset.done $0x0  }
0xaa: {  	s25 =	simm.s32 $0x1B8E;
	s24 =	sld [smem:$0x3FFE];
	[sflag:s23] =	ssyncadd.s32 $0xFFFFFFFF  }
0xab: {  	s26 =	simm.s32 $execute0_lowered;
	[smem:$0x3FD2] =	sst s25  }
0xac: {  	s6 =	sshll.u32 s26, $0x1;
	_ =	strace $0x80000049;
	[dreg:$0x1] =	wrdreg $0xFFFFFFFF  }
0xad: {  	s28 =	simm.s32 $_size_execute0_lowered;
	s4 =	sadd.s32 s4, s6;
	[dreg:$0x0] =	wrdreg $0x0  }
0xae: {  	s6 =	sshll.u32 s28, $0x1;
	[dreg:$0x2] =	wrdreg s4  }
0xaf: {  	[dreg:$0x3] =	wrdreg s6  }
0xb0: {  	[dreg:$0x4] =	wrdreg $0xC0  }
0xb1: {  	_ =	task [dreg:s8], $0x5FFFF  }
0xb2: {  	[dreg:$0x1] =	wrdreg $0xFFFFFFFF  }
0xb3: {  	[dreg:$0x0] =	wrdreg $0x60  }
0xb4: {  	[dreg:$0x2] =	wrdreg s24  }
0xb5: {  	[dreg:$0x3] =	wrdreg s16  }
0xb6: {  	[dreg:$0x4] =	wrdreg s17  }
0xb7: {  	[dreg:$0x5] =	wrdreg $0xB  }
0xb8: {  	_ =	task.clear_ibuf [dreg:s8], $0x6FFFF;
	_ =	strace $0x90000049  }
0xb9: {  	s29 =	simm.s32 $0xB;
	_ =	strace $0x8000004B  }
0xba: {  	_ =	swait.ge [sflag:s29], $0x1  }
0xbb: {  	[sflag:s29] =	ssyncadd.s32 $0xFFFFFFFF  }
0xbc: {  	_ =	strace $0x9000004B  }
0xbd: {  	_ =	sfence  }
0xbe: {  	s30 =	sld [smem:$0x0];
	_ =	sdelay $0x2  }
0xbf: {  	s31 =	sshll.u32 s1, $0xD;
	s1 =	sshrl.u32 s1, $0x2  }
0xc0: {  	s3 =	sand.u32 $0x4000, s31;
	s1 =	sadd.s32 s1, s30  }
0xc1: {  	s0 =	sor.u32 s3, s0;
	s1 =	sshll.u32 s1, $0x11  }
0xc2: {  	s0 =	sor.u32 s1, s0  }
0xc3: {  	s0 =	sadd.s32 $0x8F2B, s0  }
0xc4: {  	[sflag:s0] =	ssyncadd.remote.s32 $0x1  }
0xc5: {  	_ =	sfence.sel $0xFFFF  }
0xc6: {  	[dreg:$0x0] =	wrdreg $0xFFFFFFFF;
	(pc) =	sbr.abs _section_cstart, $3  }
0xc7: {  	[dreg:$0x1] =	wrdreg $0xFFFFFFFF  }
0xc8: {  	_ =	task.clear_ibuf [dreg:s8], $0x2FFFF;
	_ =	strace $0x9FFFFFFF  }
0xc9: {  	(tm) =	ssettm $0x7FFFFFFF  }
tec
execute0_lowered:
.L_overlay_start_1:
0x0: {  	(tag) =	ssettag $0x1  }
0x1: {  	s7 =	rddreg [dreg:$0x0]  }
0x2: {  	s2 =	rddreg [dreg:$0x1]  }
0x3: {  	s3 =	rddreg [dreg:$0x2]  }
0x4: {  	s0 =	rddreg [dreg:$0x3];
	s1 =	srdreg.scid;
	_ =	strace $0x8000004A  }
0x5: {  	s4 =	simm.s32 $0x1;
	s9 =	simm.s32 $0x3;
	s5 =	sshll.u32 s1, $0x4  }
.Ltmp0:
0x6: {  	s1 =	stileid.u32;
	s5 =	sand.u32 $0x10, s5;
	(pc) =	sbr.rel .LBB2_1-.Ltmp0, $4  }
0x7: {  	s12 =	simm.s32 $0x0;
	s10 =	simm.s32 $0x0;
	s6 =	sor.u32 s1, s5  }
0x8: {  	[sflag:s4] =	ssyncpa.u1 $0x0;
	s5 =	simm.s32 $0x2;
	s6 =	sshll.u32 s6, $0x6  }
0x9: {  	s7 =	sadd.s32 $0x82400, s7;
	[sflag:s5] =	ssyncpa.u1 $0x0;
	s8 =	sadd.s32 $0x40, s6  }
0xa: {  	vm0 =	vmmov $0xff;
	vm1 =	vcmask $0x3F20;
	[sflag:s9] =	ssyncpa.u1 $0x0;
	s9 =	simm.s32 $0x40;
	s11 =	smov.u32 s6  }
.LBB2_9:
0xb: {  	p0 =	seq.s32 s10, $0x2  }
.Ltmp1:
0xc: {  	_ = 	snop;
	(pc) =	sbr.rel @p0 .LBB2_11-.Ltmp1, $1  }
0xd: {  	_ =	sdelay $0x3  }
.LBB2_10:
0xe: {  	s12 =	sadd.s32 $0x40, s11  }
0xf: {  	s13 =	smov.u32 s6;
	p0 =	slt.s32 s12, s8  }
0x10: {  	s13 =	smov.u32 @p0 s12  }
0x11: {  	s10 =	sadd.s32 $0x1, s10;
	s12 =	smov.u32 s11;
	s11 =	smov.u32 s13  }
.LBB2_1:
0x12: {  	p0 =	sne.s32 s10, $0x0  }
.Ltmp2:
0x13: {  	_ = 	snop;
	(pc) =	sbr.rel @!p0 .LBB2_2-.Ltmp2, $1  }
0x14: {  	_ =	sdelay $0x3  }
0x15: {  	s13 =	sand.u32 $0x1, s10  }
0x16: {  	p0 =	seq.s32 s13, $0x0  }
.Ltmp3:
0x17: {  	_ = 	snop;
	(pc) =	sbr.rel @p0 .LBB2_9-.Ltmp3, $1  }
0x18: {  	_ =	sdelay $0x3  }
0x19: {  	_ =	swait.ge [sflag:s5], $0x40  }
0x1a: {  	[sflag:s5] =	ssyncset.done $0x0  }
0x1b: {  	s13 =	simm.s32 $0x0;
	[sflag:s5] =	ssyncadd.s32 $0xFFFFFFC0  }
0x1c: {  	v0 =	vld.msk [tilespmem:s13+$0x40 ss:$0x1], $0xffff;
	_ =	sdelay $0x4  }
0x1d: {  	v1 =	vshll.u32 v0, $0x5  }
0x1e: {  	vm2 =	veq.s32 v0, $0x80000000;
	v0 =	vshll.u32 v0, $0x12;
	v1 =	vand.u32 $0x3FF80, v1  }
0x1f: {  	v0 =	vand.u32 $0xC0000, v0;
	v1 =	vsel vm2, $0xFFFFFF80, v1  }
0x20: {  	v0 =	vsel vm2, $0xFFFC0000, v0;
	v2 =	vand.u32 $0xFFFFFC00, v1  }
0x21: {  	v1 =	vand.u32 $0x380, v1;
	v0 =	vadd.s32 v0, v2  }
0x22: {  	v0 =	vor.u32 v1, v0  }
0x23: {  	v0 =	vshrl.u32 v0, $0x3;
	_ =	sdelay $0x3  }
0x24: {  	s13 =	simm.s32 $0x2080  }
0x25: {  	[tilespmem:s13], [sflag:$0x1] =	stream.indirect_vreg.gather [hbm:s7], $0x80, v0, vm0, $0x38;
	[tilespmem:$0x4080] =	vst v63  }
0x26: {  	s14 =	simm.s32 $0x2480;
	s31 =	simm.s32 $0x10  }
0x27: {  	[tilespmem:s14], [sflag:$0x1] =	stream.indirect_vreg.gather [hbm:s7], $0x80, v0, vm1, $0x38;
	[tilespmem:$0x4080] =	vst v63  }
0x28: {  	s14 =	simm.s32 $0x80;
	v0 =	vld.msk [tilespmem:s31+$0x40 ss:$0x1], $0xffff  }
.LBB2_5:
0x29: {  	p0 =	sne.s32 s14, $0xC0;
	_ =	sdelay $0x4  }
0x2a: {  	v1 =	vshll.u32 v0, $0x5  }
0x2b: {  	vm2 =	veq.s32 v0, $0x80000000;
	v0 =	vshll.u32 v0, $0x12;
	v1 =	vand.u32 $0x3FF80, v1  }
0x2c: {  	v0 =	vand.u32 $0xC0000, v0;
	v1 =	vsel vm2, $0xFFFFFF80, v1  }
0x2d: {  	v0 =	vsel vm2, $0xFFFC0000, v0;
	v2 =	vand.u32 $0xFFFFFC00, v1  }
0x2e: {  	v1 =	vand.u32 $0x380, v1;
	v0 =	vadd.s32 v0, v2  }
0x2f: {  	v0 =	vor.u32 v1, v0  }
0x30: {  	v0 =	vshrl.u32 v0, $0x3;
	_ =	sdelay $0x3  }
.Ltmp4:
0x31: {  	s13 =	sadd.s32 $0x800, s13;
	(pc) =	sbr.rel @p0 .LBB2_5-.Ltmp4, $4  }
0x32: {  	[tilespmem:s13], [sflag:$0x1] =	stream.indirect_vreg.gather [hbm:s7], $0x80, v0, vm0, $0x38;
	[tilespmem:$0x4080] =	vst v63  }
0x33: {  	s15 =	sshra.s32 s14, $0x2;
	s16 =	sadd.s32 $0x400, s13  }
0x34: {  	[tilespmem:s16], [sflag:$0x1] =	stream.indirect_vreg.gather [hbm:s7], $0x80, v0, vm1, $0x38;
	[tilespmem:$0x4080] =	vst v63  }
0x35: {  	s14 =	sadd.s32 $0x40, s14;
	v0 =	vld.msk [tilespmem:s15+$0x40 ss:$0x1], $0xffff  }
0x36: {  	_ =	sdelay $0x3  }
0x37: {  	v1 =	vshll.u32 v0, $0x5  }
0x38: {  	vm2 =	veq.s32 v0, $0x80000000;
	v63 =	vshll.u32 v0, $0x12;
	v1 =	vand.u32 $0x3FF80, v1  }
0x39: {  	v0 =	vand.u32 $0xC0000, v63;
	v1 =	vsel vm2, $0xFFFFFF80, v1  }
0x3a: {  	v0 =	vsel vm2, $0xFFFC0000, v0;
	v2 =	vand.u32 $0xFFFFFC00, v1  }
0x3b: {  	v1 =	vand.u32 $0x380, v1;
	v0 =	vadd.s32 v0, v2  }
0x3c: {  	v0 =	vor.u32 v1, v0  }
0x3d: {  	v0 =	vshrl.u32 v0, $0x3;
	_ =	sdelay $0x3  }
0x3e: {  	s13 =	sadd.s32 $0x800, s13  }
0x3f: {  	[tilespmem:s13], [sflag:$0x1] =	stream.indirect_vreg.gather [hbm:s7], $0x80, v0, vm0, $0x38;
	[tilespmem:$0x4080] =	vst v63  }
0x40: {  	s13 =	sadd.s32 $0x400, s13  }
0x41: {  	[tilespmem:s13], [sflag:$0x1] =	stream.indirect_vreg.gather [hbm:s7], $0x80, v0, vm1, $0x38;
	[tilespmem:$0x4080] =	vst v63  }
0x42: {  	s12 =	sshll.u32 s12, $0x4;
	s14 =	simm.s32 $0x80;
	_ =	swait.ge [sflag:s4], $0x2000  }
0x43: {  	s15 =	simm.s32 $0x2480;
	s12 =	sadd.s32 s12, s3;
	[sflag:s4] =	ssyncset.done $0x0  }
0x44: {  	s16 =	sadd.s32 $0x0, s12;
	s13 =	simm.s32 $0x2080;
	[sflag:s4] =	ssyncadd.s32 $0xFFFFE000  }
.LBB2_7:
0x45: {  	[hbm:s16] =	stream.linear.scatter [tilespmem:s13], [sflag:$0x3], $0x400, $0x38;
	[tilespmem:$0x4080] =	vst v63  }
0x46: {  	s16 =	smov.u32 s14;
	s13 =	smov.u32 s15;
	p0 =	sne.s32 s14, $0x380  }
.Ltmp5:
0x47: {  	s14 =	sadd.s32 $0x80, s14;
	(pc) =	sbr.rel @p0 .LBB2_7-.Ltmp5, $2  }
0x48: {  	_ =	sdelay $0x2  }
0x49: {  	s15 =	sadd.s32 $0x400, s15;
	s16 =	sadd.s32 s16, s12  }
.Ltmp6:
0x4a: {  	(pc) =	sbr.rel .LBB2_9-.Ltmp6, $2  }
0x4b: {  	_ =	sdelay $0x2  }
0x4c: {  	[hbm:s16] =	stream.linear.scatter [tilespmem:s13], [sflag:$0x3], $0x400, $0x38;
	[tilespmem:$0x4080] =	vst v63  }
.LBB2_2:
.Ltmp7:
0x4d: {  	(pc) =	sbr.rel .LBB2_10-.Ltmp7, $4  }
0x4e: {  	_ = 	snop  }
0x4f: {  	s12 =	sshrl.u32 s11, $0x3  }
0x50: {  	s13 =	sand.u32 $0x7, s11;
	s12 =	sadd.s32 s2, s12  }
0x51: {  	[tilespmem:s9], [sflag:$0x2] =	stream.linear.gather [hbm4b:s12+s13], $0x40, $0x38;
	[tilespmem:$0x4080] =	vst v63  }
.LBB2_11:
0x52: {  	s2 =	simm.s32 $0x3  }
0x53: {  	_ =	swait.ge [sflag:s2], $0x2000  }
0x54: {  	[sflag:s2] =	ssyncset.done $0x0  }
0x55: {  	[sflag:s2] =	ssyncadd.s32 $0xFFFFE000  }
0x56: {  	_ =	sfence.sel $0x180000  }
0x57: {  	s3 =	simm.s32 $0x2;
	[bflag:$0x0] =	sbarrier.arrive $0xFFFF  }
0x58: {  	[sflag:s3] =	ssyncpa.u1 $0x1  }
0x59: {  	s31 =	simm.s32 $0x1;
	[sflag:s2] =	ssyncpa.u1 $0x1  }
0x5a: {  	[sflag:s31] =	ssyncpa.u1 $0x1  }
0x5b: {  	p0 =	sne.s32 s1, $0x0;
	_ =	strace $0x9000004A  }
0x5c: {  	s0 =	sadd.s32 @!p0 $0x100000, s0;
	[bflag:$0x2] =	sbarrier.arrive $0xFFFF  }
0x5d: {  	[sflag:s0] =	ssyncadd.tile.s32 @!p0 $0x1;
	_ =	shalt  }
.Lfunc_end2:
_tile_overlayer_lowered:
.L_overlay_start_2:
0x5e: {  	(tag) =	ssettag $0x2  }
0x5f: {  	s0 =	rddreg [dreg:$0x0];
	s2 =	stileid.u32  }
0x60: {  	s1 =	rddreg [dreg:$0x1];
	p0 =	sne.s32 s2, $0x0  }
0x61: {  	s3 =	rddreg [dreg:$0x2];
	[bflag:$0x3] =	sbarrier.arrive $0xFFFF;
	s2 =	simm.s32 @!p0 $0x1C01  }
0x62: {  	[timem:s3], [sflag:s2] =	dma.local @!p0 [hbm:s0], s1  }
0x63: {  	s0 =	simm.s32 @!p0 $0x1  }
0x64: {  	_ =	swait.ge @!p0 [sflag:s0], s1  }
0x65: {  	s1 =	ssub.s32 @!p0 $0x0, s1;
	[sflag:s0] =	ssyncset.done @!p0 $0x0  }
0x66: {  	[sflag:s0] =	ssyncadd.s32 @!p0 s1  }
0x67: {  	[bflag:$0x3] =	sbarrier.arrive $0xFFFF  }
0x68: {  	_ =	shalt  }

// kernel: gather_offload_async_start
scs
__scs_entry_jumppad:
0x0: {  	(pc) =	sbr.rel $0x88, $3  }
0x1: {  	(tag) =	ssettag $0x0;
	lr =	simm.s32 $0x1  }
0x2: {  	[smem:$0x3F40] =	sst lr;
	_ =	strace $0xD0000000  }
0x3: {  	_ = 	snop  }
0x4: {  	_ = 	snop  }
0x5: {  	_ = 	snop  }
0x6: {  	_ = 	snop  }
0x7: {  	_ = 	snop  }
__scs_overlays_trampoline_lowered:
0x8: {  	[smem:$0x3F4F] =	sst s0  }
0x9: {  	[smem:$0x3F50] =	sst s1  }
0xa: {  	[smem:$0x3F51] =	sst s2  }
0xb: {  	[smem:$0x3F52] =	sst s3  }
0xc: {  	[smem:$0x3F53] =	sst s4  }
0xd: {  	[smem:$0x3F54] =	sst s5  }
0xe: {  	[smem:$0x3F55] =	sst s6  }
0xf: {  	[smem:$0x3F56] =	sst s7  }
0x10: {  	[smem:$0x3F57] =	sst s8  }
0x11: {  	[smem:$0x3F58] =	sst s9;
	s0 =	simm.s32 @!p0 $0x0  }
0x12: {  	s1 =	sld [smem:$0x3F3E];
	s0 =	simm.s32 @p0 $0x1  }
0x13: {  	[smem:$0x3F59] =	sst s0;
	s0 =	simm.s32 @!p1 $0x0  }
0x14: {  	s2 =	sld [smem:$0x3F3D];
	s0 =	simm.s32 @p1 $0x1  }
0x15: {  	[smem:$0x3F5A] =	sst s0;
	s0 =	simm.s32 @!p2 $0x0  }
0x16: {  	s3 =	sld [smem:$0x3FDB];
	s0 =	simm.s32 @p2 $0x1  }
0x17: {  	s4 =	simm.s32 $0x1BF5;
	[smem:$0x3F5C] =	sst s0  }
0x18: {  	s0 =	sld [smem:$0x3F3F];
	_ =	swait.ge [sflag:s4], $0x0  }
0x19: {  	s7 =	sld [smem:$0x3F40]  }
0x1a: {  	s8 =	sadd.s32 $0xFFFFE003, lr  }
0x1b: {  	s9 =	sadd.s32 $0xFFFFFEF7, lr;
	s5 =	simm.s32 $0xFFFFFFFF;
	p2 =	slt.u32 s8, $0xFFFFF086  }
0x1c: {  	p1 =	slt.u32 s9, $0xF7A;
	s5 =	simm.s32 @!p2 $0x0  }
0x1d: {  	s5 =	simm.s32 @p1 $0x1;
	p0 =	seq.s32 s7, s2  }
0x1e: {  	s7 =	smul.u32 @!p0 $0xF7A, s2;
	p2 =	seq.s32 @!p0 s5, $0x0  }
0x1f: {  	s9 =	smul.u32 $0xF7A, s1;
	s8 =	simm.s32 @!p0 $0x1BF5;
	p2 =	por !p2, p0  }
0x20: {  	[sflag:s8] =	ssyncset.s32 @!p0 $0xFFFFF086;
	s6 =	sadd.s32 @!p0 s3, s7;
	s7 =	simm.s32 @!p0 $0x108  }
0x21: {  	s3 =	sadd.s32 s3, s9;
	s6 =	sadd.s32 @!p0 $0x88, s6;
	s7 =	simm.s32 @p2 $0x1082  }
0x22: {  	[simem:s7], [sflag:s8] =	dma.local @!p0 [hbm:s6], $0xF7A  }
0x23: {  	s9 =	sor.u32 $0xD0000000, s2;
	s6 =	simm.s32 $0x108;
	_ =	swait.ge @!p0 [sflag:s8], $0x0  }
0x24: {  	s3 =	sadd.s32 $0x88, s3;
	s6 =	simm.s32 @!p1 $0x1082;
	[sflag:s4] =	ssyncset.s32 $0xFFFFF086  }
0x25: {  	[simem:s6], [sflag:s4] =	dma.local [hbm:s3], $0xF7A  }
0x26: {  	[smem:$0x3F40] =	sst s1;
	(tag) =	ssettag s2;
	_ =	strace s9  }
0x27: {  	s1 =	sld [smem:$0x3F50]  }
0x28: {  	s2 =	sld [smem:$0x3F51]  }
0x29: {  	s4 =	sld [smem:$0x3F53]  }
0x2a: {  	p0 =	seq.s32 s5, $0x0;
	s5 =	sld [smem:$0x3F54]  }
0x2b: {  	s6 =	sld [smem:$0x3F55]  }
0x2c: {  	s7 =	sld [smem:$0x3F56]  }
0x2d: {  	s3 =	simm.s32 $0x108;
	s8 =	sld [smem:$0x3F57]  }
0x2e: {  	s3 =	simm.s32 @!p0 $0x1082;
	s9 =	sld [smem:$0x3F58]  }
0x2f: {  	lr =	sadd.s32 s0, s3;
	s0 =	sld [smem:$0x3F4F]  }
0x30: {  	s3 =	sld [smem:$0x3F52]  }
0x31: {  	[smem:$0x3F5B] =	sst s10  }
0x32: {  	s10 =	sld [smem:$0x3F59];
	_ =	sdelay $0x3  }
0x33: {  	p0 =	seq.s32 s10, $0x1;
	s10 =	sld [smem:$0x3F5B];
	_ =	sdelay $0x3  }
0x34: {  	[smem:$0x3F5B] =	sst s10  }
0x35: {  	s10 =	sld [smem:$0x3F5A];
	_ =	sdelay $0x3  }
0x36: {  	p1 =	seq.s32 s10, $0x1;
	s10 =	sld [smem:$0x3F5B];
	_ =	sdelay $0x3  }
0x37: {  	[smem:$0x3F5B] =	sst s10  }
0x38: {  	s10 =	sld [smem:$0x3F5C]  }
0x39: {  	_ = 	snop;
	(pc) =	sbr.ind lr, $3  }
0x3a: {  	_ = 	snop  }
0x3b: {  	_ = 	snop  }
0x3c: {  	p2 =	seq.s32 s10, $0x1;
	s10 =	sld [smem:$0x3F5B]  }
0x3d: {  	_ =	shalt  }
0x3e: {  	_ =	shalt  }
0x3f: {  	_ =	shalt  }
0x40: {  	_ =	shalt  }
0x41: {  	_ =	shalt  }
0x42: {  	_ =	shalt  }
0x43: {  	_ =	shalt  }
0x44: {  	_ =	shalt  }
0x45: {  	_ =	shalt  }
0x46: {  	_ =	shalt  }
0x47: {  	_ =	shalt  }
0x48: {  	_ =	shalt  }
0x49: {  	_ =	shalt  }
0x4a: {  	_ =	shalt  }
0x4b: {  	_ =	shalt  }
0x4c: {  	_ =	shalt  }
0x4d: {  	_ =	shalt  }
0x4e: {  	_ =	shalt  }
0x4f: {  	_ =	shalt  }
0x50: {  	_ =	shalt  }
0x51: {  	_ =	shalt  }
0x52: {  	_ =	shalt  }
0x53: {  	_ =	shalt  }
0x54: {  	_ =	shalt  }
0x55: {  	_ =	shalt  }
0x56: {  	_ =	shalt  }
0x57: {  	_ =	shalt  }
0x58: {  	_ =	shalt  }
0x59: {  	_ =	shalt  }
0x5a: {  	_ =	shalt  }
0x5b: {  	_ =	shalt  }
0x5c: {  	_ =	shalt  }
0x5d: {  	_ =	shalt  }
0x5e: {  	_ =	shalt  }
0x5f: {  	_ =	shalt  }
0x60: {  	_ =	shalt  }
0x61: {  	_ =	shalt  }
0x62: {  	_ =	shalt  }
0x63: {  	_ =	shalt  }
0x64: {  	_ =	shalt  }
0x65: {  	_ =	shalt  }
0x66: {  	_ =	shalt  }
0x67: {  	_ =	shalt  }
0x68: {  	_ =	shalt  }
0x69: {  	_ =	shalt  }
0x6a: {  	_ =	shalt  }
0x6b: {  	_ =	shalt  }
0x6c: {  	_ =	shalt  }
0x6d: {  	_ =	shalt  }
0x6e: {  	_ =	shalt  }
0x6f: {  	_ =	shalt  }
0x70: {  	_ =	shalt  }
0x71: {  	_ =	shalt  }
0x72: {  	_ =	shalt  }
0x73: {  	_ =	shalt  }
0x74: {  	_ =	shalt  }
0x75: {  	_ =	shalt  }
0x76: {  	_ =	shalt  }
0x77: {  	_ =	shalt  }
0x78: {  	_ =	shalt  }
0x79: {  	_ =	shalt  }
0x7a: {  	_ =	shalt  }
0x7b: {  	_ =	shalt  }
0x7c: {  	_ =	shalt  }
0x7d: {  	_ =	shalt  }
0x7e: {  	_ =	shalt  }
0x7f: {  	_ =	shalt  }
0x80: {  	_ =	shalt  }
0x81: {  	_ =	shalt  }
0x82: {  	_ =	shalt  }
0x83: {  	_ =	shalt  }
0x84: {  	_ =	shalt  }
0x85: {  	_ =	shalt  }
0x86: {  	_ =	shalt  }
0x87: {  	_ =	shalt  }
.Lfunc_end0:
.L_simem_size_0:
called_computation.2_lowered:
.L_overlay_start_0:
0x88: {  	s2 =	sld [smem:$0x3FD9]  }
0x89: {  	s3 =	sld [smem:$0x3FFE];
	_ =	sdelay $0x1  }
0x8a: {  	s1 =	srdreg.scid  }
0x8b: {  	s0 =	sand.u32 $0x1, s1  }
0x8c: {  	s14 =	sshll.u32 s0, $0xA;
	s2 =	sadd.s32 s3, s2  }
0x8d: {  	s2 =	sadd.s32 s2, s14  }
0x8e: {  	[smem:$0x3F67] =	sst s2  }
0x8f: {  	_ = 	snop  }
0x90: {  	s2 =	sld [smem:$0x3FD0];
	_ =	sdelay $0x2  }
0x91: {  	s15 =	simm.s32 $0xC;
	s4 =	simm.s32 $0x10  }
0x92: {  	[smem:s4], [sflag:s15] =	dma.local [hbm:s2], $0x1  }
0x93: {  	_ =	swait.eq [sflag:s15], $0x1  }
0x94: {  	[sflag:s15] =	ssyncset.done $0x0  }
0x95: {  	[sflag:s15] =	ssyncadd.s32 $0xFFFFFFFF  }
0x96: {  	s16 =	sld [smem:$0x12];
	(tm) =	ssettm $0x1  }
0x97: {  	s17 =	sld [smem:$0x3FFB];
	_ =	sdelay $0x3  }
0x98: {  	_ =	strace s17  }
0x99: {  	s3 =	sld [smem:$0x3FFC];
	_ =	sdelay $0x3  }
0x9a: {  	_ =	strace s3  }
0x9b: {  	s3 =	sld [smem:$0x3FFD];
	_ =	sdelay $0x3  }
0x9c: {  	_ =	strace s3  }
0x9d: {  	_ =	strace $0x8FFFFFFF  }
0x9e: {  	s18 =	sld [smem:$0x3FDB];
	_ =	sdelay $0x1  }
0x9f: {  	s19 =	simm.s32 $_scs_section_size  }
0xa0: {  	s5 =	simm.s32 $_size__tile_overlayer_lowered;
	s6 =	simm.s32 $_tile_overlayer_lowered  }
0xa1: {  	s22 =	simm.s32 $0x1BFF;
	s21 =	sshll.u32 s6, $0x1;
	s3 =	sadd.s32 s19, s18  }
0xa2: {  	s7 =	simm.s32 $0x0;
	s20 =	sshll.u32 s5, $0x1;
	s5 =	sadd.s32 s21, s3  }
0xa3: {  	[timem:s7], [sflag:s22] =	dma.local [hbm:s5], s20  }
0xa4: {  	_ =	swait.ge [sflag:s22], s20  }
0xa5: {  	s4 =	ssub.s32 $0x0, s20;
	[sflag:s22] =	ssyncset.done $0x0  }
0xa6: {  	[sflag:s22] =	ssyncadd.s32 s4;
	_ =	sdelay $0x1  }
0xa7: {  	s23 =	simm.s32 $0x1B8B  }
0xa8: {  	_ =	swait.ge [sflag:s23], $0x1  }
0xa9: {  	[sflag:s23] =	ssyncset.done $0x0  }
0xaa: {  	s25 =	simm.s32 $0x1B8E;
	s24 =	sld [smem:$0x3FFE];
	[sflag:s23] =	ssyncadd.s32 $0xFFFFFFFF  }
0xab: {  	s26 =	simm.s32 $execute0_lowered;
	[smem:$0x3FD2] =	sst s25  }
0xac: {  	s5 =	sshll.u32 s26, $0x1;
	_ =	strace $0x80000046;
	[dreg:$0x1] =	wrdreg $0xFFFFFFFF  }
0xad: {  	s28 =	simm.s32 $_size_execute0_lowered;
	s3 =	sadd.s32 s3, s5;
	[dreg:$0x0] =	wrdreg $0x0  }
0xae: {  	s5 =	sshll.u32 s28, $0x1;
	[dreg:$0x2] =	wrdreg s3  }
0xaf: {  	[dreg:$0x3] =	wrdreg s5  }
0xb0: {  	[dreg:$0x4] =	wrdreg $0xC0  }
0xb1: {  	_ =	task [dreg:s7], $0x5FFFF  }
0xb2: {  	[dreg:$0x1] =	wrdreg $0xFFFFFFFF  }
0xb3: {  	[dreg:$0x0] =	wrdreg $0x60  }
0xb4: {  	[dreg:$0x2] =	wrdreg s24  }
0xb5: {  	[dreg:$0x3] =	wrdreg s16  }
0xb6: {  	[dreg:$0x4] =	wrdreg $0x9  }
0xb7: {  	_ =	task.clear_ibuf [dreg:s7], $0x5FFFF;
	_ =	strace $0x90000046  }
0xb8: {  	s29 =	simm.s32 $0x9;
	_ =	strace $0x80000048  }
0xb9: {  	_ =	swait.ge [sflag:s29], $0x1  }
0xba: {  	[sflag:s29] =	ssyncadd.s32 $0xFFFFFFFF  }
0xbb: {  	_ =	strace $0x90000048  }
0xbc: {  	_ =	sfence  }
0xbd: {  	s30 =	sld [smem:$0x0];
	_ =	sdelay $0x2  }
0xbe: {  	s31 =	sshll.u32 s1, $0xD;
	s1 =	sshrl.u32 s1, $0x2  }
0xbf: {  	s3 =	sand.u32 $0x4000, s31;
	s1 =	sadd.s32 s1, s30  }
0xc0: {  	s0 =	sor.u32 s3, s0;
	s1 =	sshll.u32 s1, $0x11  }
0xc1: {  	s0 =	sor.u32 s1, s0  }
0xc2: {  	s0 =	sadd.s32 $0x8F2B, s0  }
0xc3: {  	[sflag:s0] =	ssyncadd.remote.s32 $0x1  }
0xc4: {  	_ =	sfence.sel $0xFFFF  }
0xc5: {  	[dreg:$0x0] =	wrdreg $0xFFFFFFFF;
	(pc) =	sbr.abs _section_cstart, $3  }
0xc6: {  	[dreg:$0x1] =	wrdreg $0xFFFFFFFF  }
0xc7: {  	_ =	task.clear_ibuf [dreg:s7], $0x2FFFF;
	_ =	strace $0x9FFFFFFF  }
0xc8: {  	(tm) =	ssettm $0x7FFFFFFF  }
0xc9: {  	_ =	shalt  }
tec
execute0_lowered:
.L_overlay_start_1:
0x0: {  	(tag) =	ssettag $0x1  }
0x1: {  	s7 =	rddreg [dreg:$0x0]  }
0x2: {  	s2 =	rddreg [dreg:$0x1]  }
0x3: {  	s0 =	rddreg [dreg:$0x2]  }
0x4: {  	s1 =	srdreg.scid;
	_ =	strace $0x80000047;
	s4 =	simm.s32 $0x1  }
0x5: {  	s9 =	simm.s32 $0x3;
	s12 =	simm.s32 $0x0;
	s5 =	sshll.u32 s1, $0x4  }
.Ltmp0:
0x6: {  	s1 =	stileid.u32;
	s5 =	sand.u32 $0x10, s5;
	(pc) =	sbr.rel .LBB2_1-.Ltmp0, $4  }
0x7: {  	s10 =	simm.s32 $0x0;
	s3 =	sadd.s32 $0x2400, s7;
	s6 =	sor.u32 s1, s5  }
0x8: {  	[sflag:s4] =	ssyncpa.u1 $0x0;
	s5 =	simm.s32 $0x2;
	s6 =	sshll.u32 s6, $0x8  }
0x9: {  	s7 =	sadd.s32 $0x82400, s7;
	[sflag:s5] =	ssyncpa.u1 $0x0;
	s8 =	sadd.s32 $0x100, s6  }
0xa: {  	vm0 =	vmmov $0xff;
	vm1 =	vcmask $0x3F20;
	[sflag:s9] =	ssyncpa.u1 $0x0;
	s9 =	simm.s32 $0x100;
	s11 =	smov.u32 s6  }
.LBB2_9:
0xb: {  	p0 =	seq.s32 s10, $0x2  }
.Ltmp1:
0xc: {  	_ = 	snop;
	(pc) =	sbr.rel @p0 .LBB2_11-.Ltmp1, $1  }
0xd: {  	_ =	sdelay $0x3  }
.LBB2_10:
0xe: {  	s12 =	sadd.s32 $0x100, s11  }
0xf: {  	s13 =	smov.u32 s6;
	p0 =	slt.s32 s12, s8  }
0x10: {  	s13 =	smov.u32 @p0 s12  }
0x11: {  	s10 =	sadd.s32 $0x1, s10;
	s12 =	smov.u32 s11;
	s11 =	smov.u32 s13  }
.LBB2_1:
0x12: {  	p0 =	sne.s32 s10, $0x0  }
.Ltmp2:
0x13: {  	_ = 	snop;
	(pc) =	sbr.rel @!p0 .LBB2_2-.Ltmp2, $1  }
0x14: {  	_ =	sdelay $0x3  }
0x15: {  	s13 =	sand.u32 $0x1, s10  }
0x16: {  	p0 =	seq.s32 s13, $0x0  }
.Ltmp3:
0x17: {  	_ = 	snop;
	(pc) =	sbr.rel @p0 .LBB2_9-.Ltmp3, $1  }
0x18: {  	_ =	sdelay $0x3  }
0x19: {  	_ =	swait.ge [sflag:s5], $0x100  }
0x1a: {  	[sflag:s5] =	ssyncset.done $0x0  }
0x1b: {  	s13 =	simm.s32 $0x0;
	[sflag:s5] =	ssyncadd.s32 $0xFFFFFF00  }
0x1c: {  	v0 =	vld.msk [tilespmem:s13+$0x100 ss:$0x1], $0xffff;
	_ =	sdelay $0x4  }
0x1d: {  	v1 =	vshll.u32 v0, $0x5  }
0x1e: {  	vm2 =	veq.s32 v0, $0x80000000;
	v0 =	vshll.u32 v0, $0x14;
	v1 =	vand.u32 $0xFFF80, v1  }
0x1f: {  	v0 =	vand.u32 $0x300000, v0;
	v1 =	vsel vm2, $0xFFFFFF80, v1  }
0x20: {  	v0 =	vsel vm2, $0xFFF00000, v0;
	v2 =	vand.u32 $0xFFFFFC00, v1  }
0x21: {  	v1 =	vand.u32 $0x380, v1;
	v0 =	vadd.s32 v0, v2  }
0x22: {  	v0 =	vor.u32 v1, v0  }
0x23: {  	v0 =	vshrl.u32 v0, $0x3;
	_ =	sdelay $0x3  }
0x24: {  	s13 =	simm.s32 $0x8200  }
0x25: {  	[tilespmem:s13], [sflag:$0x1] =	stream.indirect_vreg.gather [hbm:s3], $0x80, v0, vm0, $0x38;
	[tilespmem:$0x10200] =	vst v63  }
0x26: {  	s14 =	simm.s32 $0x8600;
	s31 =	simm.s32 $0x10  }
0x27: {  	[tilespmem:s14], [sflag:$0x1] =	stream.indirect_vreg.gather [hbm:s3], $0x80, v0, vm1, $0x38;
	[tilespmem:$0x10200] =	vst v63  }
0x28: {  	s14 =	simm.s32 $0x80;
	v0 =	vld.msk [tilespmem:s31+$0x100 ss:$0x1], $0xffff  }
.LBB2_5:
0x29: {  	p0 =	sne.s32 s14, $0x3C0;
	_ =	sdelay $0x4  }
0x2a: {  	v1 =	vshll.u32 v0, $0x5  }
0x2b: {  	vm2 =	veq.s32 v0, $0x80000000;
	v0 =	vshll.u32 v0, $0x14;
	v1 =	vand.u32 $0xFFF80, v1  }
0x2c: {  	v0 =	vand.u32 $0x300000, v0;
	v1 =	vsel vm2, $0xFFFFFF80, v1  }
0x2d: {  	v0 =	vsel vm2, $0xFFF00000, v0;
	v2 =	vand.u32 $0xFFFFFC00, v1  }
0x2e: {  	v1 =	vand.u32 $0x380, v1;
	v0 =	vadd.s32 v0, v2  }
0x2f: {  	v0 =	vor.u32 v1, v0  }
0x30: {  	v0 =	vshrl.u32 v0, $0x3;
	_ =	sdelay $0x3  }
.Ltmp4:
0x31: {  	s13 =	sadd.s32 $0x800, s13;
	(pc) =	sbr.rel @p0 .LBB2_5-.Ltmp4, $4  }
0x32: {  	[tilespmem:s13], [sflag:$0x1] =	stream.indirect_vreg.gather [hbm:s3], $0x80, v0, vm0, $0x38;
	[tilespmem:$0x10200] =	vst v63  }
0x33: {  	s15 =	sshra.s32 s14, $0x2;
	s16 =	sadd.s32 $0x400, s13  }
0x34: {  	[tilespmem:s16], [sflag:$0x1] =	stream.indirect_vreg.gather [hbm:s3], $0x80, v0, vm1, $0x38;
	[tilespmem:$0x10200] =	vst v63  }
0x35: {  	s14 =	sadd.s32 $0x40, s14;
	v0 =	vld.msk [tilespmem:s15+$0x100 ss:$0x1], $0xffff  }
0x36: {  	_ =	sdelay $0x3  }
0x37: {  	v1 =	vshll.u32 v0, $0x5  }
0x38: {  	vm2 =	veq.s32 v0, $0x80000000;
	v63 =	vshll.u32 v0, $0x14;
	v1 =	vand.u32 $0xFFF80, v1  }
0x39: {  	v0 =	vand.u32 $0x300000, v63;
	v1 =	vsel vm2, $0xFFFFFF80, v1  }
0x3a: {  	v0 =	vsel vm2, $0xFFF00000, v0;
	v2 =	vand.u32 $0xFFFFFC00, v1  }
0x3b: {  	v1 =	vand.u32 $0x380, v1;
	v0 =	vadd.s32 v0, v2  }
0x3c: {  	v0 =	vor.u32 v1, v0  }
0x3d: {  	v0 =	vshrl.u32 v0, $0x3;
	_ =	sdelay $0x3  }
0x3e: {  	s13 =	sadd.s32 $0x800, s13  }
0x3f: {  	[tilespmem:s13], [sflag:$0x1] =	stream.indirect_vreg.gather [hbm:s3], $0x80, v0, vm0, $0x38;
	[tilespmem:$0x10200] =	vst v63  }
0x40: {  	s13 =	sadd.s32 $0x400, s13  }
0x41: {  	[tilespmem:s13], [sflag:$0x1] =	stream.indirect_vreg.gather [hbm:s3], $0x80, v0, vm1, $0x38;
	[tilespmem:$0x10200] =	vst v63  }
0x42: {  	s12 =	sshll.u32 s12, $0x4;
	s14 =	simm.s32 $0x80;
	_ =	swait.ge [sflag:s4], $0x8000  }
0x43: {  	s15 =	simm.s32 $0x8600;
	s12 =	sadd.s32 s12, s7;
	[sflag:s4] =	ssyncset.done $0x0  }
0x44: {  	s16 =	sadd.s32 $0x0, s12;
	s13 =	simm.s32 $0x8200;
	[sflag:s4] =	ssyncadd.s32 $0xFFFF8000  }
.LBB2_7:
0x45: {  	[hbm:s16] =	stream.linear.scatter [tilespmem:s13], [sflag:$0x3], $0x400, $0x38;
	[tilespmem:$0x10200] =	vst v63  }
0x46: {  	s16 =	smov.u32 s14;
	s13 =	smov.u32 s15;
	p0 =	sne.s32 s14, $0xF80  }
.Ltmp5:
0x47: {  	s14 =	sadd.s32 $0x80, s14;
	(pc) =	sbr.rel @p0 .LBB2_7-.Ltmp5, $2  }
0x48: {  	_ =	sdelay $0x2  }
0x49: {  	s15 =	sadd.s32 $0x400, s15;
	s16 =	sadd.s32 s16, s12  }
.Ltmp6:
0x4a: {  	(pc) =	sbr.rel .LBB2_9-.Ltmp6, $2  }
0x4b: {  	_ =	sdelay $0x2  }
0x4c: {  	[hbm:s16] =	stream.linear.scatter [tilespmem:s13], [sflag:$0x3], $0x400, $0x38;
	[tilespmem:$0x10200] =	vst v63  }
.LBB2_2:
.Ltmp7:
0x4d: {  	(pc) =	sbr.rel .LBB2_10-.Ltmp7, $4  }
0x4e: {  	_ = 	snop  }
0x4f: {  	s12 =	sshrl.u32 s11, $0x3  }
0x50: {  	s13 =	sand.u32 $0x7, s11;
	s12 =	sadd.s32 s2, s12  }
0x51: {  	[tilespmem:s9], [sflag:$0x2] =	stream.linear.gather [hbm4b:s12+s13], $0x100, $0x38;
	[tilespmem:$0x10200] =	vst v63  }
.LBB2_11:
0x52: {  	s2 =	simm.s32 $0x3  }
0x53: {  	_ =	swait.ge [sflag:s2], $0x8000  }
0x54: {  	[sflag:s2] =	ssyncset.done $0x0  }
0x55: {  	[sflag:s2] =	ssyncadd.s32 $0xFFFF8000  }
0x56: {  	_ =	sfence.sel $0x180000  }
0x57: {  	s3 =	simm.s32 $0x2;
	[bflag:$0x0] =	sbarrier.arrive $0xFFFF  }
0x58: {  	[sflag:s3] =	ssyncpa.u1 $0x1  }
0x59: {  	s31 =	simm.s32 $0x1;
	[sflag:s2] =	ssyncpa.u1 $0x1  }
0x5a: {  	[sflag:s31] =	ssyncpa.u1 $0x1  }
0x5b: {  	p0 =	sne.s32 s1, $0x0;
	_ =	strace $0x90000047  }
0x5c: {  	s0 =	sadd.s32 @!p0 $0x100000, s0;
	[bflag:$0x2] =	sbarrier.arrive $0xFFFF  }
0x5d: {  	[sflag:s0] =	ssyncadd.tile.s32 @!p0 $0x1;
	_ =	shalt  }
.Lfunc_end2:
_tile_overlayer_lowered:
.L_overlay_start_2:
0x5e: {  	(tag) =	ssettag $0x2  }
0x5f: {  	s0 =	rddreg [dreg:$0x0];
	s2 =	stileid.u32  }
0x60: {  	s1 =	rddreg [dreg:$0x1];
	p0 =	sne.s32 s2, $0x0  }
0x61: {  	s3 =	rddreg [dreg:$0x2];
	[bflag:$0x3] =	sbarrier.arrive $0xFFFF;
	s2 =	simm.s32 @!p0 $0x1C01  }
0x62: {  	[timem:s3], [sflag:s2] =	dma.local @!p0 [hbm:s0], s1  }
0x63: {  	s0 =	simm.s32 @!p0 $0x1  }
0x64: {  	_ =	swait.ge @!p0 [sflag:s0], s1  }
0x65: {  	s1 =	ssub.s32 @!p0 $0x0, s1;
	[sflag:s0] =	ssyncset.done @!p0 $0x0  }
0x66: {  	[sflag:s0] =	ssyncadd.s32 @!p0 s1  }
0x67: {  	[bflag:$0x3] =	sbarrier.arrive $0xFFFF  }
0x68: {  	_ =	shalt  }

// kernel: sparse-core-data-format-call.1.cloned.1.call-start
scs
called_computation.1_lowered:
.L_overlay_start_0:
0x0: {  	s2 =	sld [smem:$0x3FD9]  }
0x1: {  	s3 =	sld [smem:$0x3FFE];
	_ =	sdelay $0x1  }
0x2: {  	s1 =	srdreg.scid  }
0x3: {  	s0 =	sand.u32 $0x1, s1  }
0x4: {  	s18 =	sshll.u32 s0, $0xA;
	s2 =	sadd.s32 s3, s2  }
0x5: {  	s2 =	sadd.s32 s2, s18  }
0x6: {  	[smem:$0x3F67] =	sst s2  }
0x7: {  	_ = 	snop  }
0x8: {  	(tm) =	ssettm $0x1  }
0x9: {  	s19 =	sld [smem:$0x3FFB];
	_ =	sdelay $0x3  }
0xa: {  	_ =	strace s19  }
0xb: {  	s2 =	sld [smem:$0x3FFC];
	_ =	sdelay $0x3  }
0xc: {  	_ =	strace s2  }
0xd: {  	s2 =	sld [smem:$0x3FFD];
	_ =	sdelay $0x3  }
0xe: {  	_ =	strace s2  }
0xf: {  	_ =	strace $0x8FFFFFFF  }
0x10: {  	s20 =	sld [smem:$0x3FDB];
	_ =	sdelay $0x1  }
0x11: {  	s21 =	simm.s32 $_scs_section_size  }
0x12: {  	s4 =	simm.s32 $_size__tile_overlayer_lowered;
	s5 =	simm.s32 $_tile_overlayer_lowered  }
0x13: {  	s6 =	simm.s32 $0x1BFF;
	s22 =	sshll.u32 s5, $0x1;
	s3 =	sadd.s32 s21, s20  }
0x14: {  	s23 =	simm.s32 $0x0;
	s4 =	sshll.u32 s4, $0x1;
	s5 =	sadd.s32 s22, s3  }
0x15: {  	[timem:s23], [sflag:s6] =	dma.local [hbm:s5], s4  }
0x16: {  	_ =	swait.ge [sflag:s6], s4  }
0x17: {  	s4 =	ssub.s32 $0x0, s4;
	[sflag:s6] =	ssyncset.done $0x0  }
0x18: {  	[sflag:s6] =	ssyncadd.s32 s4;
	_ =	sdelay $0x1  }
0x19: {  	s24 =	simm.s32 $0x1B8B  }
0x1a: {  	_ =	swait.ge [sflag:s24], $0x1  }
0x1b: {  	[sflag:s24] =	ssyncset.done $0x0  }
0x1c: {  	[sflag:s24] =	ssyncadd.s32 $0xFFFFFFFF  }
0x1d: {  	s4 =	sld [smem:$0x0]  }
0x1e: {  	s5 =	sand.u32 $0xFFFFFFFE, s1  }
0x1f: {  	p0 =	sne.s32 s1, s5  }
0x20: {  	s5 =	sshll.u32 @p0 s5, $0xE  }
0x21: {  	s5 =	sadd.s32 @p0 $0x11B8D, s5;
	s6 =	sshll.u32 @p0 s4, $0x11  }
0x22: {  	s5 =	sor.u32 @p0 s6, s5  }
0x23: {  	[sflag:s5] =	ssyncadd.remote.s32 @p0 $0x1;
	_ =	sdelay $0x1  }
0x24: {  	s5 =	simm.s32 @p0 $0x1B8D  }
0x25: {  	_ =	swait.eq @p0 [sflag:s5], $0x1  }
0x26: {  	[sflag:s5] =	ssyncadd.s32 @p0 $0xFFFFFFFF  }
0x27: {  	s6 =	sshll.u32 @!p0 s1, $0xE  }
0x28: {  	s6 =	sor.u32 @!p0 $0x4000, s6;
	s5 =	simm.s32 @!p0 $0x1B8D  }
0x29: {  	s4 =	sshll.u32 @!p0 s4, $0x11;
	s6 =	sadd.s32 @!p0 $0x11B8D, s6;
	_ =	swait.eq @!p0 [sflag:s5], $0x1  }
0x2a: {  	s4 =	sor.u32 @!p0 s4, s6;
	[sflag:s5] =	ssyncadd.s32 @!p0 $0xFFFFFFFF  }
0x2b: {  	s26 =	simm.s32 $0x1B8E;
	s25 =	sld [smem:$0x3FFE];
	[sflag:s4] =	ssyncadd.remote.s32 @!p0 $0x1  }
0x2c: {  	s27 =	simm.s32 $execute0_lowered;
	[smem:$0x3FD2] =	sst s26  }
0x2d: {  	s5 =	sshll.u32 s27, $0x1;
	_ =	strace $0x8000004C;
	[dreg:$0x1] =	wrdreg $0xFFFFFFFF  }
0x2e: {  	s28 =	simm.s32 $_size_execute0_lowered;
	s3 =	sadd.s32 s3, s5;
	[dreg:$0x0] =	wrdreg $0x0  }
0x2f: {  	s5 =	sshll.u32 s28, $0x1;
	[dreg:$0x2] =	wrdreg s3  }
0x30: {  	[dreg:$0x3] =	wrdreg s5  }
0x31: {  	[dreg:$0x4] =	wrdreg $0xC0  }
0x32: {  	_ =	task [dreg:s23], $0x5FFFF  }
0x33: {  	[dreg:$0x1] =	wrdreg $0xFFFFFFFF  }
0x34: {  	[dreg:$0x0] =	wrdreg $0x60  }
0x35: {  	[dreg:$0x2] =	wrdreg s25  }
0x36: {  	[dreg:$0x3] =	wrdreg $0xA  }
0x37: {  	_ =	task.clear_ibuf [dreg:s23], $0x4FFFF;
	_ =	strace $0x9000004C  }
0x38: {  	s29 =	simm.s32 $0xA;
	_ =	strace $0x8000004E  }
0x39: {  	_ =	swait.ge [sflag:s29], $0x1  }
0x3a: {  	[sflag:s29] =	ssyncadd.s32 $0xFFFFFFFF  }
0x3b: {  	_ =	strace $0x9000004E  }
0x3c: {  	_ =	sfence  }
0x3d: {  	s30 =	sld [smem:$0x0];
	_ =	sdelay $0x2  }
0x3e: {  	s31 =	sshll.u32 s1, $0xD;
	s1 =	sshrl.u32 s1, $0x2  }
0x3f: {  	s4 =	sand.u32 $0x4000, s31;
	s1 =	sadd.s32 s1, s30  }
0x40: {  	s0 =	sor.u32 s4, s0;
	s1 =	sshll.u32 s1, $0x11  }
0x41: {  	s0 =	sor.u32 s1, s0  }
0x42: {  	s0 =	sadd.s32 $0x8F2B, s0  }
0x43: {  	[sflag:s0] =	ssyncadd.remote.s32 $0x1  }
0x44: {  	_ =	sfence.sel $0xFFFF  }
0x45: {  	[dreg:$0x0] =	wrdreg $0xFFFFFFFF;
	(pc) =	sbr.abs _section_cstart, $3  }
0x46: {  	[dreg:$0x1] =	wrdreg $0xFFFFFFFF  }
0x47: {  	_ =	task.clear_ibuf [dreg:s23], $0x2FFFF;
	_ =	strace $0x9FFFFFFF  }
0x48: {  	(tm) =	ssettm $0x7FFFFFFF  }
0x49: {  	_ =	shalt  }
tec
execute0_lowered:
.L_overlay_start_1:
0x0: {  	(tag) =	ssettag $0x1  }
0x1: {  	s0 =	stileid.u32;
	s1 =	srdreg.scid  }
0x2: {  	s4 =	rddreg [dreg:$0x0];
	s7 =	simm.s32 $0x1;
	s31 =	simm.s32 $0x2  }
0x3: {  	s14 =	simm.s32 $0x0;
	s2 =	sshll.u32 s0, $0x5;
	s1 =	sshll.u32 s1, $0x9  }
0x4: {  	s9 =	simm.s32 $0x4000;
	s15 =	simm.s32 $0x0;
	s1 =	sor.u32 s2, s1  }
0x5: {  	s16 =	simm.s32 $0x0;
	s10 =	simm.s32 $0x0;
	s2 =	sand.u32 $0x380, s1  }
0x6: {  	s13 =	simm.s32 $0x0;
	s3 =	sadd.s32 $0xAF600, s4;
	s5 =	ssub.s32 $0x800, s2  }
0x7: {  	s4 =	sadd.s32 $0x4AF600, s4;
	s1 =	rddreg [dreg:$0x1];
	s6 =	sand.u32 $0x380, s5  }
.Ltmp0:
0x8: {  	_ =	strace $0x8000004D;
	p0 =	sne.s32 s6, $0x0;
	(pc) =	sbr.rel .LBB1_1-.Ltmp0, $4  }
0x9: {  	s11 =	smov.u32 s2;
	s8 =	sshrl.u32 s5, $0xA;
	s7 =	simm.s32 @!p0 $0x0  }
0xa: {  	s5 =	sand.u32 $0x3, s0;
	s6 =	simm.s32 $0x1;
	s7 =	sadd.s32 s7, s8  }
0xb: {  	s12 =	smov.u32 s5;
	[sflag:s6] =	ssyncpa.u1 $0x0;
	s7 =	sshll.u32 s7, $0x5  }
0xc: {  	p0 =	por $0x0, $0x0;
	[sflag:s31] =	ssyncpa.u1 $0x0;
	s8 =	sor.u32 $0x1, s7  }
.LBB1_4:
0xd: {  	s19 =	sshll.u32 s15, $0x3  }
0xe: {  	s20 =	sand.u32 $0x78, s15;
	s16 =	sshll.u32 s16, $0x12;
	s30 =	sand.u32 $0x1F00, s15  }
0xf: {  	s14 =	sshll.u32 s14, $0xD;
	s19 =	sand.u32 $0x400, s19;
	s16 =	sadd.s32 s4, s16  }
0x10: {  	s31 =	sand.u32 $0x7, s15;
	s19 =	sor.u32 s20, s19;
	s16 =	sadd.s32 s30, s16  }
0x11: {  	s15 =	sshll.u32 s31, $0x12;
	s19 =	sshrl.u32 s19, $0x3;
	s14 =	sadd.s32 s14, s16  }
0x12: {  	[tilespmem:s18+$0x0 ss:$0x81] =	vst.msk $0xffff, v0;
	s15 =	sor.u32 $0x400, s15;
	s14 =	sadd.s32 s19, s14  }
0x13: {  	[hbm4b:s14+s15] =	stream.strided.scatter [tilespmem:s17], [sflag:$0x2], $0x1000, s9, s15, $0x20;
	[tilespmem:$0x4040] =	vst v63  }
.LBB1_5:
0x14: {  	s17 =	sadd.s32 $0x1, s10  }
0x15: {  	s14 =	sadd.s32 $0x400, s11;
	s18 =	smov.u32 s11;
	p2 =	sgt.s32 s17, $0x1F  }
0x16: {  	s18 =	smov.u32 @p2 s14  }
0x17: {  	s20 =	smov.u32 s12;
	s14 =	sadd.s32 $0x4, s12;
	p3 =	sgt.s32 s18, $0x7FF  }
0x18: {  	s20 =	smov.u32 @p3 s14  }
0x19: {  	s17 =	simm.s32 @p2 $0x0;
	p2 =	sgt.s32 s20, $0x3  }
0x1a: {  	p1 =	slt.u32 s13, $0x2;
	s20 =	smov.u32 @p2 s5;
	p2 =	sne.s32 s13, s8  }
.Ltmp1:
0x1b: {  	s19 =	simm.s32 @!p1 $0x2;
	(pc) =	sbr.rel @!p2 .LBB1_6-.Ltmp1, $4  }
0x1c: {  	s15 =	smov.u32 s11;
	s16 =	smov.u32 s12;
	_ =	swait.ge @!p1 [sflag:s19], $0x1000  }
0x1d: {  	p0 =	por !p0, !p0;
	[sflag:s19] =	ssyncset.done @!p1 $0x0;
	s18 =	smov.u32 @p3 s2  }
0x1e: {  	s14 =	smov.u32 s10;
	[sflag:s19] =	ssyncadd.s32 @!p1 $0xFFFFF000;
	s10 =	smov.u32 s17  }
0x1f: {  	s11 =	smov.u32 s18;
	s13 =	sadd.s32 $0x1, s13;
	s12 =	smov.u32 s20  }
.LBB1_1:
0x20: {  	p1 =	sge.u32 s13, s7;
	s31 =	sadd.s32 $0xFFFFFFFF, s13  }
0x21: {  	s17 =	sxor.u32 @!p1 $0xFFFFFFFF, s13;
	s18 =	sshll.u32 @!p1 s12, $0x14;
	s19 =	sshll.u32 @!p1 s11, $0x9  }
0x22: {  	s20 =	sshll.u32 @!p1 s10, $0x4;
	s17 =	sshll.u32 @!p1 s17, $0xC;
	s18 =	sadd.s32 @!p1 s3, s18  }
0x23: {  	s20 =	sand.u32 @!p1 $0x1F0, s20;
	s17 =	sand.u32 @!p1 $0x1000, s17;
	s18 =	sadd.s32 @!p1 s19, s18  }
0x24: {  	s19 =	simm.s32 @!p1 $0x20;
	s18 =	sadd.s32 @!p1 s20, s18;
	s20 =	simm.s32 @!p1 $0x1000  }
0x25: {  	[tilespmem:s17], [sflag:$0x1] =	stream.strided.gather @!p1 [hbm4b:s18+s19], $0x1000, s20, s19, $0x38;
	[tilespmem:$0x4040] =	vst v63  }
0x26: {  	p1 =	sge.u32 s31, s7  }
.Ltmp2:
0x27: {  	_ = 	snop;
	(pc) =	sbr.rel @p1 .LBB1_5-.Ltmp2, $1  }
0x28: {  	_ =	sdelay $0x3  }
0x29: {  	s17 =	simm.s32 $0x1  }
0x2a: {  	_ =	swait.ge [sflag:s6], $0x1000;
	s17 =	simm.s32 @!p0 $0x0  }
0x2b: {  	[sflag:s6] =	ssyncset.done $0x0;
	s18 =	sshll.u32 s17, $0xC  }
0x2c: {  	[sflag:s6] =	ssyncadd.s32 $0xFFFFF000;
	s21 =	sor.u32 $0x10, s18  }
0x2d: {  	s17 =	smul.u32 $0x4080, s17;
	v1 =	vld [tilespmem:s21+$0x0]  }
0x2e: {  	s30 =	sand.u32 $0x1, s13;
	v0 =	vld [tilespmem:s21+$0xFFFFFFF0]  }
0x2f: {  	s18 =	smul.u32 $0x4080, s30;
	s17 =	sshrl.u32 s17, $0x2  }
0x30: {  	s19 =	sor.u32 $0x2000, s17  }
0x31: {  	s31 =	sshrl.u32 s18, $0x2;
	s18 =	sadd.s32 $0x0, s19  }
0x32: {  	s20 =	simm.s32 $0x4;
	s21 =	sadd.s32 $0x20, s21;
	s17 =	sor.u32 $0x2000, s31;
	[tilespmem:s18+$0x810 ss:$0x81] =	vst.msk $0xffff, v1  }
.LBB1_3:
0x33: {  	v1 =	vld [tilespmem:s21+$0x0];
	p1 =	sne.s32 s20, $0x1FC;
	[tilespmem:s18+$0x0 ss:$0x81] =	vst.msk $0xffff, v0;
	s18 =	smov.u32 s20;
	s20 =	sadd.s32 $0x4, s20  }
.Ltmp3:
0x34: {  	v0 =	vld [tilespmem:s21+$0xFFFFFFF0];
	(pc) =	sbr.rel @p1 .LBB1_3-.Ltmp3, $4  }
0x35: {  	_ = 	snop  }
0x36: {  	s18 =	sshra.s32 s18, $0x2  }
0x37: {  	s18 =	sadd.s32 s18, s19  }
0x38: {  	s21 =	sadd.s32 $0x20, s21;
	[tilespmem:s18+$0x810 ss:$0x81] =	vst.msk $0xffff, v1  }
.Ltmp4:
0x39: {  	_ = 	snop;
	(pc) =	sbr.rel .LBB1_4-.Ltmp4, $1  }
0x3a: {  	_ =	sdelay $0x3  }
.LBB1_6:
0x3b: {  	_ =	sfence.sel $0x180000  }
0x3c: {  	s2 =	simm.s32 $0x1;
	[bflag:$0x0] =	sbarrier.arrive $0xFFFF  }
0x3d: {  	s31 =	simm.s32 $0x2;
	[sflag:s2] =	ssyncpa.u1 $0x1  }
0x3e: {  	[sflag:s31] =	ssyncpa.u1 $0x1  }
0x3f: {  	p0 =	sne.s32 s0, $0x0;
	_ =	strace $0x9000004D  }
0x40: {  	s0 =	sadd.s32 @!p0 $0x100000, s1;
	[bflag:$0x2] =	sbarrier.arrive $0xFFFF  }
0x41: {  	[sflag:s0] =	ssyncadd.tile.s32 @!p0 $0x1;
	_ =	shalt  }
.Lfunc_end1:
_tile_overlayer_lowered:
.L_overlay_start_2:
0x42: {  	(tag) =	ssettag $0x2  }
0x43: {  	s0 =	rddreg [dreg:$0x0];
	s2 =	stileid.u32  }
0x44: {  	s1 =	rddreg [dreg:$0x1];
	p0 =	sne.s32 s2, $0x0  }
0x45: {  	s3 =	rddreg [dreg:$0x2];
	[bflag:$0x3] =	sbarrier.arrive $0xFFFF;
	s2 =	simm.s32 @!p0 $0x1C01  }
0x46: {  	[timem:s3], [sflag:s2] =	dma.local @!p0 [hbm:s0], s1  }
0x47: {  	s0 =	simm.s32 @!p0 $0x1  }
0x48: {  	_ =	swait.ge @!p0 [sflag:s0], s1  }
0x49: {  	s1 =	ssub.s32 @!p0 $0x0, s1;
	[sflag:s0] =	ssyncset.done @!p0 $0x0  }
0x4a: {  	[sflag:s0] =	ssyncadd.s32 @!p0 s1  }
0x4b: {  	[bflag:$0x3] =	sbarrier.arrive $0xFFFF  }
0x4c: {  	_ =	shalt  }

// kernel: sparse-core-data-format-call.cloned.1.call-start
scs
called_computation_lowered:
.L_overlay_start_0:
0x0: {  	s2 =	sld [smem:$0x3FD9]  }
0x1: {  	s3 =	sld [smem:$0x3FFE];
	_ =	sdelay $0x1  }
0x2: {  	s1 =	srdreg.scid  }
0x3: {  	s0 =	sand.u32 $0x1, s1  }
0x4: {  	s18 =	sshll.u32 s0, $0xA;
	s2 =	sadd.s32 s3, s2  }
0x5: {  	s2 =	sadd.s32 s2, s18  }
0x6: {  	[smem:$0x3F67] =	sst s2  }
0x7: {  	_ = 	snop  }
0x8: {  	(tm) =	ssettm $0x1  }
0x9: {  	s19 =	sld [smem:$0x3FFB];
	_ =	sdelay $0x3  }
0xa: {  	_ =	strace s19  }
0xb: {  	s2 =	sld [smem:$0x3FFC];
	_ =	sdelay $0x3  }
0xc: {  	_ =	strace s2  }
0xd: {  	s2 =	sld [smem:$0x3FFD];
	_ =	sdelay $0x3  }
0xe: {  	_ =	strace s2  }
0xf: {  	_ =	strace $0x8FFFFFFF  }
0x10: {  	s20 =	sld [smem:$0x3FDB];
	_ =	sdelay $0x1  }
0x11: {  	s21 =	simm.s32 $_scs_section_size  }
0x12: {  	s4 =	simm.s32 $_size__tile_overlayer_lowered;
	s5 =	simm.s32 $_tile_overlayer_lowered  }
0x13: {  	s6 =	simm.s32 $0x1BFF;
	s22 =	sshll.u32 s5, $0x1;
	s3 =	sadd.s32 s21, s20  }
0x14: {  	s23 =	simm.s32 $0x0;
	s4 =	sshll.u32 s4, $0x1;
	s5 =	sadd.s32 s22, s3  }
0x15: {  	[timem:s23], [sflag:s6] =	dma.local [hbm:s5], s4  }
0x16: {  	_ =	swait.ge [sflag:s6], s4  }
0x17: {  	s4 =	ssub.s32 $0x0, s4;
	[sflag:s6] =	ssyncset.done $0x0  }
0x18: {  	[sflag:s6] =	ssyncadd.s32 s4;
	_ =	sdelay $0x1  }
0x19: {  	s24 =	simm.s32 $0x1B8B  }
0x1a: {  	_ =	swait.ge [sflag:s24], $0x1  }
0x1b: {  	[sflag:s24] =	ssyncset.done $0x0  }
0x1c: {  	[sflag:s24] =	ssyncadd.s32 $0xFFFFFFFF  }
0x1d: {  	s4 =	sld [smem:$0x0]  }
0x1e: {  	s5 =	sand.u32 $0xFFFFFFFE, s1  }
0x1f: {  	p0 =	sne.s32 s1, s5  }
0x20: {  	s5 =	sshll.u32 @p0 s5, $0xE  }
0x21: {  	s5 =	sadd.s32 @p0 $0x11B8D, s5;
	s6 =	sshll.u32 @p0 s4, $0x11  }
0x22: {  	s5 =	sor.u32 @p0 s6, s5  }
0x23: {  	[sflag:s5] =	ssyncadd.remote.s32 @p0 $0x1;
	_ =	sdelay $0x1  }
0x24: {  	s5 =	simm.s32 @p0 $0x1B8D  }
0x25: {  	_ =	swait.eq @p0 [sflag:s5], $0x1  }
0x26: {  	[sflag:s5] =	ssyncadd.s32 @p0 $0xFFFFFFFF  }
0x27: {  	s6 =	sshll.u32 @!p0 s1, $0xE  }
0x28: {  	s6 =	sor.u32 @!p0 $0x4000, s6;
	s5 =	simm.s32 @!p0 $0x1B8D  }
0x29: {  	s4 =	sshll.u32 @!p0 s4, $0x11;
	s6 =	sadd.s32 @!p0 $0x11B8D, s6;
	_ =	swait.eq @!p0 [sflag:s5], $0x1  }
0x2a: {  	s4 =	sor.u32 @!p0 s4, s6;
	[sflag:s5] =	ssyncadd.s32 @!p0 $0xFFFFFFFF  }
0x2b: {  	s26 =	simm.s32 $0x1B8E;
	s25 =	sld [smem:$0x3FFE];
	[sflag:s4] =	ssyncadd.remote.s32 @!p0 $0x1  }
0x2c: {  	s27 =	simm.s32 $execute0_lowered;
	[smem:$0x3FD2] =	sst s26  }
0x2d: {  	s5 =	sshll.u32 s27, $0x1;
	_ =	strace $0x8000004F;
	[dreg:$0x1] =	wrdreg $0xFFFFFFFF  }
0x2e: {  	s28 =	simm.s32 $_size_execute0_lowered;
	s3 =	sadd.s32 s3, s5;
	[dreg:$0x0] =	wrdreg $0x0  }
0x2f: {  	s5 =	sshll.u32 s28, $0x1;
	[dreg:$0x2] =	wrdreg s3  }
0x30: {  	[dreg:$0x3] =	wrdreg s5  }
0x31: {  	[dreg:$0x4] =	wrdreg $0xC0  }
0x32: {  	_ =	task [dreg:s23], $0x5FFFF  }
0x33: {  	[dreg:$0x1] =	wrdreg $0xFFFFFFFF  }
0x34: {  	[dreg:$0x0] =	wrdreg $0x60  }
0x35: {  	[dreg:$0x2] =	wrdreg s25  }
0x36: {  	[dreg:$0x3] =	wrdreg $0x9  }
0x37: {  	_ =	task.clear_ibuf [dreg:s23], $0x4FFFF;
	_ =	strace $0x9000004F  }
0x38: {  	s29 =	simm.s32 $0x9;
	_ =	strace $0x80000051  }
0x39: {  	_ =	swait.ge [sflag:s29], $0x1  }
0x3a: {  	[sflag:s29] =	ssyncadd.s32 $0xFFFFFFFF  }
0x3b: {  	_ =	strace $0x90000051  }
0x3c: {  	_ =	sfence  }
0x3d: {  	s30 =	sld [smem:$0x0];
	_ =	sdelay $0x2  }
0x3e: {  	s31 =	sshll.u32 s1, $0xD;
	s1 =	sshrl.u32 s1, $0x2  }
0x3f: {  	s4 =	sand.u32 $0x4000, s31;
	s1 =	sadd.s32 s1, s30  }
0x40: {  	s0 =	sor.u32 s4, s0;
	s1 =	sshll.u32 s1, $0x11  }
0x41: {  	s0 =	sor.u32 s1, s0  }
0x42: {  	s0 =	sadd.s32 $0x8F2B, s0  }
0x43: {  	[sflag:s0] =	ssyncadd.remote.s32 $0x1  }
0x44: {  	_ =	sfence.sel $0xFFFF  }
0x45: {  	[dreg:$0x0] =	wrdreg $0xFFFFFFFF;
	(pc) =	sbr.abs _section_cstart, $3  }
0x46: {  	[dreg:$0x1] =	wrdreg $0xFFFFFFFF  }
0x47: {  	_ =	task.clear_ibuf [dreg:s23], $0x2FFFF;
	_ =	strace $0x9FFFFFFF  }
0x48: {  	(tm) =	ssettm $0x7FFFFFFF  }
0x49: {  	_ =	shalt  }
tec
execute0_lowered:
.L_overlay_start_1:
0x0: {  	(tag) =	ssettag $0x1  }
0x1: {  	s0 =	stileid.u32;
	s1 =	srdreg.scid  }
0x2: {  	s4 =	rddreg [dreg:$0x0];
	s7 =	simm.s32 $0x1;
	s31 =	simm.s32 $0x2  }
0x3: {  	s14 =	simm.s32 $0x0;
	s2 =	sshll.u32 s0, $0x5;
	s1 =	sshll.u32 s1, $0x9  }
0x4: {  	s9 =	simm.s32 $0x4000;
	s15 =	simm.s32 $0x0;
	s1 =	sor.u32 s2, s1  }
0x5: {  	s16 =	simm.s32 $0x0;
	s10 =	simm.s32 $0x0;
	s2 =	sand.u32 $0x380, s1  }
0x6: {  	s13 =	simm.s32 $0x0;
	s3 =	sadd.s32 $0x5AF600, s4;
	s5 =	ssub.s32 $0x800, s2  }
0x7: {  	s4 =	sadd.s32 $0x9AF600, s4;
	s1 =	rddreg [dreg:$0x1];
	s6 =	sand.u32 $0x380, s5  }
.Ltmp0:
0x8: {  	_ =	strace $0x80000050;
	p0 =	sne.s32 s6, $0x0;
	(pc) =	sbr.rel .LBB1_1-.Ltmp0, $4  }
0x9: {  	s11 =	smov.u32 s2;
	s8 =	sshrl.u32 s5, $0xA;
	s7 =	simm.s32 @!p0 $0x0  }
0xa: {  	s5 =	sand.u32 $0x3, s0;
	s6 =	simm.s32 $0x1;
	s7 =	sadd.s32 s7, s8  }
0xb: {  	s12 =	smov.u32 s5;
	[sflag:s6] =	ssyncpa.u1 $0x0;
	s7 =	sshll.u32 s7, $0x5  }
0xc: {  	p0 =	por $0x0, $0x0;
	[sflag:s31] =	ssyncpa.u1 $0x0;
	s8 =	sor.u32 $0x1, s7  }
.LBB1_4:
0xd: {  	s19 =	sshll.u32 s15, $0x3  }
0xe: {  	s20 =	sand.u32 $0x78, s15;
	s16 =	sshll.u32 s16, $0x12;
	s30 =	sand.u32 $0x1F00, s15  }
0xf: {  	s14 =	sshll.u32 s14, $0xD;
	s19 =	sand.u32 $0x400, s19;
	s16 =	sadd.s32 s4, s16  }
0x10: {  	s31 =	sand.u32 $0x7, s15;
	s19 =	sor.u32 s20, s19;
	s16 =	sadd.s32 s30, s16  }
0x11: {  	s15 =	sshll.u32 s31, $0x12;
	s19 =	sshrl.u32 s19, $0x3;
	s14 =	sadd.s32 s14, s16  }
0x12: {  	[tilespmem:s18+$0x0 ss:$0x81] =	vst.msk $0xffff, v0;
	s15 =	sor.u32 $0x400, s15;
	s14 =	sadd.s32 s19, s14  }
0x13: {  	[hbm4b:s14+s15] =	stream.strided.scatter [tilespmem:s17], [sflag:$0x2], $0x1000, s9, s15, $0x20;
	[tilespmem:$0x4040] =	vst v63  }
.LBB1_5:
0x14: {  	s17 =	sadd.s32 $0x1, s10  }
0x15: {  	s14 =	sadd.s32 $0x400, s11;
	s18 =	smov.u32 s11;
	p2 =	sgt.s32 s17, $0x1F  }
0x16: {  	s18 =	smov.u32 @p2 s14  }
0x17: {  	s20 =	smov.u32 s12;
	s14 =	sadd.s32 $0x4, s12;
	p3 =	sgt.s32 s18, $0x7FF  }
0x18: {  	s20 =	smov.u32 @p3 s14  }
0x19: {  	s17 =	simm.s32 @p2 $0x0;
	p2 =	sgt.s32 s20, $0x3  }
0x1a: {  	p1 =	slt.u32 s13, $0x2;
	s20 =	smov.u32 @p2 s5;
	p2 =	sne.s32 s13, s8  }
.Ltmp1:
0x1b: {  	s19 =	simm.s32 @!p1 $0x2;
	(pc) =	sbr.rel @!p2 .LBB1_6-.Ltmp1, $4  }
0x1c: {  	s15 =	smov.u32 s11;
	s16 =	smov.u32 s12;
	_ =	swait.ge @!p1 [sflag:s19], $0x1000  }
0x1d: {  	p0 =	por !p0, !p0;
	[sflag:s19] =	ssyncset.done @!p1 $0x0;
	s18 =	smov.u32 @p3 s2  }
0x1e: {  	s14 =	smov.u32 s10;
	[sflag:s19] =	ssyncadd.s32 @!p1 $0xFFFFF000;
	s10 =	smov.u32 s17  }
0x1f: {  	s11 =	smov.u32 s18;
	s13 =	sadd.s32 $0x1, s13;
	s12 =	smov.u32 s20  }
.LBB1_1:
0x20: {  	p1 =	sge.u32 s13, s7;
	s31 =	sadd.s32 $0xFFFFFFFF, s13  }
0x21: {  	s17 =	sxor.u32 @!p1 $0xFFFFFFFF, s13;
	s18 =	sshll.u32 @!p1 s12, $0x14;
	s19 =	sshll.u32 @!p1 s11, $0x9  }
0x22: {  	s20 =	sshll.u32 @!p1 s10, $0x4;
	s17 =	sshll.u32 @!p1 s17, $0xC;
	s18 =	sadd.s32 @!p1 s3, s18  }
0x23: {  	s20 =	sand.u32 @!p1 $0x1F0, s20;
	s17 =	sand.u32 @!p1 $0x1000, s17;
	s18 =	sadd.s32 @!p1 s19, s18  }
0x24: {  	s19 =	simm.s32 @!p1 $0x20;
	s18 =	sadd.s32 @!p1 s20, s18;
	s20 =	simm.s32 @!p1 $0x1000  }
0x25: {  	[tilespmem:s17], [sflag:$0x1] =	stream.strided.gather @!p1 [hbm4b:s18+s19], $0x1000, s20, s19, $0x38;
	[tilespmem:$0x4040] =	vst v63  }
0x26: {  	p1 =	sge.u32 s31, s7  }
.Ltmp2:
0x27: {  	_ = 	snop;
	(pc) =	sbr.rel @p1 .LBB1_5-.Ltmp2, $1  }
0x28: {  	_ =	sdelay $0x3  }
0x29: {  	s17 =	simm.s32 $0x1  }
0x2a: {  	_ =	swait.ge [sflag:s6], $0x1000;
	s17 =	simm.s32 @!p0 $0x0  }
0x2b: {  	[sflag:s6] =	ssyncset.done $0x0;
	s18 =	sshll.u32 s17, $0xC  }
0x2c: {  	[sflag:s6] =	ssyncadd.s32 $0xFFFFF000;
	s21 =	sor.u32 $0x10, s18  }
0x2d: {  	s17 =	smul.u32 $0x4080, s17;
	v1 =	vld [tilespmem:s21+$0x0]  }
0x2e: {  	s30 =	sand.u32 $0x1, s13;
	v0 =	vld [tilespmem:s21+$0xFFFFFFF0]  }
0x2f: {  	s18 =	smul.u32 $0x4080, s30;
	s17 =	sshrl.u32 s17, $0x2  }
0x30: {  	s19 =	sor.u32 $0x2000, s17  }
0x31: {  	s31 =	sshrl.u32 s18, $0x2;
	s18 =	sadd.s32 $0x0, s19  }
0x32: {  	s20 =	simm.s32 $0x4;
	s21 =	sadd.s32 $0x20, s21;
	s17 =	sor.u32 $0x2000, s31;
	[tilespmem:s18+$0x810 ss:$0x81] =	vst.msk $0xffff, v1  }
.LBB1_3:
0x33: {  	v1 =	vld [tilespmem:s21+$0x0];
	p1 =	sne.s32 s20, $0x1FC;
	[tilespmem:s18+$0x0 ss:$0x81] =	vst.msk $0xffff, v0;
	s18 =	smov.u32 s20;
	s20 =	sadd.s32 $0x4, s20  }
.Ltmp3:
0x34: {  	v0 =	vld [tilespmem:s21+$0xFFFFFFF0];
	(pc) =	sbr.rel @p1 .LBB1_3-.Ltmp3, $4  }
0x35: {  	_ = 	snop  }
0x36: {  	s18 =	sshra.s32 s18, $0x2  }
0x37: {  	s18 =	sadd.s32 s18, s19  }
0x38: {  	s21 =	sadd.s32 $0x20, s21;
	[tilespmem:s18+$0x810 ss:$0x81] =	vst.msk $0xffff, v1  }
.Ltmp4:
0x39: {  	_ = 	snop;
	(pc) =	sbr.rel .LBB1_4-.Ltmp4, $1  }
0x3a: {  	_ =	sdelay $0x3  }
.LBB1_6:
0x3b: {  	_ =	sfence.sel $0x180000  }
0x3c: {  	s2 =	simm.s32 $0x1;
	[bflag:$0x0] =	sbarrier.arrive $0xFFFF  }
0x3d: {  	s31 =	simm.s32 $0x2;
	[sflag:s2] =	ssyncpa.u1 $0x1  }
0x3e: {  	[sflag:s31] =	ssyncpa.u1 $0x1  }
0x3f: {  	p0 =	sne.s32 s0, $0x0;
	_ =	strace $0x90000050  }
0x40: {  	s0 =	sadd.s32 @!p0 $0x100000, s1;
	[bflag:$0x2] =	sbarrier.arrive $0xFFFF  }
0x41: {  	[sflag:s0] =	ssyncadd.tile.s32 @!p0 $0x1;
	_ =	shalt  }
.Lfunc_end1:
_tile_overlayer_lowered:
.L_overlay_start_2:
0x42: {  	(tag) =	ssettag $0x2  }
0x43: {  	s0 =	rddreg [dreg:$0x0];
	s2 =	stileid.u32  }
0x44: {  	s1 =	rddreg [dreg:$0x1];
	p0 =	sne.s32 s2, $0x0  }
0x45: {  	s3 =	rddreg [dreg:$0x2];
	[bflag:$0x3] =	sbarrier.arrive $0xFFFF;
	s2 =	simm.s32 @!p0 $0x1C01  }
0x46: {  	[timem:s3], [sflag:s2] =	dma.local @!p0 [hbm:s0], s1  }
0x47: {  	s0 =	simm.s32 @!p0 $0x1  }
0x48: {  	_ =	swait.ge @!p0 [sflag:s0], s1  }
0x49: {  	s1 =	ssub.s32 @!p0 $0x0, s1;
	[sflag:s0] =	ssyncset.done @!p0 $0x0  }
0x4a: {  	[sflag:s0] =	ssyncadd.s32 @!p0 s1  }
0x4b: {  	[bflag:$0x3] =	sbarrier.arrive $0xFFFF  }
0x4c: {  	_ =	shalt  }

</sc_bundles>
